<compile_context>
chip_gen: v7x
topology: tpu7x:2x2x1
jax: 0.10.2.dev20260603
libtpu: 0.0.44.dev20260713+nightly
codegen_flags: <defaults>
</compile_context>

<pallas_src>
import functools

import jax
import jax.numpy as jnp
from jax import lax
from jax.experimental import pallas as pl
from jax.experimental.pallas import tpu as pltpu
from jax.experimental.pallas import tpu_sc as plsc

VOCAB = 100000
EMBED = 128
CTX = 4096
B = 4
T = 4096

_info = plsc.get_sparse_core_info()
NC, NS, L = _info.num_cores, _info.num_subcores, _info.num_lanes
NW = NC * NS
TBLK = T // NW
SUB = 2
CROWS = TBLK // SUB
NCH = B * SUB


def _body(x_hbm, tok_hbm, pos_hbm, out_hbm,
          idx_v, tok_v, pos_v, sem_p, sem_o, *sems_g):
    wid = lax.axis_index("s") * NC + lax.axis_index("c")
    t0 = wid * TBLK

    i_descs = [
        pltpu.async_copy(x_hbm.at[b, pl.ds(t0, TBLK)], idx_v.at[b],
                         sems_g[NCH + b])
        for b in range(B)
    ]
    p_desc = pltpu.async_copy(pos_hbm.at[pl.ds(t0, TBLK)], pos_v, sem_p)

    g = [None] * NCH
    for k in range(NCH):
        b, off = k // SUB, (k % SUB) * CROWS
        if off == 0:
            i_descs[b].wait()
        g[k] = pltpu.async_copy(
            tok_hbm.at[idx_v.at[b, pl.ds(off, CROWS)]],
            tok_v.at[k], sems_g[k])

    o = [None] * NCH
    for k in range(NCH):
        b, off = k // SUB, (k % SUB) * CROWS
        g[k].wait()
        if k == 0:
            p_desc.wait()

        @plsc.parallel_loop(0, CROWS, unroll=4)
        def add_row(r):
            for j in range(EMBED // L):
                d = pl.ds(j * L, L)
                plsc.addupdate(tok_v.at[k, r, d], pos_v[off + r, d])

        o[k] = pltpu.async_copy(tok_v.at[k],
                                out_hbm.at[b, pl.ds(t0 + off, CROWS)],
                                sem_o)
    for k in range(NCH):
        o[k].wait()


_mesh = plsc.VectorSubcoreMesh(core_axis_name="c", subcore_axis_name="s")

_sc_call = functools.partial(
    pl.kernel,
    out_type=jax.ShapeDtypeStruct((B, T, EMBED), jnp.float32),
    mesh=_mesh,
    scratch_types=[
        pltpu.VMEM((B, TBLK), jnp.int32),
        pltpu.VMEM((NCH, CROWS, EMBED), jnp.float32),
        pltpu.VMEM((TBLK, EMBED), jnp.float32),
        pltpu.SemaphoreType.DMA,
        pltpu.SemaphoreType.DMA,
    ] + [pltpu.SemaphoreType.DMA] * (NCH + B),
)(_body)


def kernel(x, tok_table, pos_table):
    return _sc_call(x.astype(jnp.int32), tok_table, pos_table)

# --- scband reference (transcript-rebuilt; emitter-appended) ---
"""Pipeline reference for scband-embeddings-35888746726127 (READ-ONLY COPY).

The authoritative reference and input builder live on the scoring server;
editing this copy changes nothing except your own understanding.
"""

import jax, jax.numpy as jnp
import numpy as np

VOCAB = 100000
EMBED = 128
CTX = 4096
B = 4
T = 4096

def setup_inputs(seed: int = 0) -> dict:
    key = jax.random.key(seed)
    k1, k2, k3 = jax.random.split(key, 3)
    x = jax.random.randint(k1, (B, T), 0, VOCAB, dtype=jnp.int64 if jax.config.jax_enable_x64 else jnp.int32)
    tok_table = jax.random.normal(k2, (VOCAB, EMBED), dtype=jnp.float32)
    pos_table = jax.random.normal(k3, (CTX, EMBED), dtype=jnp.float32)
    return {"x": x, "tok_table": tok_table, "pos_table": pos_table}

def reference(x, tok_table, pos_table):
    # tok_emb = token_embedding(x): gather rows from tok_table
    tok_emb = jnp.take(tok_table, x, axis=0)  # [B, T, EMBED]
    num_token = x.shape[1]
    pos_ids = jnp.arange(num_token)
    pos_emb = jnp.take(pos_table, pos_ids, axis=0)  # [T, EMBED]
    return tok_emb + pos_emb[None, :, :]

if __name__ == "__main__":
    import jax
    _d = setup_inputs()
    print(jax.jit(kernel)(*tuple(_d.values())))

</pallas_src>

<mosaic_0001>
#map = affine_map<(d0, d1) -> (0, 0)>
#map1 = affine_map<(d0, d1) -> (0, 0, 0)>
module attributes {stable_mosaic.version = 14 : i64} {
  func.func @_body(%arg0: i32, %arg1: i32, %arg2: memref<4x4096xi32, #tpu.memory_space<hbm>>, %arg3: memref<100000x128xf32, #tpu.memory_space<hbm>>, %arg4: memref<4096x128xf32, #tpu.memory_space<hbm>>, %arg5: memref<4x4096x128xf32, #tpu.memory_space<hbm>>, %arg6: memref<4x128xi32, #tpu.memory_space<vmem>>, %arg7: memref<8x64x128xf32, #tpu.memory_space<vmem>>, %arg8: memref<128x128xf32, #tpu.memory_space<vmem>>, %arg9: memref<!tpu.dma_semaphore, #tpu.memory_space<semaphore_mem>>, %arg10: memref<!tpu.dma_semaphore, #tpu.memory_space<semaphore_mem>>, %arg11: memref<!tpu.dma_semaphore, #tpu.memory_space<semaphore_mem>>, %arg12: memref<!tpu.dma_semaphore, #tpu.memory_space<semaphore_mem>>, %arg13: memref<!tpu.dma_semaphore, #tpu.memory_space<semaphore_mem>>, %arg14: memref<!tpu.dma_semaphore, #tpu.memory_space<semaphore_mem>>, %arg15: memref<!tpu.dma_semaphore, #tpu.memory_space<semaphore_mem>>, %arg16: memref<!tpu.dma_semaphore, #tpu.memory_space<semaphore_mem>>, %arg17: memref<!tpu.dma_semaphore, #tpu.memory_space<semaphore_mem>>, %arg18: memref<!tpu.dma_semaphore, #tpu.memory_space<semaphore_mem>>, %arg19: memref<!tpu.dma_semaphore, #tpu.memory_space<semaphore_mem>>, %arg20: memref<!tpu.dma_semaphore, #tpu.memory_space<semaphore_mem>>, %arg21: memref<!tpu.dma_semaphore, #tpu.memory_space<semaphore_mem>>, %arg22: memref<!tpu.dma_semaphore, #tpu.memory_space<semaphore_mem>>) attributes {dimension_semantics = [#tpu.dimension_semantics<core_parallel>, #tpu.dimension_semantics<subcore_parallel>], iteration_bounds = array<i64: 2, 16>, scalar_prefetch = 0 : i64, scratch_operands = 17 : i64, tpu.core_type = #tpu.core_type<sc_vector_subcore>, window_params = [{transform_indices = #map}, {transform_indices = #map}, {transform_indices = #map}, {transform_indices = #map1}]} {
    %mul3A = arith.constant 2 : i32
    %mul3A_0 = arith.muli %arg1, %mul3A : i32
    %add3A = arith.addi %mul3A_0, %arg0 : i32
    %mul3A_1 = arith.constant 128 : i32
    %mul3A_2 = arith.muli %add3A, %mul3A_1 : i32
    %dma_start3A = arith.constant 0 : i32
    %dma_start3A_3 = arith.constant 0 : i32
    %dma_start3A_4 = arith.constant 0 : i32
    %dma_start3A_5 = tpu.memref_slice %arg6[%dma_start3A_3, %dma_start3A_4] : memref<4x128xi32, #tpu.memory_space<vmem>> -> memref<1x128xi32, #tpu.memory_space<vmem>>
    %dma_start3A_6 = tpu.memref_squeeze %dma_start3A_5 : memref<1x128xi32, #tpu.memory_space<vmem>> -> memref<128xi32, #tpu.memory_space<vmem>>
    %dma_start3A_7 = tpu.memref_slice %arg2[%dma_start3A, %mul3A_2] : memref<4x4096xi32, #tpu.memory_space<hbm>> -> memref<1x128xi32, #tpu.memory_space<hbm>>
    %dma_start3A_8 = tpu.memref_squeeze %dma_start3A_7 : memref<1x128xi32, #tpu.memory_space<hbm>> -> memref<128xi32, #tpu.memory_space<hbm>>
    %dma_start3A_9 = arith.constant 0 : i32
    %dma_start3A_10 = tpu.memref_slice %arg6[%dma_start3A_3, %dma_start3A_9] : memref<4x128xi32, #tpu.memory_space<vmem>> -> memref<1x128xi32, #tpu.memory_space<vmem>>
    %dma_start3A_11 = tpu.memref_squeeze %dma_start3A_10 : memref<1x128xi32, #tpu.memory_space<vmem>> -> memref<128xi32, #tpu.memory_space<vmem>>
    %dma_start3A_12 = tpu.memref_slice %arg2[%dma_start3A, %mul3A_2] : memref<4x4096xi32, #tpu.memory_space<hbm>> -> memref<1x128xi32, #tpu.memory_space<hbm>>
    %dma_start3A_13 = tpu.memref_squeeze %dma_start3A_12 : memref<1x128xi32, #tpu.memory_space<hbm>> -> memref<128xi32, #tpu.memory_space<hbm>>
    tpu.enqueue_dma source(%dma_start3A_13 : memref<128xi32, #tpu.memory_space<hbm>>) target(%dma_start3A_11 : memref<128xi32, #tpu.memory_space<vmem>>) target_semaphore(%arg19 : memref<!tpu.dma_semaphore, #tpu.memory_space<semaphore_mem>>)
    %dma_start3A_14 = arith.constant 1 : i32
    %dma_start3A_15 = arith.constant 1 : i32
    %dma_start3A_16 = arith.constant 0 : i32
    %dma_start3A_17 = tpu.memref_slice %arg6[%dma_start3A_15, %dma_start3A_16] : memref<4x128xi32, #tpu.memory_space<vmem>> -> memref<1x128xi32, #tpu.memory_space<vmem>>
    %dma_start3A_18 = tpu.memref_squeeze %dma_start3A_17 : memref<1x128xi32, #tpu.memory_space<vmem>> -> memref<128xi32, #tpu.memory_space<vmem>>
    %dma_start3A_19 = tpu.memref_slice %arg2[%dma_start3A_14, %mul3A_2] : memref<4x4096xi32, #tpu.memory_space<hbm>> -> memref<1x128xi32, #tpu.memory_space<hbm>>
    %dma_start3A_20 = tpu.memref_squeeze %dma_start3A_19 : memref<1x128xi32, #tpu.memory_space<hbm>> -> memref<128xi32, #tpu.memory_space<hbm>>
    %dma_start3A_21 = arith.constant 0 : i32
    %dma_start3A_22 = tpu.memref_slice %arg6[%dma_start3A_15, %dma_start3A_21] : memref<4x128xi32, #tpu.memory_space<vmem>> -> memref<1x128xi32, #tpu.memory_space<vmem>>
    %dma_start3A_23 = tpu.memref_squeeze %dma_start3A_22 : memref<1x128xi32, #tpu.memory_space<vmem>> -> memref<128xi32, #tpu.memory_space<vmem>>
    %dma_start3A_24 = tpu.memref_slice %arg2[%dma_start3A_14, %mul3A_2] : memref<4x4096xi32, #tpu.memory_space<hbm>> -> memref<1x128xi32, #tpu.memory_space<hbm>>
    %dma_start3A_25 = tpu.memref_squeeze %dma_start3A_24 : memref<1x128xi32, #tpu.memory_space<hbm>> -> memref<128xi32, #tpu.memory_space<hbm>>
    tpu.enqueue_dma source(%dma_start3A_25 : memref<128xi32, #tpu.memory_space<hbm>>) target(%dma_start3A_23 : memref<128xi32, #tpu.memory_space<vmem>>) target_semaphore(%arg20 : memref<!tpu.dma_semaphore, #tpu.memory_space<semaphore_mem>>)
    %dma_start3A_26 = arith.constant 2 : i32
    %dma_start3A_27 = arith.constant 2 : i32
    %dma_start3A_28 = arith.constant 0 : i32
    %dma_start3A_29 = tpu.memref_slice %arg6[%dma_start3A_27, %dma_start3A_28] : memref<4x128xi32, #tpu.memory_space<vmem>> -> memref<1x128xi32, #tpu.memory_space<vmem>>
    %dma_start3A_30 = tpu.memref_squeeze %dma_start3A_29 : memref<1x128xi32, #tpu.memory_space<vmem>> -> memref<128xi32, #tpu.memory_space<vmem>>
    %dma_start3A_31 = tpu.memref_slice %arg2[%dma_start3A_26, %mul3A_2] : memref<4x4096xi32, #tpu.memory_space<hbm>> -> memref<1x128xi32, #tpu.memory_space<hbm>>
    %dma_start3A_32 = tpu.memref_squeeze %dma_start3A_31 : memref<1x128xi32, #tpu.memory_space<hbm>> -> memref<128xi32, #tpu.memory_space<hbm>>
    %dma_start3A_33 = arith.constant 0 : i32
    %dma_start3A_34 = tpu.memref_slice %arg6[%dma_start3A_27, %dma_start3A_33] : memref<4x128xi32, #tpu.memory_space<vmem>> -> memref<1x128xi32, #tpu.memory_space<vmem>>
    %dma_start3A_35 = tpu.memref_squeeze %dma_start3A_34 : memref<1x128xi32, #tpu.memory_space<vmem>> -> memref<128xi32, #tpu.memory_space<vmem>>
    %dma_start3A_36 = tpu.memref_slice %arg2[%dma_start3A_26, %mul3A_2] : memref<4x4096xi32, #tpu.memory_space<hbm>> -> memref<1x128xi32, #tpu.memory_space<hbm>>
    %dma_start3A_37 = tpu.memref_squeeze %dma_start3A_36 : memref<1x128xi32, #tpu.memory_space<hbm>> -> memref<128xi32, #tpu.memory_space<hbm>>
    tpu.enqueue_dma source(%dma_start3A_37 : memref<128xi32, #tpu.memory_space<hbm>>) target(%dma_start3A_35 : memref<128xi32, #tpu.memory_space<vmem>>) target_semaphore(%arg21 : memref<!tpu.dma_semaphore, #tpu.memory_space<semaphore_mem>>)
    %dma_start3A_38 = arith.constant 3 : i32
    %dma_start3A_39 = arith.constant 3 : i32
    %dma_start3A_40 = arith.constant 0 : i32
    %dma_start3A_41 = tpu.memref_slice %arg6[%dma_start3A_39, %dma_start3A_40] : memref<4x128xi32, #tpu.memory_space<vmem>> -> memref<1x128xi32, #tpu.memory_space<vmem>>
    %dma_start3A_42 = tpu.memref_squeeze %dma_start3A_41 : memref<1x128xi32, #tpu.memory_space<vmem>> -> memref<128xi32, #tpu.memory_space<vmem>>
    %dma_start3A_43 = tpu.memref_slice %arg2[%dma_start3A_38, %mul3A_2] : memref<4x4096xi32, #tpu.memory_space<hbm>> -> memref<1x128xi32, #tpu.memory_space<hbm>>
    %dma_start3A_44 = tpu.memref_squeeze %dma_start3A_43 : memref<1x128xi32, #tpu.memory_space<hbm>> -> memref<128xi32, #tpu.memory_space<hbm>>
    %dma_start3A_45 = arith.constant 0 : i32
    %dma_start3A_46 = tpu.memref_slice %arg6[%dma_start3A_39, %dma_start3A_45] : memref<4x128xi32, #tpu.memory_space<vmem>> -> memref<1x128xi32, #tpu.memory_space<vmem>>
    %dma_start3A_47 = tpu.memref_squeeze %dma_start3A_46 : memref<1x128xi32, #tpu.memory_space<vmem>> -> memref<128xi32, #tpu.memory_space<vmem>>
    %dma_start3A_48 = tpu.memref_slice %arg2[%dma_start3A_38, %mul3A_2] : memref<4x4096xi32, #tpu.memory_space<hbm>> -> memref<1x128xi32, #tpu.memory_space<hbm>>
    %dma_start3A_49 = tpu.memref_squeeze %dma_start3A_48 : memref<1x128xi32, #tpu.memory_space<hbm>> -> memref<128xi32, #tpu.memory_space<hbm>>
    tpu.enqueue_dma source(%dma_start3A_49 : memref<128xi32, #tpu.memory_space<hbm>>) target(%dma_start3A_47 : memref<128xi32, #tpu.memory_space<vmem>>) target_semaphore(%arg22 : memref<!tpu.dma_semaphore, #tpu.memory_space<semaphore_mem>>)
    %dma_start3A_50 = arith.constant 0 : i32
    %dma_start3A_51 = tpu.memref_slice %arg4[%mul3A_2, %dma_start3A_50] : memref<4096x128xf32, #tpu.memory_space<hbm>> -> memref<128x128xf32, #tpu.memory_space<hbm>>
    %dma_start3A_52 = arith.constant 0 : i32
    %dma_start3A_53 = tpu.memref_slice %arg4[%mul3A_2, %dma_start3A_52] : memref<4096x128xf32, #tpu.memory_space<hbm>> -> memref<128x128xf32, #tpu.memory_space<hbm>>
    tpu.enqueue_dma source(%dma_start3A_53 : memref<128x128xf32, #tpu.memory_space<hbm>>) target(%arg8 : memref<128x128xf32, #tpu.memory_space<vmem>>) target_semaphore(%arg9 : memref<!tpu.dma_semaphore, #tpu.memory_space<semaphore_mem>>)
    %dma_wait3A = arith.constant 0 : i32
    %dma_wait3A_54 = arith.constant 0 : i32
    %dma_wait3A_55 = arith.constant 0 : i32
    %dma_wait3A_56 = tpu.memref_slice %arg6[%dma_wait3A_54, %dma_wait3A_55] : memref<4x128xi32, #tpu.memory_space<vmem>> -> memref<1x128xi32, #tpu.memory_space<vmem>>
    %dma_wait3A_57 = tpu.memref_squeeze %dma_wait3A_56 : memref<1x128xi32, #tpu.memory_space<vmem>> -> memref<128xi32, #tpu.memory_space<vmem>>
    %dma_wait3A_58 = tpu.memref_slice %arg2[%dma_wait3A, %mul3A_2] : memref<4x4096xi32, #tpu.memory_space<hbm>> -> memref<1x128xi32, #tpu.memory_space<hbm>>
    %dma_wait3A_59 = tpu.memref_squeeze %dma_wait3A_58 : memref<1x128xi32, #tpu.memory_space<hbm>> -> memref<128xi32, #tpu.memory_space<hbm>>
    %dma_wait3A_60 = arith.constant 0 : i32
    %dma_wait3A_61 = tpu.memref_slice %arg6[%dma_wait3A_54, %dma_wait3A_60] : memref<4x128xi32, #tpu.memory_space<vmem>> -> memref<1x128xi32, #tpu.memory_space<vmem>>
    %dma_wait3A_62 = tpu.memref_squeeze %dma_wait3A_61 : memref<1x128xi32, #tpu.memory_space<vmem>> -> memref<128xi32, #tpu.memory_space<vmem>>
    %dma_wait3A_63 = tpu.memref_slice %arg2[%dma_wait3A, %mul3A_2] : memref<4x4096xi32, #tpu.memory_space<hbm>> -> memref<1x128xi32, #tpu.memory_space<hbm>>
    %dma_wait3A_64 = tpu.memref_squeeze %dma_wait3A_63 : memref<1x128xi32, #tpu.memory_space<hbm>> -> memref<128xi32, #tpu.memory_space<hbm>>
    tpu.wait_dma2 semaphore(%arg19 : memref<!tpu.dma_semaphore, #tpu.memory_space<semaphore_mem>>) src(%dma_wait3A_64 : memref<128xi32, #tpu.memory_space<hbm>>) dst(%dma_wait3A_62 : memref<128xi32, #tpu.memory_space<vmem>>)
    %dma_start3A_65 = arith.constant 0 : i32
    %dma_start3A_66 = arith.constant 0 : i32
    %dma_start3A_67 = arith.constant 0 : i32
    %dma_start3A_68 = arith.constant 0 : i32
    %dma_start3A_69 = tpu.memref_slice %arg7[%dma_start3A_66, %dma_start3A_67, %dma_start3A_68] : memref<8x64x128xf32, #tpu.memory_space<vmem>> -> memref<1x64x128xf32, #tpu.memory_space<vmem>>
    %dma_start3A_70 = tpu.memref_squeeze %dma_start3A_69 : memref<1x64x128xf32, #tpu.memory_space<vmem>> -> memref<64x128xf32, #tpu.memory_space<vmem>>
    %dma_start3A_71 = arith.constant 0 : i32
    %dma_start3A_72 = tpu.memref_slice %arg6[%dma_start3A_65, %dma_start3A_71] : memref<4x128xi32, #tpu.memory_space<vmem>> -> memref<1x64xi32, #tpu.memory_space<vmem>>
    %dma_start3A_73 = tpu.memref_squeeze %dma_start3A_72 : memref<1x64xi32, #tpu.memory_space<vmem>> -> memref<64xi32, #tpu.memory_space<vmem>>
    %dma_start3A_74 = arith.constant 0 : i32
    %dma_start3A_75 = arith.constant 0 : i32
    %dma_start3A_76 = tpu.memref_slice %arg3[%dma_start3A_74, %dma_start3A_75] : memref<100000x128xf32, #tpu.memory_space<hbm>> -> memref<100000x128xf32, #tpu.memory_space<hbm>>
    tpu.enqueue_indirect_dma source(%dma_start3A_76 : memref<100000x128xf32, #tpu.memory_space<hbm>>) target(%dma_start3A_70 : memref<64x128xf32, #tpu.memory_space<vmem>>) offsets(%dma_start3A_73 : memref<64xi32, #tpu.memory_space<vmem>>) semaphore(%arg11 : memref<!tpu.dma_semaphore, #tpu.memory_space<semaphore_mem>>)
    %dma_start3A_77 = arith.constant 0 : i32
    %dma_start3A_78 = arith.constant 1 : i32
    %dma_start3A_79 = arith.constant 0 : i32
    %dma_start3A_80 = arith.constant 0 : i32
    %dma_start3A_81 = tpu.memref_slice %arg7[%dma_start3A_78, %dma_start3A_79, %dma_start3A_80] : memref<8x64x128xf32, #tpu.memory_space<vmem>> -> memref<1x64x128xf32, #tpu.memory_space<vmem>>
    %dma_start3A_82 = tpu.memref_squeeze %dma_start3A_81 : memref<1x64x128xf32, #tpu.memory_space<vmem>> -> memref<64x128xf32, #tpu.memory_space<vmem>>
    %dma_start3A_83 = arith.constant 64 : i32
    %dma_start3A_84 = tpu.memref_slice %arg6[%dma_start3A_77, %dma_start3A_83] : memref<4x128xi32, #tpu.memory_space<vmem>> -> memref<1x64xi32, #tpu.memory_space<vmem>>
    %dma_start3A_85 = tpu.memref_squeeze %dma_start3A_84 : memref<1x64xi32, #tpu.memory_space<vmem>> -> memref<64xi32, #tpu.memory_space<vmem>>
    %dma_start3A_86 = arith.constant 0 : i32
    %dma_start3A_87 = arith.constant 0 : i32
    %dma_start3A_88 = tpu.memref_slice %arg3[%dma_start3A_86, %dma_start3A_87] : memref<100000x128xf32, #tpu.memory_space<hbm>> -> memref<100000x128xf32, #tpu.memory_space<hbm>>
    tpu.enqueue_indirect_dma source(%dma_start3A_88 : memref<100000x128xf32, #tpu.memory_space<hbm>>) target(%dma_start3A_82 : memref<64x128xf32, #tpu.memory_space<vmem>>) offsets(%dma_start3A_85 : memref<64xi32, #tpu.memory_space<vmem>>) semaphore(%arg12 : memref<!tpu.dma_semaphore, #tpu.memory_space<semaphore_mem>>)
    %dma_wait3A_89 = arith.constant 1 : i32
    %dma_wait3A_90 = arith.constant 1 : i32
    %dma_wait3A_91 = arith.constant 0 : i32
    %dma_wait3A_92 = tpu.memref_slice %arg6[%dma_wait3A_90, %dma_wait3A_91] : memref<4x128xi32, #tpu.memory_space<vmem>> -> memref<1x128xi32, #tpu.memory_space<vmem>>
    %dma_wait3A_93 = tpu.memref_squeeze %dma_wait3A_92 : memref<1x128xi32, #tpu.memory_space<vmem>> -> memref<128xi32, #tpu.memory_space<vmem>>
    %dma_wait3A_94 = tpu.memref_slice %arg2[%dma_wait3A_89, %mul3A_2] : memref<4x4096xi32, #tpu.memory_space<hbm>> -> memref<1x128xi32, #tpu.memory_space<hbm>>
    %dma_wait3A_95 = tpu.memref_squeeze %dma_wait3A_94 : memref<1x128xi32, #tpu.memory_space<hbm>> -> memref<128xi32, #tpu.memory_space<hbm>>
    %dma_wait3A_96 = arith.constant 0 : i32
    %dma_wait3A_97 = tpu.memref_slice %arg6[%dma_wait3A_90, %dma_wait3A_96] : memref<4x128xi32, #tpu.memory_space<vmem>> -> memref<1x128xi32, #tpu.memory_space<vmem>>
    %dma_wait3A_98 = tpu.memref_squeeze %dma_wait3A_97 : memref<1x128xi32, #tpu.memory_space<vmem>> -> memref<128xi32, #tpu.memory_space<vmem>>
    %dma_wait3A_99 = tpu.memref_slice %arg2[%dma_wait3A_89, %mul3A_2] : memref<4x4096xi32, #tpu.memory_space<hbm>> -> memref<1x128xi32, #tpu.memory_space<hbm>>
    %dma_wait3A_100 = tpu.memref_squeeze %dma_wait3A_99 : memref<1x128xi32, #tpu.memory_space<hbm>> -> memref<128xi32, #tpu.memory_space<hbm>>
    tpu.wait_dma2 semaphore(%arg20 : memref<!tpu.dma_semaphore, #tpu.memory_space<semaphore_mem>>) src(%dma_wait3A_100 : memref<128xi32, #tpu.memory_space<hbm>>) dst(%dma_wait3A_98 : memref<128xi32, #tpu.memory_space<vmem>>)
    %dma_start3A_101 = arith.constant 1 : i32
    %dma_start3A_102 = arith.constant 2 : i32
    %dma_start3A_103 = arith.constant 0 : i32
    %dma_start3A_104 = arith.constant 0 : i32
    %dma_start3A_105 = tpu.memref_slice %arg7[%dma_start3A_102, %dma_start3A_103, %dma_start3A_104] : memref<8x64x128xf32, #tpu.memory_space<vmem>> -> memref<1x64x128xf32, #tpu.memory_space<vmem>>
    %dma_start3A_106 = tpu.memref_squeeze %dma_start3A_105 : memref<1x64x128xf32, #tpu.memory_space<vmem>> -> memref<64x128xf32, #tpu.memory_space<vmem>>
    %dma_start3A_107 = arith.constant 0 : i32
    %dma_start3A_108 = tpu.memref_slice %arg6[%dma_start3A_101, %dma_start3A_107] : memref<4x128xi32, #tpu.memory_space<vmem>> -> memref<1x64xi32, #tpu.memory_space<vmem>>
    %dma_start3A_109 = tpu.memref_squeeze %dma_start3A_108 : memref<1x64xi32, #tpu.memory_space<vmem>> -> memref<64xi32, #tpu.memory_space<vmem>>
    %dma_start3A_110 = arith.constant 0 : i32
    %dma_start3A_111 = arith.constant 0 : i32
    %dma_start3A_112 = tpu.memref_slice %arg3[%dma_start3A_110, %dma_start3A_111] : memref<100000x128xf32, #tpu.memory_space<hbm>> -> memref<100000x128xf32, #tpu.memory_space<hbm>>
    tpu.enqueue_indirect_dma source(%dma_start3A_112 : memref<100000x128xf32, #tpu.memory_space<hbm>>) target(%dma_start3A_106 : memref<64x128xf32, #tpu.memory_space<vmem>>) offsets(%dma_start3A_109 : memref<64xi32, #tpu.memory_space<vmem>>) semaphore(%arg13 : memref<!tpu.dma_semaphore, #tpu.memory_space<semaphore_mem>>)
    %dma_start3A_113 = arith.constant 1 : i32
    %dma_start3A_114 = arith.constant 3 : i32
    %dma_start3A_115 = arith.constant 0 : i32
    %dma_start3A_116 = arith.constant 0 : i32
    %dma_start3A_117 = tpu.memref_slice %arg7[%dma_start3A_114, %dma_start3A_115, %dma_start3A_116] : memref<8x64x128xf32, #tpu.memory_space<vmem>> -> memref<1x64x128xf32, #tpu.memory_space<vmem>>
    %dma_start3A_118 = tpu.memref_squeeze %dma_start3A_117 : memref<1x64x128xf32, #tpu.memory_space<vmem>> -> memref<64x128xf32, #tpu.memory_space<vmem>>
    %dma_start3A_119 = arith.constant 64 : i32
    %dma_start3A_120 = tpu.memref_slice %arg6[%dma_start3A_113, %dma_start3A_119] : memref<4x128xi32, #tpu.memory_space<vmem>> -> memref<1x64xi32, #tpu.memory_space<vmem>>
    %dma_start3A_121 = tpu.memref_squeeze %dma_start3A_120 : memref<1x64xi32, #tpu.memory_space<vmem>> -> memref<64xi32, #tpu.memory_space<vmem>>
    %dma_start3A_122 = arith.constant 0 : i32
    %dma_start3A_123 = arith.constant 0 : i32
    %dma_start3A_124 = tpu.memref_slice %arg3[%dma_start3A_122, %dma_start3A_123] : memref<100000x128xf32, #tpu.memory_space<hbm>> -> memref<100000x128xf32, #tpu.memory_space<hbm>>
    tpu.enqueue_indirect_dma source(%dma_start3A_124 : memref<100000x128xf32, #tpu.memory_space<hbm>>) target(%dma_start3A_118 : memref<64x128xf32, #tpu.memory_space<vmem>>) offsets(%dma_start3A_121 : memref<64xi32, #tpu.memory_space<vmem>>) semaphore(%arg14 : memref<!tpu.dma_semaphore, #tpu.memory_space<semaphore_mem>>)
    %dma_wait3A_125 = arith.constant 2 : i32
    %dma_wait3A_126 = arith.constant 2 : i32
    %dma_wait3A_127 = arith.constant 0 : i32
    %dma_wait3A_128 = tpu.memref_slice %arg6[%dma_wait3A_126, %dma_wait3A_127] : memref<4x128xi32, #tpu.memory_space<vmem>> -> memref<1x128xi32, #tpu.memory_space<vmem>>
    %dma_wait3A_129 = tpu.memref_squeeze %dma_wait3A_128 : memref<1x128xi32, #tpu.memory_space<vmem>> -> memref<128xi32, #tpu.memory_space<vmem>>
    %dma_wait3A_130 = tpu.memref_slice %arg2[%dma_wait3A_125, %mul3A_2] : memref<4x4096xi32, #tpu.memory_space<hbm>> -> memref<1x128xi32, #tpu.memory_space<hbm>>
    %dma_wait3A_131 = tpu.memref_squeeze %dma_wait3A_130 : memref<1x128xi32, #tpu.memory_space<hbm>> -> memref<128xi32, #tpu.memory_space<hbm>>
    %dma_wait3A_132 = arith.constant 0 : i32
    %dma_wait3A_133 = tpu.memref_slice %arg6[%dma_wait3A_126, %dma_wait3A_132] : memref<4x128xi32, #tpu.memory_space<vmem>> -> memref<1x128xi32, #tpu.memory_space<vmem>>
    %dma_wait3A_134 = tpu.memref_squeeze %dma_wait3A_133 : memref<1x128xi32, #tpu.memory_space<vmem>> -> memref<128xi32, #tpu.memory_space<vmem>>
    %dma_wait3A_135 = tpu.memref_slice %arg2[%dma_wait3A_125, %mul3A_2] : memref<4x4096xi32, #tpu.memory_space<hbm>> -> memref<1x128xi32, #tpu.memory_space<hbm>>
    %dma_wait3A_136 = tpu.memref_squeeze %dma_wait3A_135 : memref<1x128xi32, #tpu.memory_space<hbm>> -> memref<128xi32, #tpu.memory_space<hbm>>
    tpu.wait_dma2 semaphore(%arg21 : memref<!tpu.dma_semaphore, #tpu.memory_space<semaphore_mem>>) src(%dma_wait3A_136 : memref<128xi32, #tpu.memory_space<hbm>>) dst(%dma_wait3A_134 : memref<128xi32, #tpu.memory_space<vmem>>)
    %dma_start3A_137 = arith.constant 2 : i32
    %dma_start3A_138 = arith.constant 4 : i32
    %dma_start3A_139 = arith.constant 0 : i32
    %dma_start3A_140 = arith.constant 0 : i32
    %dma_start3A_141 = tpu.memref_slice %arg7[%dma_start3A_138, %dma_start3A_139, %dma_start3A_140] : memref<8x64x128xf32, #tpu.memory_space<vmem>> -> memref<1x64x128xf32, #tpu.memory_space<vmem>>
    %dma_start3A_142 = tpu.memref_squeeze %dma_start3A_141 : memref<1x64x128xf32, #tpu.memory_space<vmem>> -> memref<64x128xf32, #tpu.memory_space<vmem>>
    %dma_start3A_143 = arith.constant 0 : i32
    %dma_start3A_144 = tpu.memref_slice %arg6[%dma_start3A_137, %dma_start3A_143] : memref<4x128xi32, #tpu.memory_space<vmem>> -> memref<1x64xi32, #tpu.memory_space<vmem>>
    %dma_start3A_145 = tpu.memref_squeeze %dma_start3A_144 : memref<1x64xi32, #tpu.memory_space<vmem>> -> memref<64xi32, #tpu.memory_space<vmem>>
    %dma_start3A_146 = arith.constant 0 : i32
    %dma_start3A_147 = arith.constant 0 : i32
    %dma_start3A_148 = tpu.memref_slice %arg3[%dma_start3A_146, %dma_start3A_147] : memref<100000x128xf32, #tpu.memory_space<hbm>> -> memref<100000x128xf32, #tpu.memory_space<hbm>>
    tpu.enqueue_indirect_dma source(%dma_start3A_148 : memref<100000x128xf32, #tpu.memory_space<hbm>>) target(%dma_start3A_142 : memref<64x128xf32, #tpu.memory_space<vmem>>) offsets(%dma_start3A_145 : memref<64xi32, #tpu.memory_space<vmem>>) semaphore(%arg15 : memref<!tpu.dma_semaphore, #tpu.memory_space<semaphore_mem>>)
    %dma_start3A_149 = arith.constant 2 : i32
    %dma_start3A_150 = arith.constant 5 : i32
    %dma_start3A_151 = arith.constant 0 : i32
    %dma_start3A_152 = arith.constant 0 : i32
    %dma_start3A_153 = tpu.memref_slice %arg7[%dma_start3A_150, %dma_start3A_151, %dma_start3A_152] : memref<8x64x128xf32, #tpu.memory_space<vmem>> -> memref<1x64x128xf32, #tpu.memory_space<vmem>>
    %dma_start3A_154 = tpu.memref_squeeze %dma_start3A_153 : memref<1x64x128xf32, #tpu.memory_space<vmem>> -> memref<64x128xf32, #tpu.memory_space<vmem>>
    %dma_start3A_155 = arith.constant 64 : i32
    %dma_start3A_156 = tpu.memref_slice %arg6[%dma_start3A_149, %dma_start3A_155] : memref<4x128xi32, #tpu.memory_space<vmem>> -> memref<1x64xi32, #tpu.memory_space<vmem>>
    %dma_start3A_157 = tpu.memref_squeeze %dma_start3A_156 : memref<1x64xi32, #tpu.memory_space<vmem>> -> memref<64xi32, #tpu.memory_space<vmem>>
    %dma_start3A_158 = arith.constant 0 : i32
    %dma_start3A_159 = arith.constant 0 : i32
    %dma_start3A_160 = tpu.memref_slice %arg3[%dma_start3A_158, %dma_start3A_159] : memref<100000x128xf32, #tpu.memory_space<hbm>> -> memref<100000x128xf32, #tpu.memory_space<hbm>>
    tpu.enqueue_indirect_dma source(%dma_start3A_160 : memref<100000x128xf32, #tpu.memory_space<hbm>>) target(%dma_start3A_154 : memref<64x128xf32, #tpu.memory_space<vmem>>) offsets(%dma_start3A_157 : memref<64xi32, #tpu.memory_space<vmem>>) semaphore(%arg16 : memref<!tpu.dma_semaphore, #tpu.memory_space<semaphore_mem>>)
    %dma_wait3A_161 = arith.constant 3 : i32
    %dma_wait3A_162 = arith.constant 3 : i32
    %dma_wait3A_163 = arith.constant 0 : i32
    %dma_wait3A_164 = tpu.memref_slice %arg6[%dma_wait3A_162, %dma_wait3A_163] : memref<4x128xi32, #tpu.memory_space<vmem>> -> memref<1x128xi32, #tpu.memory_space<vmem>>
    %dma_wait3A_165 = tpu.memref_squeeze %dma_wait3A_164 : memref<1x128xi32, #tpu.memory_space<vmem>> -> memref<128xi32, #tpu.memory_space<vmem>>
    %dma_wait3A_166 = tpu.memref_slice %arg2[%dma_wait3A_161, %mul3A_2] : memref<4x4096xi32, #tpu.memory_space<hbm>> -> memref<1x128xi32, #tpu.memory_space<hbm>>
    %dma_wait3A_167 = tpu.memref_squeeze %dma_wait3A_166 : memref<1x128xi32, #tpu.memory_space<hbm>> -> memref<128xi32, #tpu.memory_space<hbm>>
    %dma_wait3A_168 = arith.constant 0 : i32
    %dma_wait3A_169 = tpu.memref_slice %arg6[%dma_wait3A_162, %dma_wait3A_168] : memref<4x128xi32, #tpu.memory_space<vmem>> -> memref<1x128xi32, #tpu.memory_space<vmem>>
    %dma_wait3A_170 = tpu.memref_squeeze %dma_wait3A_169 : memref<1x128xi32, #tpu.memory_space<vmem>> -> memref<128xi32, #tpu.memory_space<vmem>>
    %dma_wait3A_171 = tpu.memref_slice %arg2[%dma_wait3A_161, %mul3A_2] : memref<4x4096xi32, #tpu.memory_space<hbm>> -> memref<1x128xi32, #tpu.memory_space<hbm>>
    %dma_wait3A_172 = tpu.memref_squeeze %dma_wait3A_171 : memref<1x128xi32, #tpu.memory_space<hbm>> -> memref<128xi32, #tpu.memory_space<hbm>>
    tpu.wait_dma2 semaphore(%arg22 : memref<!tpu.dma_semaphore, #tpu.memory_space<semaphore_mem>>) src(%dma_wait3A_172 : memref<128xi32, #tpu.memory_space<hbm>>) dst(%dma_wait3A_170 : memref<128xi32, #tpu.memory_space<vmem>>)
    %dma_start3A_173 = arith.constant 3 : i32
    %dma_start3A_174 = arith.constant 6 : i32
    %dma_start3A_175 = arith.constant 0 : i32
    %dma_start3A_176 = arith.constant 0 : i32
    %dma_start3A_177 = tpu.memref_slice %arg7[%dma_start3A_174, %dma_start3A_175, %dma_start3A_176] : memref<8x64x128xf32, #tpu.memory_space<vmem>> -> memref<1x64x128xf32, #tpu.memory_space<vmem>>
    %dma_start3A_178 = tpu.memref_squeeze %dma_start3A_177 : memref<1x64x128xf32, #tpu.memory_space<vmem>> -> memref<64x128xf32, #tpu.memory_space<vmem>>
    %dma_start3A_179 = arith.constant 0 : i32
    %dma_start3A_180 = tpu.memref_slice %arg6[%dma_start3A_173, %dma_start3A_179] : memref<4x128xi32, #tpu.memory_space<vmem>> -> memref<1x64xi32, #tpu.memory_space<vmem>>
    %dma_start3A_181 = tpu.memref_squeeze %dma_start3A_180 : memref<1x64xi32, #tpu.memory_space<vmem>> -> memref<64xi32, #tpu.memory_space<vmem>>
    %dma_start3A_182 = arith.constant 0 : i32
    %dma_start3A_183 = arith.constant 0 : i32
    %dma_start3A_184 = tpu.memref_slice %arg3[%dma_start3A_182, %dma_start3A_183] : memref<100000x128xf32, #tpu.memory_space<hbm>> -> memref<100000x128xf32, #tpu.memory_space<hbm>>
    tpu.enqueue_indirect_dma source(%dma_start3A_184 : memref<100000x128xf32, #tpu.memory_space<hbm>>) target(%dma_start3A_178 : memref<64x128xf32, #tpu.memory_space<vmem>>) offsets(%dma_start3A_181 : memref<64xi32, #tpu.memory_space<vmem>>) semaphore(%arg17 : memref<!tpu.dma_semaphore, #tpu.memory_space<semaphore_mem>>)
    %dma_start3A_185 = arith.constant 3 : i32
    %dma_start3A_186 = arith.constant 7 : i32
    %dma_start3A_187 = arith.constant 0 : i32
    %dma_start3A_188 = arith.constant 0 : i32
    %dma_start3A_189 = tpu.memref_slice %arg7[%dma_start3A_186, %dma_start3A_187, %dma_start3A_188] : memref<8x64x128xf32, #tpu.memory_space<vmem>> -> memref<1x64x128xf32, #tpu.memory_space<vmem>>
    %dma_start3A_190 = tpu.memref_squeeze %dma_start3A_189 : memref<1x64x128xf32, #tpu.memory_space<vmem>> -> memref<64x128xf32, #tpu.memory_space<vmem>>
    %dma_start3A_191 = arith.constant 64 : i32
    %dma_start3A_192 = tpu.memref_slice %arg6[%dma_start3A_185, %dma_start3A_191] : memref<4x128xi32, #tpu.memory_space<vmem>> -> memref<1x64xi32, #tpu.memory_space<vmem>>
    %dma_start3A_193 = tpu.memref_squeeze %dma_start3A_192 : memref<1x64xi32, #tpu.memory_space<vmem>> -> memref<64xi32, #tpu.memory_space<vmem>>
    %dma_start3A_194 = arith.constant 0 : i32
    %dma_start3A_195 = arith.constant 0 : i32
    %dma_start3A_196 = tpu.memref_slice %arg3[%dma_start3A_194, %dma_start3A_195] : memref<100000x128xf32, #tpu.memory_space<hbm>> -> memref<100000x128xf32, #tpu.memory_space<hbm>>
    tpu.enqueue_indirect_dma source(%dma_start3A_196 : memref<100000x128xf32, #tpu.memory_space<hbm>>) target(%dma_start3A_190 : memref<64x128xf32, #tpu.memory_space<vmem>>) offsets(%dma_start3A_193 : memref<64xi32, #tpu.memory_space<vmem>>) semaphore(%arg18 : memref<!tpu.dma_semaphore, #tpu.memory_space<semaphore_mem>>)
    %dma_wait3A_197 = arith.constant 0 : i32
    %dma_wait3A_198 = arith.constant 0 : i32
    %dma_wait3A_199 = arith.constant 0 : i32
    %dma_wait3A_200 = arith.constant 0 : i32
    %dma_wait3A_201 = tpu.memref_slice %arg7[%dma_wait3A_198, %dma_wait3A_199, %dma_wait3A_200] : memref<8x64x128xf32, #tpu.memory_space<vmem>> -> memref<1x64x128xf32, #tpu.memory_space<vmem>>
    %dma_wait3A_202 = tpu.memref_squeeze %dma_wait3A_201 : memref<1x64x128xf32, #tpu.memory_space<vmem>> -> memref<64x128xf32, #tpu.memory_space<vmem>>
    %dma_wait3A_203 = arith.constant 0 : i32
    %dma_wait3A_204 = tpu.memref_slice %arg6[%dma_wait3A_197, %dma_wait3A_203] : memref<4x128xi32, #tpu.memory_space<vmem>> -> memref<1x64xi32, #tpu.memory_space<vmem>>
    %dma_wait3A_205 = tpu.memref_squeeze %dma_wait3A_204 : memref<1x64xi32, #tpu.memory_space<vmem>> -> memref<64xi32, #tpu.memory_space<vmem>>
    %dma_wait3A_206 = arith.constant 0 : i32
    %dma_wait3A_207 = arith.constant 0 : i32
    %dma_wait3A_208 = tpu.memref_slice %arg3[%dma_wait3A_206, %dma_wait3A_207] : memref<100000x128xf32, #tpu.memory_space<hbm>> -> memref<100000x128xf32, #tpu.memory_space<hbm>>
    tpu.wait_indirect_dma semaphore(%arg11 : memref<!tpu.dma_semaphore, #tpu.memory_space<semaphore_mem>>) src(%dma_wait3A_208 : memref<100000x128xf32, #tpu.memory_space<hbm>>) dst(%dma_wait3A_202 : memref<64x128xf32, #tpu.memory_space<vmem>>)
    %dma_wait3A_209 = arith.constant 0 : i32
    %dma_wait3A_210 = tpu.memref_slice %arg4[%mul3A_2, %dma_wait3A_209] : memref<4096x128xf32, #tpu.memory_space<hbm>> -> memref<128x128xf32, #tpu.memory_space<hbm>>
    %dma_wait3A_211 = arith.constant 0 : i32
    %dma_wait3A_212 = tpu.memref_slice %arg4[%mul3A_2, %dma_wait3A_211] : memref<4096x128xf32, #tpu.memory_space<hbm>> -> memref<128x128xf32, #tpu.memory_space<hbm>>
    tpu.wait_dma2 semaphore(%arg9 : memref<!tpu.dma_semaphore, #tpu.memory_space<semaphore_mem>>) src(%dma_wait3A_212 : memref<128x128xf32, #tpu.memory_space<hbm>>) dst(%arg8 : memref<128x128xf32, #tpu.memory_space<vmem>>)
    %parallel_loop3A = arith.constant 0 : i32
    %parallel_loop3A_213 = arith.constant 64 : i32
    %parallel_loop3A_214 = arith.constant 1 : i32
    scf.for %parallel_loop3A_592 = %parallel_loop3A to %parallel_loop3A_213 step %parallel_loop3A_214  : i32 {
      %parallel_loop3A_593 = arith.constant 0 : i32
      %parallel_loop3A_594 = arith.addi %parallel_loop3A_593, %parallel_loop3A_592 : i32
      %parallel_loop3A_595 = arith.index_cast %parallel_loop3A_594 : i32 to index
      %parallel_loop3A_596 = arith.constant 0 : index
      %parallel_loop3A_597 = tpu.vector_load %arg8[%parallel_loop3A_595, %parallel_loop3A_596] {strides = array<i32>} : memref<128x128xf32, #tpu.memory_space<vmem>>, vector<1x16xf32>,
      %parallel_loop3A_598 = vector.shape_cast %parallel_loop3A_597 : vector<1x16xf32> to vector<16xf32>
      %parallel_loop3A_599 = arith.constant 0 : i32
      %parallel_loop3A_600 = arith.index_cast %parallel_loop3A_599 : i32 to index
      %parallel_loop3A_601 = arith.index_cast %parallel_loop3A_592 : i32 to index
      %parallel_loop3A_602 = arith.constant 0 : index
      %parallel_loop3A_603 = tpu.vector_load %arg7[%parallel_loop3A_600, %parallel_loop3A_601, %parallel_loop3A_602] {strides = array<i32>} : memref<8x64x128xf32, #tpu.memory_space<vmem>>, vector<1x1x16xf32>,
      %parallel_loop3A_604 = vector.shape_cast %parallel_loop3A_603 : vector<1x1x16xf32> to vector<16xf32>
      %parallel_loop3A_605 = vector.shape_cast %parallel_loop3A_598 : vector<16xf32> to vector<1x1x16xf32>
      tpu.vector_store %arg7[%parallel_loop3A_600, %parallel_loop3A_601, %parallel_loop3A_602], %parallel_loop3A_605 {add = true, strides = array<i32>} : memref<8x64x128xf32, #tpu.memory_space<vmem>>, vector<1x1x16xf32>,
      %parallel_loop3A_606 = arith.constant 0 : i32
      %parallel_loop3A_607 = arith.addi %parallel_loop3A_606, %parallel_loop3A_592 : i32
      %parallel_loop3A_608 = arith.index_cast %parallel_loop3A_607 : i32 to index
      %parallel_loop3A_609 = arith.constant 16 : index
      %parallel_loop3A_610 = tpu.vector_load %arg8[%parallel_loop3A_608, %parallel_loop3A_609] {strides = array<i32>} : memref<128x128xf32, #tpu.memory_space<vmem>>, vector<1x16xf32>,
      %parallel_loop3A_611 = vector.shape_cast %parallel_loop3A_610 : vector<1x16xf32> to vector<16xf32>
      %parallel_loop3A_612 = arith.constant 0 : i32
      %parallel_loop3A_613 = arith.index_cast %parallel_loop3A_612 : i32 to index
      %parallel_loop3A_614 = arith.index_cast %parallel_loop3A_592 : i32 to index
      %parallel_loop3A_615 = arith.constant 16 : index
      %parallel_loop3A_616 = tpu.vector_load %arg7[%parallel_loop3A_613, %parallel_loop3A_614, %parallel_loop3A_615] {strides = array<i32>} : memref<8x64x128xf32, #tpu.memory_space<vmem>>, vector<1x1x16xf32>,
      %parallel_loop3A_617 = vector.shape_cast %parallel_loop3A_616 : vector<1x1x16xf32> to vector<16xf32>
      %parallel_loop3A_618 = vector.shape_cast %parallel_loop3A_611 : vector<16xf32> to vector<1x1x16xf32>
      tpu.vector_store %arg7[%parallel_loop3A_613, %parallel_loop3A_614, %parallel_loop3A_615], %parallel_loop3A_618 {add = true, strides = array<i32>} : memref<8x64x128xf32, #tpu.memory_space<vmem>>, vector<1x1x16xf32>,
      %parallel_loop3A_619 = arith.constant 0 : i32
      %parallel_loop3A_620 = arith.addi %parallel_loop3A_619, %parallel_loop3A_592 : i32
      %parallel_loop3A_621 = arith.index_cast %parallel_loop3A_620 : i32 to index
      %parallel_loop3A_622 = arith.constant 32 : index
      %parallel_loop3A_623 = tpu.vector_load %arg8[%parallel_loop3A_621, %parallel_loop3A_622] {strides = array<i32>} : memref<128x128xf32, #tpu.memory_space<vmem>>, vector<1x16xf32>,
      %parallel_loop3A_624 = vector.shape_cast %parallel_loop3A_623 : vector<1x16xf32> to vector<16xf32>
      %parallel_loop3A_625 = arith.constant 0 : i32
      %parallel_loop3A_626 = arith.index_cast %parallel_loop3A_625 : i32 to index
      %parallel_loop3A_627 = arith.index_cast %parallel_loop3A_592 : i32 to index
      %parallel_loop3A_628 = arith.constant 32 : index
      %parallel_loop3A_629 = tpu.vector_load %arg7[%parallel_loop3A_626, %parallel_loop3A_627, %parallel_loop3A_628] {strides = array<i32>} : memref<8x64x128xf32, #tpu.memory_space<vmem>>, vector<1x1x16xf32>,
      %parallel_loop3A_630 = vector.shape_cast %parallel_loop3A_629 : vector<1x1x16xf32> to vector<16xf32>
      %parallel_loop3A_631 = vector.shape_cast %parallel_loop3A_624 : vector<16xf32> to vector<1x1x16xf32>
      tpu.vector_store %arg7[%parallel_loop3A_626, %parallel_loop3A_627, %parallel_loop3A_628], %parallel_loop3A_631 {add = true, strides = array<i32>} : memref<8x64x128xf32, #tpu.memory_space<vmem>>, vector<1x1x16xf32>,
      %parallel_loop3A_632 = arith.constant 0 : i32
      %parallel_loop3A_633 = arith.addi %parallel_loop3A_632, %parallel_loop3A_592 : i32
      %parallel_loop3A_634 = arith.index_cast %parallel_loop3A_633 : i32 to index
      %parallel_loop3A_635 = arith.constant 48 : index
      %parallel_loop3A_636 = tpu.vector_load %arg8[%parallel_loop3A_634, %parallel_loop3A_635] {strides = array<i32>} : memref<128x128xf32, #tpu.memory_space<vmem>>, vector<1x16xf32>,
      %parallel_loop3A_637 = vector.shape_cast %parallel_loop3A_636 : vector<1x16xf32> to vector<16xf32>
      %parallel_loop3A_638 = arith.constant 0 : i32
      %parallel_loop3A_639 = arith.index_cast %parallel_loop3A_638 : i32 to index
      %parallel_loop3A_640 = arith.index_cast %parallel_loop3A_592 : i32 to index
      %parallel_loop3A_641 = arith.constant 48 : index
      %parallel_loop3A_642 = tpu.vector_load %arg7[%parallel_loop3A_639, %parallel_loop3A_640, %parallel_loop3A_641] {strides = array<i32>} : memref<8x64x128xf32, #tpu.memory_space<vmem>>, vector<1x1x16xf32>,
      %parallel_loop3A_643 = vector.shape_cast %parallel_loop3A_642 : vector<1x1x16xf32> to vector<16xf32>
      %parallel_loop3A_644 = vector.shape_cast %parallel_loop3A_637 : vector<16xf32> to vector<1x1x16xf32>
      tpu.vector_store %arg7[%parallel_loop3A_639, %parallel_loop3A_640, %parallel_loop3A_641], %parallel_loop3A_644 {add = true, strides = array<i32>} : memref<8x64x128xf32, #tpu.memory_space<vmem>>, vector<1x1x16xf32>,
      %parallel_loop3A_645 = arith.constant 0 : i32
      %parallel_loop3A_646 = arith.addi %parallel_loop3A_645, %parallel_loop3A_592 : i32
      %parallel_loop3A_647 = arith.index_cast %parallel_loop3A_646 : i32 to index
      %parallel_loop3A_648 = arith.constant 64 : index
      %parallel_loop3A_649 = tpu.vector_load %arg8[%parallel_loop3A_647, %parallel_loop3A_648] {strides = array<i32>} : memref<128x128xf32, #tpu.memory_space<vmem>>, vector<1x16xf32>,
      %parallel_loop3A_650 = vector.shape_cast %parallel_loop3A_649 : vector<1x16xf32> to vector<16xf32>
      %parallel_loop3A_651 = arith.constant 0 : i32
      %parallel_loop3A_652 = arith.index_cast %parallel_loop3A_651 : i32 to index
      %parallel_loop3A_653 = arith.index_cast %parallel_loop3A_592 : i32 to index
      %parallel_loop3A_654 = arith.constant 64 : index
      %parallel_loop3A_655 = tpu.vector_load %arg7[%parallel_loop3A_652, %parallel_loop3A_653, %parallel_loop3A_654] {strides = array<i32>} : memref<8x64x128xf32, #tpu.memory_space<vmem>>, vector<1x1x16xf32>,
      %parallel_loop3A_656 = vector.shape_cast %parallel_loop3A_655 : vector<1x1x16xf32> to vector<16xf32>
      %parallel_loop3A_657 = vector.shape_cast %parallel_loop3A_650 : vector<16xf32> to vector<1x1x16xf32>
      tpu.vector_store %arg7[%parallel_loop3A_652, %parallel_loop3A_653, %parallel_loop3A_654], %parallel_loop3A_657 {add = true, strides = array<i32>} : memref<8x64x128xf32, #tpu.memory_space<vmem>>, vector<1x1x16xf32>,
      %parallel_loop3A_658 = arith.constant 0 : i32
      %parallel_loop3A_659 = arith.addi %parallel_loop3A_658, %parallel_loop3A_592 : i32
      %parallel_loop3A_660 = arith.index_cast %parallel_loop3A_659 : i32 to index
      %parallel_loop3A_661 = arith.constant 80 : index
      %parallel_loop3A_662 = tpu.vector_load %arg8[%parallel_loop3A_660, %parallel_loop3A_661] {strides = array<i32>} : memref<128x128xf32, #tpu.memory_space<vmem>>, vector<1x16xf32>,
      %parallel_loop3A_663 = vector.shape_cast %parallel_loop3A_662 : vector<1x16xf32> to vector<16xf32>
      %parallel_loop3A_664 = arith.constant 0 : i32
      %parallel_loop3A_665 = arith.index_cast %parallel_loop3A_664 : i32 to index
      %parallel_loop3A_666 = arith.index_cast %parallel_loop3A_592 : i32 to index
      %parallel_loop3A_667 = arith.constant 80 : index
      %parallel_loop3A_668 = tpu.vector_load %arg7[%parallel_loop3A_665, %parallel_loop3A_666, %parallel_loop3A_667] {strides = array<i32>} : memref<8x64x128xf32, #tpu.memory_space<vmem>>, vector<1x1x16xf32>,
      %parallel_loop3A_669 = vector.shape_cast %parallel_loop3A_668 : vector<1x1x16xf32> to vector<16xf32>
      %parallel_loop3A_670 = vector.shape_cast %parallel_loop3A_663 : vector<16xf32> to vector<1x1x16xf32>
      tpu.vector_store %arg7[%parallel_loop3A_665, %parallel_loop3A_666, %parallel_loop3A_667], %parallel_loop3A_670 {add = true, strides = array<i32>} : memref<8x64x128xf32, #tpu.memory_space<vmem>>, vector<1x1x16xf32>,
      %parallel_loop3A_671 = arith.constant 0 : i32
      %parallel_loop3A_672 = arith.addi %parallel_loop3A_671, %parallel_loop3A_592 : i32
      %parallel_loop3A_673 = arith.index_cast %parallel_loop3A_672 : i32 to index
      %parallel_loop3A_674 = arith.constant 96 : index
      %parallel_loop3A_675 = tpu.vector_load %arg8[%parallel_loop3A_673, %parallel_loop3A_674] {strides = array<i32>} : memref<128x128xf32, #tpu.memory_space<vmem>>, vector<1x16xf32>,
      %parallel_loop3A_676 = vector.shape_cast %parallel_loop3A_675 : vector<1x16xf32> to vector<16xf32>
      %parallel_loop3A_677 = arith.constant 0 : i32
      %parallel_loop3A_678 = arith.index_cast %parallel_loop3A_677 : i32 to index
      %parallel_loop3A_679 = arith.index_cast %parallel_loop3A_592 : i32 to index
      %parallel_loop3A_680 = arith.constant 96 : index
      %parallel_loop3A_681 = tpu.vector_load %arg7[%parallel_loop3A_678, %parallel_loop3A_679, %parallel_loop3A_680] {strides = array<i32>} : memref<8x64x128xf32, #tpu.memory_space<vmem>>, vector<1x1x16xf32>,
      %parallel_loop3A_682 = vector.shape_cast %parallel_loop3A_681 : vector<1x1x16xf32> to vector<16xf32>
      %parallel_loop3A_683 = vector.shape_cast %parallel_loop3A_676 : vector<16xf32> to vector<1x1x16xf32>
      tpu.vector_store %arg7[%parallel_loop3A_678, %parallel_loop3A_679, %parallel_loop3A_680], %parallel_loop3A_683 {add = true, strides = array<i32>} : memref<8x64x128xf32, #tpu.memory_space<vmem>>, vector<1x1x16xf32>,
      %parallel_loop3A_684 = arith.constant 0 : i32
      %parallel_loop3A_685 = arith.addi %parallel_loop3A_684, %parallel_loop3A_592 : i32
      %parallel_loop3A_686 = arith.index_cast %parallel_loop3A_685 : i32 to index
      %parallel_loop3A_687 = arith.constant 112 : index
      %parallel_loop3A_688 = tpu.vector_load %arg8[%parallel_loop3A_686, %parallel_loop3A_687] {strides = array<i32>} : memref<128x128xf32, #tpu.memory_space<vmem>>, vector<1x16xf32>,
      %parallel_loop3A_689 = vector.shape_cast %parallel_loop3A_688 : vector<1x16xf32> to vector<16xf32>
      %parallel_loop3A_690 = arith.constant 0 : i32
      %parallel_loop3A_691 = arith.index_cast %parallel_loop3A_690 : i32 to index
      %parallel_loop3A_692 = arith.index_cast %parallel_loop3A_592 : i32 to index
      %parallel_loop3A_693 = arith.constant 112 : index
      %parallel_loop3A_694 = tpu.vector_load %arg7[%parallel_loop3A_691, %parallel_loop3A_692, %parallel_loop3A_693] {strides = array<i32>} : memref<8x64x128xf32, #tpu.memory_space<vmem>>, vector<1x1x16xf32>,
      %parallel_loop3A_695 = vector.shape_cast %parallel_loop3A_694 : vector<1x1x16xf32> to vector<16xf32>
      %parallel_loop3A_696 = vector.shape_cast %parallel_loop3A_689 : vector<16xf32> to vector<1x1x16xf32>
      tpu.vector_store %arg7[%parallel_loop3A_691, %parallel_loop3A_692, %parallel_loop3A_693], %parallel_loop3A_696 {add = true, strides = array<i32>} : memref<8x64x128xf32, #tpu.memory_space<vmem>>, vector<1x1x16xf32>,
    } {sc.loop_unroll_factor = 4 : i64, sc.parallel_access}
    %add3A_215 = arith.constant 0 : i32
    %add3A_216 = arith.addi %mul3A_2, %add3A_215 : i32
    %dma_start3A_217 = arith.constant 0 : i32
    %dma_start3A_218 = arith.constant 0 : i32
    %dma_start3A_219 = arith.constant 0 : i32
    %dma_start3A_220 = arith.constant 0 : i32
    %dma_start3A_221 = tpu.memref_slice %arg7[%dma_start3A_217, %dma_start3A_219, %dma_start3A_220] : memref<8x64x128xf32, #tpu.memory_space<vmem>> -> memref<1x64x128xf32, #tpu.memory_space<vmem>>
    %dma_start3A_222 = tpu.memref_squeeze %dma_start3A_221 : memref<1x64x128xf32, #tpu.memory_space<vmem>> -> memref<64x128xf32, #tpu.memory_space<vmem>>
    %dma_start3A_223 = arith.constant 0 : i32
    %dma_start3A_224 = tpu.memref_slice %arg5[%dma_start3A_218, %add3A_216, %dma_start3A_223] : memref<4x4096x128xf32, #tpu.memory_space<hbm>> -> memref<1x64x128xf32, #tpu.memory_space<hbm>>
    %dma_start3A_225 = tpu.memref_squeeze %dma_start3A_224 : memref<1x64x128xf32, #tpu.memory_space<hbm>> -> memref<64x128xf32, #tpu.memory_space<hbm>>
    %dma_start3A_226 = arith.constant 0 : i32
    %dma_start3A_227 = tpu.memref_slice %arg5[%dma_start3A_218, %add3A_216, %dma_start3A_226] : memref<4x4096x128xf32, #tpu.memory_space<hbm>> -> memref<1x64x128xf32, #tpu.memory_space<hbm>>
    %dma_start3A_228 = tpu.memref_squeeze %dma_start3A_227 : memref<1x64x128xf32, #tpu.memory_space<hbm>> -> memref<64x128xf32, #tpu.memory_space<hbm>>
    %dma_start3A_229 = arith.constant 0 : i32
    %dma_start3A_230 = arith.constant 0 : i32
    %dma_start3A_231 = tpu.memref_slice %arg7[%dma_start3A_217, %dma_start3A_229, %dma_start3A_230] : memref<8x64x128xf32, #tpu.memory_space<vmem>> -> memref<1x64x128xf32, #tpu.memory_space<vmem>>
    %dma_start3A_232 = tpu.memref_squeeze %dma_start3A_231 : memref<1x64x128xf32, #tpu.memory_space<vmem>> -> memref<64x128xf32, #tpu.memory_space<vmem>>
    tpu.enqueue_dma source(%dma_start3A_232 : memref<64x128xf32, #tpu.memory_space<vmem>>) target(%dma_start3A_228 : memref<64x128xf32, #tpu.memory_space<hbm>>) target_semaphore(%arg10 : memref<!tpu.dma_semaphore, #tpu.memory_space<semaphore_mem>>)
    %dma_wait3A_233 = arith.constant 0 : i32
    %dma_wait3A_234 = arith.constant 1 : i32
    %dma_wait3A_235 = arith.constant 0 : i32
    %dma_wait3A_236 = arith.constant 0 : i32
    %dma_wait3A_237 = tpu.memref_slice %arg7[%dma_wait3A_234, %dma_wait3A_235, %dma_wait3A_236] : memref<8x64x128xf32, #tpu.memory_space<vmem>> -> memref<1x64x128xf32, #tpu.memory_space<vmem>>
    %dma_wait3A_238 = tpu.memref_squeeze %dma_wait3A_237 : memref<1x64x128xf32, #tpu.memory_space<vmem>> -> memref<64x128xf32, #tpu.memory_space<vmem>>
    %dma_wait3A_239 = arith.constant 64 : i32
    %dma_wait3A_240 = tpu.memref_slice %arg6[%dma_wait3A_233, %dma_wait3A_239] : memref<4x128xi32, #tpu.memory_space<vmem>> -> memref<1x64xi32, #tpu.memory_space<vmem>>
    %dma_wait3A_241 = tpu.memref_squeeze %dma_wait3A_240 : memref<1x64xi32, #tpu.memory_space<vmem>> -> memref<64xi32, #tpu.memory_space<vmem>>
    %dma_wait3A_242 = arith.constant 0 : i32
    %dma_wait3A_243 = arith.constant 0 : i32
    %dma_wait3A_244 = tpu.memref_slice %arg3[%dma_wait3A_242, %dma_wait3A_243] : memref<100000x128xf32, #tpu.memory_space<hbm>> -> memref<100000x128xf32, #tpu.memory_space<hbm>>
    tpu.wait_indirect_dma semaphore(%arg12 : memref<!tpu.dma_semaphore, #tpu.memory_space<semaphore_mem>>) src(%dma_wait3A_244 : memref<100000x128xf32, #tpu.memory_space<hbm>>) dst(%dma_wait3A_238 : memref<64x128xf32, #tpu.memory_space<vmem>>)
    %parallel_loop3A_245 = arith.constant 0 : i32
    %parallel_loop3A_246 = arith.constant 64 : i32
    %parallel_loop3A_247 = arith.constant 1 : i32
    scf.for %parallel_loop3A_592 = %parallel_loop3A_245 to %parallel_loop3A_246 step %parallel_loop3A_247  : i32 {
      %parallel_loop3A_593 = arith.constant 64 : i32
      %parallel_loop3A_594 = arith.addi %parallel_loop3A_593, %parallel_loop3A_592 : i32
      %parallel_loop3A_595 = arith.index_cast %parallel_loop3A_594 : i32 to index
      %parallel_loop3A_596 = arith.constant 0 : index
      %parallel_loop3A_597 = tpu.vector_load %arg8[%parallel_loop3A_595, %parallel_loop3A_596] {strides = array<i32>} : memref<128x128xf32, #tpu.memory_space<vmem>>, vector<1x16xf32>,
      %parallel_loop3A_598 = vector.shape_cast %parallel_loop3A_597 : vector<1x16xf32> to vector<16xf32>
      %parallel_loop3A_599 = arith.constant 1 : i32
      %parallel_loop3A_600 = arith.index_cast %parallel_loop3A_599 : i32 to index
      %parallel_loop3A_601 = arith.index_cast %parallel_loop3A_592 : i32 to index
      %parallel_loop3A_602 = arith.constant 0 : index
      %parallel_loop3A_603 = tpu.vector_load %arg7[%parallel_loop3A_600, %parallel_loop3A_601, %parallel_loop3A_602] {strides = array<i32>} : memref<8x64x128xf32, #tpu.memory_space<vmem>>, vector<1x1x16xf32>,
      %parallel_loop3A_604 = vector.shape_cast %parallel_loop3A_603 : vector<1x1x16xf32> to vector<16xf32>
      %parallel_loop3A_605 = vector.shape_cast %parallel_loop3A_598 : vector<16xf32> to vector<1x1x16xf32>
      tpu.vector_store %arg7[%parallel_loop3A_600, %parallel_loop3A_601, %parallel_loop3A_602], %parallel_loop3A_605 {add = true, strides = array<i32>} : memref<8x64x128xf32, #tpu.memory_space<vmem>>, vector<1x1x16xf32>,
      %parallel_loop3A_606 = arith.constant 64 : i32
      %parallel_loop3A_607 = arith.addi %parallel_loop3A_606, %parallel_loop3A_592 : i32
      %parallel_loop3A_608 = arith.index_cast %parallel_loop3A_607 : i32 to index
      %parallel_loop3A_609 = arith.constant 16 : index
      %parallel_loop3A_610 = tpu.vector_load %arg8[%parallel_loop3A_608, %parallel_loop3A_609] {strides = array<i32>} : memref<128x128xf32, #tpu.memory_space<vmem>>, vector<1x16xf32>,
      %parallel_loop3A_611 = vector.shape_cast %parallel_loop3A_610 : vector<1x16xf32> to vector<16xf32>
      %parallel_loop3A_612 = arith.constant 1 : i32
      %parallel_loop3A_613 = arith.index_cast %parallel_loop3A_612 : i32 to index
      %parallel_loop3A_614 = arith.index_cast %parallel_loop3A_592 : i32 to index
      %parallel_loop3A_615 = arith.constant 16 : index
      %parallel_loop3A_616 = tpu.vector_load %arg7[%parallel_loop3A_613, %parallel_loop3A_614, %parallel_loop3A_615] {strides = array<i32>} : memref<8x64x128xf32, #tpu.memory_space<vmem>>, vector<1x1x16xf32>,
      %parallel_loop3A_617 = vector.shape_cast %parallel_loop3A_616 : vector<1x1x16xf32> to vector<16xf32>
      %parallel_loop3A_618 = vector.shape_cast %parallel_loop3A_611 : vector<16xf32> to vector<1x1x16xf32>
      tpu.vector_store %arg7[%parallel_loop3A_613, %parallel_loop3A_614, %parallel_loop3A_615], %parallel_loop3A_618 {add = true, strides = array<i32>} : memref<8x64x128xf32, #tpu.memory_space<vmem>>, vector<1x1x16xf32>,
      %parallel_loop3A_619 = arith.constant 64 : i32
      %parallel_loop3A_620 = arith.addi %parallel_loop3A_619, %parallel_loop3A_592 : i32
      %parallel_loop3A_621 = arith.index_cast %parallel_loop3A_620 : i32 to index
      %parallel_loop3A_622 = arith.constant 32 : index
      %parallel_loop3A_623 = tpu.vector_load %arg8[%parallel_loop3A_621, %parallel_loop3A_622] {strides = array<i32>} : memref<128x128xf32, #tpu.memory_space<vmem>>, vector<1x16xf32>,
      %parallel_loop3A_624 = vector.shape_cast %parallel_loop3A_623 : vector<1x16xf32> to vector<16xf32>
      %parallel_loop3A_625 = arith.constant 1 : i32
      %parallel_loop3A_626 = arith.index_cast %parallel_loop3A_625 : i32 to index
      %parallel_loop3A_627 = arith.index_cast %parallel_loop3A_592 : i32 to index
      %parallel_loop3A_628 = arith.constant 32 : index
      %parallel_loop3A_629 = tpu.vector_load %arg7[%parallel_loop3A_626, %parallel_loop3A_627, %parallel_loop3A_628] {strides = array<i32>} : memref<8x64x128xf32, #tpu.memory_space<vmem>>, vector<1x1x16xf32>,
      %parallel_loop3A_630 = vector.shape_cast %parallel_loop3A_629 : vector<1x1x16xf32> to vector<16xf32>
      %parallel_loop3A_631 = vector.shape_cast %parallel_loop3A_624 : vector<16xf32> to vector<1x1x16xf32>
      tpu.vector_store %arg7[%parallel_loop3A_626, %parallel_loop3A_627, %parallel_loop3A_628], %parallel_loop3A_631 {add = true, strides = array<i32>} : memref<8x64x128xf32, #tpu.memory_space<vmem>>, vector<1x1x16xf32>,
      %parallel_loop3A_632 = arith.constant 64 : i32
      %parallel_loop3A_633 = arith.addi %parallel_loop3A_632, %parallel_loop3A_592 : i32
      %parallel_loop3A_634 = arith.index_cast %parallel_loop3A_633 : i32 to index
      %parallel_loop3A_635 = arith.constant 48 : index
      %parallel_loop3A_636 = tpu.vector_load %arg8[%parallel_loop3A_634, %parallel_loop3A_635] {strides = array<i32>} : memref<128x128xf32, #tpu.memory_space<vmem>>, vector<1x16xf32>,
      %parallel_loop3A_637 = vector.shape_cast %parallel_loop3A_636 : vector<1x16xf32> to vector<16xf32>
      %parallel_loop3A_638 = arith.constant 1 : i32
      %parallel_loop3A_639 = arith.index_cast %parallel_loop3A_638 : i32 to index
      %parallel_loop3A_640 = arith.index_cast %parallel_loop3A_592 : i32 to index
      %parallel_loop3A_641 = arith.constant 48 : index
      %parallel_loop3A_642 = tpu.vector_load %arg7[%parallel_loop3A_639, %parallel_loop3A_640, %parallel_loop3A_641] {strides = array<i32>} : memref<8x64x128xf32, #tpu.memory_space<vmem>>, vector<1x1x16xf32>,
      %parallel_loop3A_643 = vector.shape_cast %parallel_loop3A_642 : vector<1x1x16xf32> to vector<16xf32>
      %parallel_loop3A_644 = vector.shape_cast %parallel_loop3A_637 : vector<16xf32> to vector<1x1x16xf32>
      tpu.vector_store %arg7[%parallel_loop3A_639, %parallel_loop3A_640, %parallel_loop3A_641], %parallel_loop3A_644 {add = true, strides = array<i32>} : memref<8x64x128xf32, #tpu.memory_space<vmem>>, vector<1x1x16xf32>,
      %parallel_loop3A_645 = arith.constant 64 : i32
      %parallel_loop3A_646 = arith.addi %parallel_loop3A_645, %parallel_loop3A_592 : i32
      %parallel_loop3A_647 = arith.index_cast %parallel_loop3A_646 : i32 to index
      %parallel_loop3A_648 = arith.constant 64 : index
      %parallel_loop3A_649 = tpu.vector_load %arg8[%parallel_loop3A_647, %parallel_loop3A_648] {strides = array<i32>} : memref<128x128xf32, #tpu.memory_space<vmem>>, vector<1x16xf32>,
      %parallel_loop3A_650 = vector.shape_cast %parallel_loop3A_649 : vector<1x16xf32> to vector<16xf32>
      %parallel_loop3A_651 = arith.constant 1 : i32
      %parallel_loop3A_652 = arith.index_cast %parallel_loop3A_651 : i32 to index
      %parallel_loop3A_653 = arith.index_cast %parallel_loop3A_592 : i32 to index
      %parallel_loop3A_654 = arith.constant 64 : index
      %parallel_loop3A_655 = tpu.vector_load %arg7[%parallel_loop3A_652, %parallel_loop3A_653, %parallel_loop3A_654] {strides = array<i32>} : memref<8x64x128xf32, #tpu.memory_space<vmem>>, vector<1x1x16xf32>,
      %parallel_loop3A_656 = vector.shape_cast %parallel_loop3A_655 : vector<1x1x16xf32> to vector<16xf32>
      %parallel_loop3A_657 = vector.shape_cast %parallel_loop3A_650 : vector<16xf32> to vector<1x1x16xf32>
      tpu.vector_store %arg7[%parallel_loop3A_652, %parallel_loop3A_653, %parallel_loop3A_654], %parallel_loop3A_657 {add = true, strides = array<i32>} : memref<8x64x128xf32, #tpu.memory_space<vmem>>, vector<1x1x16xf32>,
      %parallel_loop3A_658 = arith.constant 64 : i32
      %parallel_loop3A_659 = arith.addi %parallel_loop3A_658, %parallel_loop3A_592 : i32
      %parallel_loop3A_660 = arith.index_cast %parallel_loop3A_659 : i32 to index
      %parallel_loop3A_661 = arith.constant 80 : index
      %parallel_loop3A_662 = tpu.vector_load %arg8[%parallel_loop3A_660, %parallel_loop3A_661] {strides = array<i32>} : memref<128x128xf32, #tpu.memory_space<vmem>>, vector<1x16xf32>,
      %parallel_loop3A_663 = vector.shape_cast %parallel_loop3A_662 : vector<1x16xf32> to vector<16xf32>
      %parallel_loop3A_664 = arith.constant 1 : i32
      %parallel_loop3A_665 = arith.index_cast %parallel_loop3A_664 : i32 to index
      %parallel_loop3A_666 = arith.index_cast %parallel_loop3A_592 : i32 to index
      %parallel_loop3A_667 = arith.constant 80 : index
      %parallel_loop3A_668 = tpu.vector_load %arg7[%parallel_loop3A_665, %parallel_loop3A_666, %parallel_loop3A_667] {strides = array<i32>} : memref<8x64x128xf32, #tpu.memory_space<vmem>>, vector<1x1x16xf32>,
      %parallel_loop3A_669 = vector.shape_cast %parallel_loop3A_668 : vector<1x1x16xf32> to vector<16xf32>
      %parallel_loop3A_670 = vector.shape_cast %parallel_loop3A_663 : vector<16xf32> to vector<1x1x16xf32>
      tpu.vector_store %arg7[%parallel_loop3A_665, %parallel_loop3A_666, %parallel_loop3A_667], %parallel_loop3A_670 {add = true, strides = array<i32>} : memref<8x64x128xf32, #tpu.memory_space<vmem>>, vector<1x1x16xf32>,
      %parallel_loop3A_671 = arith.constant 64 : i32
      %parallel_loop3A_672 = arith.addi %parallel_loop3A_671, %parallel_loop3A_592 : i32
      %parallel_loop3A_673 = arith.index_cast %parallel_loop3A_672 : i32 to index
      %parallel_loop3A_674 = arith.constant 96 : index
      %parallel_loop3A_675 = tpu.vector_load %arg8[%parallel_loop3A_673, %parallel_loop3A_674] {strides = array<i32>} : memref<128x128xf32, #tpu.memory_space<vmem>>, vector<1x16xf32>,
      %parallel_loop3A_676 = vector.shape_cast %parallel_loop3A_675 : vector<1x16xf32> to vector<16xf32>
      %parallel_loop3A_677 = arith.constant 1 : i32
      %parallel_loop3A_678 = arith.index_cast %parallel_loop3A_677 : i32 to index
      %parallel_loop3A_679 = arith.index_cast %parallel_loop3A_592 : i32 to index
      %parallel_loop3A_680 = arith.constant 96 : index
      %parallel_loop3A_681 = tpu.vector_load %arg7[%parallel_loop3A_678, %parallel_loop3A_679, %parallel_loop3A_680] {strides = array<i32>} : memref<8x64x128xf32, #tpu.memory_space<vmem>>, vector<1x1x16xf32>,
      %parallel_loop3A_682 = vector.shape_cast %parallel_loop3A_681 : vector<1x1x16xf32> to vector<16xf32>
      %parallel_loop3A_683 = vector.shape_cast %parallel_loop3A_676 : vector<16xf32> to vector<1x1x16xf32>
      tpu.vector_store %arg7[%parallel_loop3A_678, %parallel_loop3A_679, %parallel_loop3A_680], %parallel_loop3A_683 {add = true, strides = array<i32>} : memref<8x64x128xf32, #tpu.memory_space<vmem>>, vector<1x1x16xf32>,
      %parallel_loop3A_684 = arith.constant 64 : i32
      %parallel_loop3A_685 = arith.addi %parallel_loop3A_684, %parallel_loop3A_592 : i32
      %parallel_loop3A_686 = arith.index_cast %parallel_loop3A_685 : i32 to index
      %parallel_loop3A_687 = arith.constant 112 : index
      %parallel_loop3A_688 = tpu.vector_load %arg8[%parallel_loop3A_686, %parallel_loop3A_687] {strides = array<i32>} : memref<128x128xf32, #tpu.memory_space<vmem>>, vector<1x16xf32>,
      %parallel_loop3A_689 = vector.shape_cast %parallel_loop3A_688 : vector<1x16xf32> to vector<16xf32>
      %parallel_loop3A_690 = arith.constant 1 : i32
      %parallel_loop3A_691 = arith.index_cast %parallel_loop3A_690 : i32 to index
      %parallel_loop3A_692 = arith.index_cast %parallel_loop3A_592 : i32 to index
      %parallel_loop3A_693 = arith.constant 112 : index
      %parallel_loop3A_694 = tpu.vector_load %arg7[%parallel_loop3A_691, %parallel_loop3A_692, %parallel_loop3A_693] {strides = array<i32>} : memref<8x64x128xf32, #tpu.memory_space<vmem>>, vector<1x1x16xf32>,
      %parallel_loop3A_695 = vector.shape_cast %parallel_loop3A_694 : vector<1x1x16xf32> to vector<16xf32>
      %parallel_loop3A_696 = vector.shape_cast %parallel_loop3A_689 : vector<16xf32> to vector<1x1x16xf32>
      tpu.vector_store %arg7[%parallel_loop3A_691, %parallel_loop3A_692, %parallel_loop3A_693], %parallel_loop3A_696 {add = true, strides = array<i32>} : memref<8x64x128xf32, #tpu.memory_space<vmem>>, vector<1x1x16xf32>,
    } {sc.loop_unroll_factor = 4 : i64, sc.parallel_access}
    %add3A_248 = arith.constant 64 : i32
    %add3A_249 = arith.addi %mul3A_2, %add3A_248 : i32
    %dma_start3A_250 = arith.constant 1 : i32
    %dma_start3A_251 = arith.constant 0 : i32
    %dma_start3A_252 = arith.constant 0 : i32
    %dma_start3A_253 = arith.constant 0 : i32
    %dma_start3A_254 = tpu.memref_slice %arg7[%dma_start3A_250, %dma_start3A_252, %dma_start3A_253] : memref<8x64x128xf32, #tpu.memory_space<vmem>> -> memref<1x64x128xf32, #tpu.memory_space<vmem>>
    %dma_start3A_255 = tpu.memref_squeeze %dma_start3A_254 : memref<1x64x128xf32, #tpu.memory_space<vmem>> -> memref<64x128xf32, #tpu.memory_space<vmem>>
    %dma_start3A_256 = arith.constant 0 : i32
    %dma_start3A_257 = tpu.memref_slice %arg5[%dma_start3A_251, %add3A_249, %dma_start3A_256] : memref<4x4096x128xf32, #tpu.memory_space<hbm>> -> memref<1x64x128xf32, #tpu.memory_space<hbm>>
    %dma_start3A_258 = tpu.memref_squeeze %dma_start3A_257 : memref<1x64x128xf32, #tpu.memory_space<hbm>> -> memref<64x128xf32, #tpu.memory_space<hbm>>
    %dma_start3A_259 = arith.constant 0 : i32
    %dma_start3A_260 = tpu.memref_slice %arg5[%dma_start3A_251, %add3A_249, %dma_start3A_259] : memref<4x4096x128xf32, #tpu.memory_space<hbm>> -> memref<1x64x128xf32, #tpu.memory_space<hbm>>
    %dma_start3A_261 = tpu.memref_squeeze %dma_start3A_260 : memref<1x64x128xf32, #tpu.memory_space<hbm>> -> memref<64x128xf32, #tpu.memory_space<hbm>>
    %dma_start3A_262 = arith.constant 0 : i32
    %dma_start3A_263 = arith.constant 0 : i32
    %dma_start3A_264 = tpu.memref_slice %arg7[%dma_start3A_250, %dma_start3A_262, %dma_start3A_263] : memref<8x64x128xf32, #tpu.memory_space<vmem>> -> memref<1x64x128xf32, #tpu.memory_space<vmem>>
    %dma_start3A_265 = tpu.memref_squeeze %dma_start3A_264 : memref<1x64x128xf32, #tpu.memory_space<vmem>> -> memref<64x128xf32, #tpu.memory_space<vmem>>
    tpu.enqueue_dma source(%dma_start3A_265 : memref<64x128xf32, #tpu.memory_space<vmem>>) target(%dma_start3A_261 : memref<64x128xf32, #tpu.memory_space<hbm>>) target_semaphore(%arg10 : memref<!tpu.dma_semaphore, #tpu.memory_space<semaphore_mem>>)
    %dma_wait3A_266 = arith.constant 1 : i32
    %dma_wait3A_267 = arith.constant 2 : i32
    %dma_wait3A_268 = arith.constant 0 : i32
    %dma_wait3A_269 = arith.constant 0 : i32
    %dma_wait3A_270 = tpu.memref_slice %arg7[%dma_wait3A_267, %dma_wait3A_268, %dma_wait3A_269] : memref<8x64x128xf32, #tpu.memory_space<vmem>> -> memref<1x64x128xf32, #tpu.memory_space<vmem>>
    %dma_wait3A_271 = tpu.memref_squeeze %dma_wait3A_270 : memref<1x64x128xf32, #tpu.memory_space<vmem>> -> memref<64x128xf32, #tpu.memory_space<vmem>>
    %dma_wait3A_272 = arith.constant 0 : i32
    %dma_wait3A_273 = tpu.memref_slice %arg6[%dma_wait3A_266, %dma_wait3A_272] : memref<4x128xi32, #tpu.memory_space<vmem>> -> memref<1x64xi32, #tpu.memory_space<vmem>>
    %dma_wait3A_274 = tpu.memref_squeeze %dma_wait3A_273 : memref<1x64xi32, #tpu.memory_space<vmem>> -> memref<64xi32, #tpu.memory_space<vmem>>
    %dma_wait3A_275 = arith.constant 0 : i32
    %dma_wait3A_276 = arith.constant 0 : i32
    %dma_wait3A_277 = tpu.memref_slice %arg3[%dma_wait3A_275, %dma_wait3A_276] : memref<100000x128xf32, #tpu.memory_space<hbm>> -> memref<100000x128xf32, #tpu.memory_space<hbm>>
    tpu.wait_indirect_dma semaphore(%arg13 : memref<!tpu.dma_semaphore, #tpu.memory_space<semaphore_mem>>) src(%dma_wait3A_277 : memref<100000x128xf32, #tpu.memory_space<hbm>>) dst(%dma_wait3A_271 : memref<64x128xf32, #tpu.memory_space<vmem>>)
    %parallel_loop3A_278 = arith.constant 0 : i32
    %parallel_loop3A_279 = arith.constant 64 : i32
    %parallel_loop3A_280 = arith.constant 1 : i32
    scf.for %parallel_loop3A_592 = %parallel_loop3A_278 to %parallel_loop3A_279 step %parallel_loop3A_280  : i32 {
      %parallel_loop3A_593 = arith.constant 0 : i32
      %parallel_loop3A_594 = arith.addi %parallel_loop3A_593, %parallel_loop3A_592 : i32
      %parallel_loop3A_595 = arith.index_cast %parallel_loop3A_594 : i32 to index
      %parallel_loop3A_596 = arith.constant 0 : index
      %parallel_loop3A_597 = tpu.vector_load %arg8[%parallel_loop3A_595, %parallel_loop3A_596] {strides = array<i32>} : memref<128x128xf32, #tpu.memory_space<vmem>>, vector<1x16xf32>,
      %parallel_loop3A_598 = vector.shape_cast %parallel_loop3A_597 : vector<1x16xf32> to vector<16xf32>
      %parallel_loop3A_599 = arith.constant 2 : i32
      %parallel_loop3A_600 = arith.index_cast %parallel_loop3A_599 : i32 to index
      %parallel_loop3A_601 = arith.index_cast %parallel_loop3A_592 : i32 to index
      %parallel_loop3A_602 = arith.constant 0 : index
      %parallel_loop3A_603 = tpu.vector_load %arg7[%parallel_loop3A_600, %parallel_loop3A_601, %parallel_loop3A_602] {strides = array<i32>} : memref<8x64x128xf32, #tpu.memory_space<vmem>>, vector<1x1x16xf32>,
      %parallel_loop3A_604 = vector.shape_cast %parallel_loop3A_603 : vector<1x1x16xf32> to vector<16xf32>
      %parallel_loop3A_605 = vector.shape_cast %parallel_loop3A_598 : vector<16xf32> to vector<1x1x16xf32>
      tpu.vector_store %arg7[%parallel_loop3A_600, %parallel_loop3A_601, %parallel_loop3A_602], %parallel_loop3A_605 {add = true, strides = array<i32>} : memref<8x64x128xf32, #tpu.memory_space<vmem>>, vector<1x1x16xf32>,
      %parallel_loop3A_606 = arith.constant 0 : i32
      %parallel_loop3A_607 = arith.addi %parallel_loop3A_606, %parallel_loop3A_592 : i32
      %parallel_loop3A_608 = arith.index_cast %parallel_loop3A_607 : i32 to index
      %parallel_loop3A_609 = arith.constant 16 : index
      %parallel_loop3A_610 = tpu.vector_load %arg8[%parallel_loop3A_608, %parallel_loop3A_609] {strides = array<i32>} : memref<128x128xf32, #tpu.memory_space<vmem>>, vector<1x16xf32>,
      %parallel_loop3A_611 = vector.shape_cast %parallel_loop3A_610 : vector<1x16xf32> to vector<16xf32>
      %parallel_loop3A_612 = arith.constant 2 : i32
      %parallel_loop3A_613 = arith.index_cast %parallel_loop3A_612 : i32 to index
      %parallel_loop3A_614 = arith.index_cast %parallel_loop3A_592 : i32 to index
      %parallel_loop3A_615 = arith.constant 16 : index
      %parallel_loop3A_616 = tpu.vector_load %arg7[%parallel_loop3A_613, %parallel_loop3A_614, %parallel_loop3A_615] {strides = array<i32>} : memref<8x64x128xf32, #tpu.memory_space<vmem>>, vector<1x1x16xf32>,
      %parallel_loop3A_617 = vector.shape_cast %parallel_loop3A_616 : vector<1x1x16xf32> to vector<16xf32>
      %parallel_loop3A_618 = vector.shape_cast %parallel_loop3A_611 : vector<16xf32> to vector<1x1x16xf32>
      tpu.vector_store %arg7[%parallel_loop3A_613, %parallel_loop3A_614, %parallel_loop3A_615], %parallel_loop3A_618 {add = true, strides = array<i32>} : memref<8x64x128xf32, #tpu.memory_space<vmem>>, vector<1x1x16xf32>,
      %parallel_loop3A_619 = arith.constant 0 : i32
      %parallel_loop3A_620 = arith.addi %parallel_loop3A_619, %parallel_loop3A_592 : i32
      %parallel_loop3A_621 = arith.index_cast %parallel_loop3A_620 : i32 to index
      %parallel_loop3A_622 = arith.constant 32 : index
      %parallel_loop3A_623 = tpu.vector_load %arg8[%parallel_loop3A_621, %parallel_loop3A_622] {strides = array<i32>} : memref<128x128xf32, #tpu.memory_space<vmem>>, vector<1x16xf32>,
      %parallel_loop3A_624 = vector.shape_cast %parallel_loop3A_623 : vector<1x16xf32> to vector<16xf32>
      %parallel_loop3A_625 = arith.constant 2 : i32
      %parallel_loop3A_626 = arith.index_cast %parallel_loop3A_625 : i32 to index
      %parallel_loop3A_627 = arith.index_cast %parallel_loop3A_592 : i32 to index
      %parallel_loop3A_628 = arith.constant 32 : index
      %parallel_loop3A_629 = tpu.vector_load %arg7[%parallel_loop3A_626, %parallel_loop3A_627, %parallel_loop3A_628] {strides = array<i32>} : memref<8x64x128xf32, #tpu.memory_space<vmem>>, vector<1x1x16xf32>,
      %parallel_loop3A_630 = vector.shape_cast %parallel_loop3A_629 : vector<1x1x16xf32> to vector<16xf32>
      %parallel_loop3A_631 = vector.shape_cast %parallel_loop3A_624 : vector<16xf32> to vector<1x1x16xf32>
      tpu.vector_store %arg7[%parallel_loop3A_626, %parallel_loop3A_627, %parallel_loop3A_628], %parallel_loop3A_631 {add = true, strides = array<i32>} : memref<8x64x128xf32, #tpu.memory_space<vmem>>, vector<1x1x16xf32>,
      %parallel_loop3A_632 = arith.constant 0 : i32
      %parallel_loop3A_633 = arith.addi %parallel_loop3A_632, %parallel_loop3A_592 : i32
      %parallel_loop3A_634 = arith.index_cast %parallel_loop3A_633 : i32 to index
      %parallel_loop3A_635 = arith.constant 48 : index
      %parallel_loop3A_636 = tpu.vector_load %arg8[%parallel_loop3A_634, %parallel_loop3A_635] {strides = array<i32>} : memref<128x128xf32, #tpu.memory_space<vmem>>, vector<1x16xf32>,
      %parallel_loop3A_637 = vector.shape_cast %parallel_loop3A_636 : vector<1x16xf32> to vector<16xf32>
      %parallel_loop3A_638 = arith.constant 2 : i32
      %parallel_loop3A_639 = arith.index_cast %parallel_loop3A_638 : i32 to index
      %parallel_loop3A_640 = arith.index_cast %parallel_loop3A_592 : i32 to index
      %parallel_loop3A_641 = arith.constant 48 : index
      %parallel_loop3A_642 = tpu.vector_load %arg7[%parallel_loop3A_639, %parallel_loop3A_640, %parallel_loop3A_641] {strides = array<i32>} : memref<8x64x128xf32, #tpu.memory_space<vmem>>, vector<1x1x16xf32>,
      %parallel_loop3A_643 = vector.shape_cast %parallel_loop3A_642 : vector<1x1x16xf32> to vector<16xf32>
      %parallel_loop3A_644 = vector.shape_cast %parallel_loop3A_637 : vector<16xf32> to vector<1x1x16xf32>
      tpu.vector_store %arg7[%parallel_loop3A_639, %parallel_loop3A_640, %parallel_loop3A_641], %parallel_loop3A_644 {add = true, strides = array<i32>} : memref<8x64x128xf32, #tpu.memory_space<vmem>>, vector<1x1x16xf32>,
      %parallel_loop3A_645 = arith.constant 0 : i32
      %parallel_loop3A_646 = arith.addi %parallel_loop3A_645, %parallel_loop3A_592 : i32
      %parallel_loop3A_647 = arith.index_cast %parallel_loop3A_646 : i32 to index
      %parallel_loop3A_648 = arith.constant 64 : index
      %parallel_loop3A_649 = tpu.vector_load %arg8[%parallel_loop3A_647, %parallel_loop3A_648] {strides = array<i32>} : memref<128x128xf32, #tpu.memory_space<vmem>>, vector<1x16xf32>,
      %parallel_loop3A_650 = vector.shape_cast %parallel_loop3A_649 : vector<1x16xf32> to vector<16xf32>
      %parallel_loop3A_651 = arith.constant 2 : i32
      %parallel_loop3A_652 = arith.index_cast %parallel_loop3A_651 : i32 to index
      %parallel_loop3A_653 = arith.index_cast %parallel_loop3A_592 : i32 to index
      %parallel_loop3A_654 = arith.constant 64 : index
      %parallel_loop3A_655 = tpu.vector_load %arg7[%parallel_loop3A_652, %parallel_loop3A_653, %parallel_loop3A_654] {strides = array<i32>} : memref<8x64x128xf32, #tpu.memory_space<vmem>>, vector<1x1x16xf32>,
      %parallel_loop3A_656 = vector.shape_cast %parallel_loop3A_655 : vector<1x1x16xf32> to vector<16xf32>
      %parallel_loop3A_657 = vector.shape_cast %parallel_loop3A_650 : vector<16xf32> to vector<1x1x16xf32>
      tpu.vector_store %arg7[%parallel_loop3A_652, %parallel_loop3A_653, %parallel_loop3A_654], %parallel_loop3A_657 {add = true, strides = array<i32>} : memref<8x64x128xf32, #tpu.memory_space<vmem>>, vector<1x1x16xf32>,
      %parallel_loop3A_658 = arith.constant 0 : i32
      %parallel_loop3A_659 = arith.addi %parallel_loop3A_658, %parallel_loop3A_592 : i32
      %parallel_loop3A_660 = arith.index_cast %parallel_loop3A_659 : i32 to index
      %parallel_loop3A_661 = arith.constant 80 : index
      %parallel_loop3A_662 = tpu.vector_load %arg8[%parallel_loop3A_660, %parallel_loop3A_661] {strides = array<i32>} : memref<128x128xf32, #tpu.memory_space<vmem>>, vector<1x16xf32>,
      %parallel_loop3A_663 = vector.shape_cast %parallel_loop3A_662 : vector<1x16xf32> to vector<16xf32>
      %parallel_loop3A_664 = arith.constant 2 : i32
      %parallel_loop3A_665 = arith.index_cast %parallel_loop3A_664 : i32 to index
      %parallel_loop3A_666 = arith.index_cast %parallel_loop3A_592 : i32 to index
      %parallel_loop3A_667 = arith.constant 80 : index
      %parallel_loop3A_668 = tpu.vector_load %arg7[%parallel_loop3A_665, %parallel_loop3A_666, %parallel_loop3A_667] {strides = array<i32>} : memref<8x64x128xf32, #tpu.memory_space<vmem>>, vector<1x1x16xf32>,
      %parallel_loop3A_669 = vector.shape_cast %parallel_loop3A_668 : vector<1x1x16xf32> to vector<16xf32>
      %parallel_loop3A_670 = vector.shape_cast %parallel_loop3A_663 : vector<16xf32> to vector<1x1x16xf32>
      tpu.vector_store %arg7[%parallel_loop3A_665, %parallel_loop3A_666, %parallel_loop3A_667], %parallel_loop3A_670 {add = true, strides = array<i32>} : memref<8x64x128xf32, #tpu.memory_space<vmem>>, vector<1x1x16xf32>,
      %parallel_loop3A_671 = arith.constant 0 : i32
      %parallel_loop3A_672 = arith.addi %parallel_loop3A_671, %parallel_loop3A_592 : i32
      %parallel_loop3A_673 = arith.index_cast %parallel_loop3A_672 : i32 to index
      %parallel_loop3A_674 = arith.constant 96 : index
      %parallel_loop3A_675 = tpu.vector_load %arg8[%parallel_loop3A_673, %parallel_loop3A_674] {strides = array<i32>} : memref<128x128xf32, #tpu.memory_space<vmem>>, vector<1x16xf32>,
      %parallel_loop3A_676 = vector.shape_cast %parallel_loop3A_675 : vector<1x16xf32> to vector<16xf32>
      %parallel_loop3A_677 = arith.constant 2 : i32
      %parallel_loop3A_678 = arith.index_cast %parallel_loop3A_677 : i32 to index
      %parallel_loop3A_679 = arith.index_cast %parallel_loop3A_592 : i32 to index
      %parallel_loop3A_680 = arith.constant 96 : index
      %parallel_loop3A_681 = tpu.vector_load %arg7[%parallel_loop3A_678, %parallel_loop3A_679, %parallel_loop3A_680] {strides = array<i32>} : memref<8x64x128xf32, #tpu.memory_space<vmem>>, vector<1x1x16xf32>,
      %parallel_loop3A_682 = vector.shape_cast %parallel_loop3A_681 : vector<1x1x16xf32> to vector<16xf32>
      %parallel_loop3A_683 = vector.shape_cast %parallel_loop3A_676 : vector<16xf32> to vector<1x1x16xf32>
      tpu.vector_store %arg7[%parallel_loop3A_678, %parallel_loop3A_679, %parallel_loop3A_680], %parallel_loop3A_683 {add = true, strides = array<i32>} : memref<8x64x128xf32, #tpu.memory_space<vmem>>, vector<1x1x16xf32>,
      %parallel_loop3A_684 = arith.constant 0 : i32
      %parallel_loop3A_685 = arith.addi %parallel_loop3A_684, %parallel_loop3A_592 : i32
      %parallel_loop3A_686 = arith.index_cast %parallel_loop3A_685 : i32 to index
      %parallel_loop3A_687 = arith.constant 112 : index
      %parallel_loop3A_688 = tpu.vector_load %arg8[%parallel_loop3A_686, %parallel_loop3A_687] {strides = array<i32>} : memref<128x128xf32, #tpu.memory_space<vmem>>, vector<1x16xf32>,
      %parallel_loop3A_689 = vector.shape_cast %parallel_loop3A_688 : vector<1x16xf32> to vector<16xf32>
      %parallel_loop3A_690 = arith.constant 2 : i32
      %parallel_loop3A_691 = arith.index_cast %parallel_loop3A_690 : i32 to index
      %parallel_loop3A_692 = arith.index_cast %parallel_loop3A_592 : i32 to index
      %parallel_loop3A_693 = arith.constant 112 : index
      %parallel_loop3A_694 = tpu.vector_load %arg7[%parallel_loop3A_691, %parallel_loop3A_692, %parallel_loop3A_693] {strides = array<i32>} : memref<8x64x128xf32, #tpu.memory_space<vmem>>, vector<1x1x16xf32>,
      %parallel_loop3A_695 = vector.shape_cast %parallel_loop3A_694 : vector<1x1x16xf32> to vector<16xf32>
      %parallel_loop3A_696 = vector.shape_cast %parallel_loop3A_689 : vector<16xf32> to vector<1x1x16xf32>
      tpu.vector_store %arg7[%parallel_loop3A_691, %parallel_loop3A_692, %parallel_loop3A_693], %parallel_loop3A_696 {add = true, strides = array<i32>} : memref<8x64x128xf32, #tpu.memory_space<vmem>>, vector<1x1x16xf32>,
    } {sc.loop_unroll_factor = 4 : i64, sc.parallel_access}
    %add3A_281 = arith.constant 0 : i32
    %add3A_282 = arith.addi %mul3A_2, %add3A_281 : i32
    %dma_start3A_283 = arith.constant 2 : i32
    %dma_start3A_284 = arith.constant 1 : i32
    %dma_start3A_285 = arith.constant 0 : i32
    %dma_start3A_286 = arith.constant 0 : i32
    %dma_start3A_287 = tpu.memref_slice %arg7[%dma_start3A_283, %dma_start3A_285, %dma_start3A_286] : memref<8x64x128xf32, #tpu.memory_space<vmem>> -> memref<1x64x128xf32, #tpu.memory_space<vmem>>
    %dma_start3A_288 = tpu.memref_squeeze %dma_start3A_287 : memref<1x64x128xf32, #tpu.memory_space<vmem>> -> memref<64x128xf32, #tpu.memory_space<vmem>>
    %dma_start3A_289 = arith.constant 0 : i32
    %dma_start3A_290 = tpu.memref_slice %arg5[%dma_start3A_284, %add3A_282, %dma_start3A_289] : memref<4x4096x128xf32, #tpu.memory_space<hbm>> -> memref<1x64x128xf32, #tpu.memory_space<hbm>>
    %dma_start3A_291 = tpu.memref_squeeze %dma_start3A_290 : memref<1x64x128xf32, #tpu.memory_space<hbm>> -> memref<64x128xf32, #tpu.memory_space<hbm>>
    %dma_start3A_292 = arith.constant 0 : i32
    %dma_start3A_293 = tpu.memref_slice %arg5[%dma_start3A_284, %add3A_282, %dma_start3A_292] : memref<4x4096x128xf32, #tpu.memory_space<hbm>> -> memref<1x64x128xf32, #tpu.memory_space<hbm>>
    %dma_start3A_294 = tpu.memref_squeeze %dma_start3A_293 : memref<1x64x128xf32, #tpu.memory_space<hbm>> -> memref<64x128xf32, #tpu.memory_space<hbm>>
    %dma_start3A_295 = arith.constant 0 : i32
    %dma_start3A_296 = arith.constant 0 : i32
    %dma_start3A_297 = tpu.memref_slice %arg7[%dma_start3A_283, %dma_start3A_295, %dma_start3A_296] : memref<8x64x128xf32, #tpu.memory_space<vmem>> -> memref<1x64x128xf32, #tpu.memory_space<vmem>>
    %dma_start3A_298 = tpu.memref_squeeze %dma_start3A_297 : memref<1x64x128xf32, #tpu.memory_space<vmem>> -> memref<64x128xf32, #tpu.memory_space<vmem>>
    tpu.enqueue_dma source(%dma_start3A_298 : memref<64x128xf32, #tpu.memory_space<vmem>>) target(%dma_start3A_294 : memref<64x128xf32, #tpu.memory_space<hbm>>) target_semaphore(%arg10 : memref<!tpu.dma_semaphore, #tpu.memory_space<semaphore_mem>>)
    %dma_wait3A_299 = arith.constant 1 : i32
    %dma_wait3A_300 = arith.constant 3 : i32
    %dma_wait3A_301 = arith.constant 0 : i32
    %dma_wait3A_302 = arith.constant 0 : i32
    %dma_wait3A_303 = tpu.memref_slice %arg7[%dma_wait3A_300, %dma_wait3A_301, %dma_wait3A_302] : memref<8x64x128xf32, #tpu.memory_space<vmem>> -> memref<1x64x128xf32, #tpu.memory_space<vmem>>
    %dma_wait3A_304 = tpu.memref_squeeze %dma_wait3A_303 : memref<1x64x128xf32, #tpu.memory_space<vmem>> -> memref<64x128xf32, #tpu.memory_space<vmem>>
    %dma_wait3A_305 = arith.constant 64 : i32
    %dma_wait3A_306 = tpu.memref_slice %arg6[%dma_wait3A_299, %dma_wait3A_305] : memref<4x128xi32, #tpu.memory_space<vmem>> -> memref<1x64xi32, #tpu.memory_space<vmem>>
    %dma_wait3A_307 = tpu.memref_squeeze %dma_wait3A_306 : memref<1x64xi32, #tpu.memory_space<vmem>> -> memref<64xi32, #tpu.memory_space<vmem>>
    %dma_wait3A_308 = arith.constant 0 : i32
    %dma_wait3A_309 = arith.constant 0 : i32
    %dma_wait3A_310 = tpu.memref_slice %arg3[%dma_wait3A_308, %dma_wait3A_309] : memref<100000x128xf32, #tpu.memory_space<hbm>> -> memref<100000x128xf32, #tpu.memory_space<hbm>>
    tpu.wait_indirect_dma semaphore(%arg14 : memref<!tpu.dma_semaphore, #tpu.memory_space<semaphore_mem>>) src(%dma_wait3A_310 : memref<100000x128xf32, #tpu.memory_space<hbm>>) dst(%dma_wait3A_304 : memref<64x128xf32, #tpu.memory_space<vmem>>)
    %parallel_loop3A_311 = arith.constant 0 : i32
    %parallel_loop3A_312 = arith.constant 64 : i32
    %parallel_loop3A_313 = arith.constant 1 : i32
    scf.for %parallel_loop3A_592 = %parallel_loop3A_311 to %parallel_loop3A_312 step %parallel_loop3A_313  : i32 {
      %parallel_loop3A_593 = arith.constant 64 : i32
      %parallel_loop3A_594 = arith.addi %parallel_loop3A_593, %parallel_loop3A_592 : i32
      %parallel_loop3A_595 = arith.index_cast %parallel_loop3A_594 : i32 to index
      %parallel_loop3A_596 = arith.constant 0 : index
      %parallel_loop3A_597 = tpu.vector_load %arg8[%parallel_loop3A_595, %parallel_loop3A_596] {strides = array<i32>} : memref<128x128xf32, #tpu.memory_space<vmem>>, vector<1x16xf32>,
      %parallel_loop3A_598 = vector.shape_cast %parallel_loop3A_597 : vector<1x16xf32> to vector<16xf32>
      %parallel_loop3A_599 = arith.constant 3 : i32
      %parallel_loop3A_600 = arith.index_cast %parallel_loop3A_599 : i32 to index
      %parallel_loop3A_601 = arith.index_cast %parallel_loop3A_592 : i32 to index
      %parallel_loop3A_602 = arith.constant 0 : index
      %parallel_loop3A_603 = tpu.vector_load %arg7[%parallel_loop3A_600, %parallel_loop3A_601, %parallel_loop3A_602] {strides = array<i32>} : memref<8x64x128xf32, #tpu.memory_space<vmem>>, vector<1x1x16xf32>,
      %parallel_loop3A_604 = vector.shape_cast %parallel_loop3A_603 : vector<1x1x16xf32> to vector<16xf32>
      %parallel_loop3A_605 = vector.shape_cast %parallel_loop3A_598 : vector<16xf32> to vector<1x1x16xf32>
      tpu.vector_store %arg7[%parallel_loop3A_600, %parallel_loop3A_601, %parallel_loop3A_602], %parallel_loop3A_605 {add = true, strides = array<i32>} : memref<8x64x128xf32, #tpu.memory_space<vmem>>, vector<1x1x16xf32>,
      %parallel_loop3A_606 = arith.constant 64 : i32
      %parallel_loop3A_607 = arith.addi %parallel_loop3A_606, %parallel_loop3A_592 : i32
      %parallel_loop3A_608 = arith.index_cast %parallel_loop3A_607 : i32 to index
      %parallel_loop3A_609 = arith.constant 16 : index
      %parallel_loop3A_610 = tpu.vector_load %arg8[%parallel_loop3A_608, %parallel_loop3A_609] {strides = array<i32>} : memref<128x128xf32, #tpu.memory_space<vmem>>, vector<1x16xf32>,
      %parallel_loop3A_611 = vector.shape_cast %parallel_loop3A_610 : vector<1x16xf32> to vector<16xf32>
      %parallel_loop3A_612 = arith.constant 3 : i32
      %parallel_loop3A_613 = arith.index_cast %parallel_loop3A_612 : i32 to index
      %parallel_loop3A_614 = arith.index_cast %parallel_loop3A_592 : i32 to index
      %parallel_loop3A_615 = arith.constant 16 : index
      %parallel_loop3A_616 = tpu.vector_load %arg7[%parallel_loop3A_613, %parallel_loop3A_614, %parallel_loop3A_615] {strides = array<i32>} : memref<8x64x128xf32, #tpu.memory_space<vmem>>, vector<1x1x16xf32>,
      %parallel_loop3A_617 = vector.shape_cast %parallel_loop3A_616 : vector<1x1x16xf32> to vector<16xf32>
      %parallel_loop3A_618 = vector.shape_cast %parallel_loop3A_611 : vector<16xf32> to vector<1x1x16xf32>
      tpu.vector_store %arg7[%parallel_loop3A_613, %parallel_loop3A_614, %parallel_loop3A_615], %parallel_loop3A_618 {add = true, strides = array<i32>} : memref<8x64x128xf32, #tpu.memory_space<vmem>>, vector<1x1x16xf32>,
      %parallel_loop3A_619 = arith.constant 64 : i32
      %parallel_loop3A_620 = arith.addi %parallel_loop3A_619, %parallel_loop3A_592 : i32
      %parallel_loop3A_621 = arith.index_cast %parallel_loop3A_620 : i32 to index
      %parallel_loop3A_622 = arith.constant 32 : index
      %parallel_loop3A_623 = tpu.vector_load %arg8[%parallel_loop3A_621, %parallel_loop3A_622] {strides = array<i32>} : memref<128x128xf32, #tpu.memory_space<vmem>>, vector<1x16xf32>,
      %parallel_loop3A_624 = vector.shape_cast %parallel_loop3A_623 : vector<1x16xf32> to vector<16xf32>
      %parallel_loop3A_625 = arith.constant 3 : i32
      %parallel_loop3A_626 = arith.index_cast %parallel_loop3A_625 : i32 to index
      %parallel_loop3A_627 = arith.index_cast %parallel_loop3A_592 : i32 to index
      %parallel_loop3A_628 = arith.constant 32 : index
      %parallel_loop3A_629 = tpu.vector_load %arg7[%parallel_loop3A_626, %parallel_loop3A_627, %parallel_loop3A_628] {strides = array<i32>} : memref<8x64x128xf32, #tpu.memory_space<vmem>>, vector<1x1x16xf32>,
      %parallel_loop3A_630 = vector.shape_cast %parallel_loop3A_629 : vector<1x1x16xf32> to vector<16xf32>
      %parallel_loop3A_631 = vector.shape_cast %parallel_loop3A_624 : vector<16xf32> to vector<1x1x16xf32>
      tpu.vector_store %arg7[%parallel_loop3A_626, %parallel_loop3A_627, %parallel_loop3A_628], %parallel_loop3A_631 {add = true, strides = array<i32>} : memref<8x64x128xf32, #tpu.memory_space<vmem>>, vector<1x1x16xf32>,
      %parallel_loop3A_632 = arith.constant 64 : i32
      %parallel_loop3A_633 = arith.addi %parallel_loop3A_632, %parallel_loop3A_592 : i32
      %parallel_loop3A_634 = arith.index_cast %parallel_loop3A_633 : i32 to index
      %parallel_loop3A_635 = arith.constant 48 : index
      %parallel_loop3A_636 = tpu.vector_load %arg8[%parallel_loop3A_634, %parallel_loop3A_635] {strides = array<i32>} : memref<128x128xf32, #tpu.memory_space<vmem>>, vector<1x16xf32>,
      %parallel_loop3A_637 = vector.shape_cast %parallel_loop3A_636 : vector<1x16xf32> to vector<16xf32>
      %parallel_loop3A_638 = arith.constant 3 : i32
      %parallel_loop3A_639 = arith.index_cast %parallel_loop3A_638 : i32 to index
      %parallel_loop3A_640 = arith.index_cast %parallel_loop3A_592 : i32 to index
      %parallel_loop3A_641 = arith.constant 48 : index
      %parallel_loop3A_642 = tpu.vector_load %arg7[%parallel_loop3A_639, %parallel_loop3A_640, %parallel_loop3A_641] {strides = array<i32>} : memref<8x64x128xf32, #tpu.memory_space<vmem>>, vector<1x1x16xf32>,
      %parallel_loop3A_643 = vector.shape_cast %parallel_loop3A_642 : vector<1x1x16xf32> to vector<16xf32>
      %parallel_loop3A_644 = vector.shape_cast %parallel_loop3A_637 : vector<16xf32> to vector<1x1x16xf32>
      tpu.vector_store %arg7[%parallel_loop3A_639, %parallel_loop3A_640, %parallel_loop3A_641], %parallel_loop3A_644 {add = true, strides = array<i32>} : memref<8x64x128xf32, #tpu.memory_space<vmem>>, vector<1x1x16xf32>,
      %parallel_loop3A_645 = arith.constant 64 : i32
      %parallel_loop3A_646 = arith.addi %parallel_loop3A_645, %parallel_loop3A_592 : i32
      %parallel_loop3A_647 = arith.index_cast %parallel_loop3A_646 : i32 to index
      %parallel_loop3A_648 = arith.constant 64 : index
      %parallel_loop3A_649 = tpu.vector_load %arg8[%parallel_loop3A_647, %parallel_loop3A_648] {strides = array<i32>} : memref<128x128xf32, #tpu.memory_space<vmem>>, vector<1x16xf32>,
      %parallel_loop3A_650 = vector.shape_cast %parallel_loop3A_649 : vector<1x16xf32> to vector<16xf32>
      %parallel_loop3A_651 = arith.constant 3 : i32
      %parallel_loop3A_652 = arith.index_cast %parallel_loop3A_651 : i32 to index
      %parallel_loop3A_653 = arith.index_cast %parallel_loop3A_592 : i32 to index
      %parallel_loop3A_654 = arith.constant 64 : index
      %parallel_loop3A_655 = tpu.vector_load %arg7[%parallel_loop3A_652, %parallel_loop3A_653, %parallel_loop3A_654] {strides = array<i32>} : memref<8x64x128xf32, #tpu.memory_space<vmem>>, vector<1x1x16xf32>,
      %parallel_loop3A_656 = vector.shape_cast %parallel_loop3A_655 : vector<1x1x16xf32> to vector<16xf32>
      %parallel_loop3A_657 = vector.shape_cast %parallel_loop3A_650 : vector<16xf32> to vector<1x1x16xf32>
      tpu.vector_store %arg7[%parallel_loop3A_652, %parallel_loop3A_653, %parallel_loop3A_654], %parallel_loop3A_657 {add = true, strides = array<i32>} : memref<8x64x128xf32, #tpu.memory_space<vmem>>, vector<1x1x16xf32>,
      %parallel_loop3A_658 = arith.constant 64 : i32
      %parallel_loop3A_659 = arith.addi %parallel_loop3A_658, %parallel_loop3A_592 : i32
      %parallel_loop3A_660 = arith.index_cast %parallel_loop3A_659 : i32 to index
      %parallel_loop3A_661 = arith.constant 80 : index
      %parallel_loop3A_662 = tpu.vector_load %arg8[%parallel_loop3A_660, %parallel_loop3A_661] {strides = array<i32>} : memref<128x128xf32, #tpu.memory_space<vmem>>, vector<1x16xf32>,
      %parallel_loop3A_663 = vector.shape_cast %parallel_loop3A_662 : vector<1x16xf32> to vector<16xf32>
      %parallel_loop3A_664 = arith.constant 3 : i32
      %parallel_loop3A_665 = arith.index_cast %parallel_loop3A_664 : i32 to index
      %parallel_loop3A_666 = arith.index_cast %parallel_loop3A_592 : i32 to index
      %parallel_loop3A_667 = arith.constant 80 : index
      %parallel_loop3A_668 = tpu.vector_load %arg7[%parallel_loop3A_665, %parallel_loop3A_666, %parallel_loop3A_667] {strides = array<i32>} : memref<8x64x128xf32, #tpu.memory_space<vmem>>, vector<1x1x16xf32>,
      %parallel_loop3A_669 = vector.shape_cast %parallel_loop3A_668 : vector<1x1x16xf32> to vector<16xf32>
      %parallel_loop3A_670 = vector.shape_cast %parallel_loop3A_663 : vector<16xf32> to vector<1x1x16xf32>
      tpu.vector_store %arg7[%parallel_loop3A_665, %parallel_loop3A_666, %parallel_loop3A_667], %parallel_loop3A_670 {add = true, strides = array<i32>} : memref<8x64x128xf32, #tpu.memory_space<vmem>>, vector<1x1x16xf32>,
      %parallel_loop3A_671 = arith.constant 64 : i32
      %parallel_loop3A_672 = arith.addi %parallel_loop3A_671, %parallel_loop3A_592 : i32
      %parallel_loop3A_673 = arith.index_cast %parallel_loop3A_672 : i32 to index
      %parallel_loop3A_674 = arith.constant 96 : index
      %parallel_loop3A_675 = tpu.vector_load %arg8[%parallel_loop3A_673, %parallel_loop3A_674] {strides = array<i32>} : memref<128x128xf32, #tpu.memory_space<vmem>>, vector<1x16xf32>,
      %parallel_loop3A_676 = vector.shape_cast %parallel_loop3A_675 : vector<1x16xf32> to vector<16xf32>
      %parallel_loop3A_677 = arith.constant 3 : i32
      %parallel_loop3A_678 = arith.index_cast %parallel_loop3A_677 : i32 to index
      %parallel_loop3A_679 = arith.index_cast %parallel_loop3A_592 : i32 to index
      %parallel_loop3A_680 = arith.constant 96 : index
      %parallel_loop3A_681 = tpu.vector_load %arg7[%parallel_loop3A_678, %parallel_loop3A_679, %parallel_loop3A_680] {strides = array<i32>} : memref<8x64x128xf32, #tpu.memory_space<vmem>>, vector<1x1x16xf32>,
      %parallel_loop3A_682 = vector.shape_cast %parallel_loop3A_681 : vector<1x1x16xf32> to vector<16xf32>
      %parallel_loop3A_683 = vector.shape_cast %parallel_loop3A_676 : vector<16xf32> to vector<1x1x16xf32>
      tpu.vector_store %arg7[%parallel_loop3A_678, %parallel_loop3A_679, %parallel_loop3A_680], %parallel_loop3A_683 {add = true, strides = array<i32>} : memref<8x64x128xf32, #tpu.memory_space<vmem>>, vector<1x1x16xf32>,
      %parallel_loop3A_684 = arith.constant 64 : i32
      %parallel_loop3A_685 = arith.addi %parallel_loop3A_684, %parallel_loop3A_592 : i32
      %parallel_loop3A_686 = arith.index_cast %parallel_loop3A_685 : i32 to index
      %parallel_loop3A_687 = arith.constant 112 : index
      %parallel_loop3A_688 = tpu.vector_load %arg8[%parallel_loop3A_686, %parallel_loop3A_687] {strides = array<i32>} : memref<128x128xf32, #tpu.memory_space<vmem>>, vector<1x16xf32>,
      %parallel_loop3A_689 = vector.shape_cast %parallel_loop3A_688 : vector<1x16xf32> to vector<16xf32>
      %parallel_loop3A_690 = arith.constant 3 : i32
      %parallel_loop3A_691 = arith.index_cast %parallel_loop3A_690 : i32 to index
      %parallel_loop3A_692 = arith.index_cast %parallel_loop3A_592 : i32 to index
      %parallel_loop3A_693 = arith.constant 112 : index
      %parallel_loop3A_694 = tpu.vector_load %arg7[%parallel_loop3A_691, %parallel_loop3A_692, %parallel_loop3A_693] {strides = array<i32>} : memref<8x64x128xf32, #tpu.memory_space<vmem>>, vector<1x1x16xf32>,
      %parallel_loop3A_695 = vector.shape_cast %parallel_loop3A_694 : vector<1x1x16xf32> to vector<16xf32>
      %parallel_loop3A_696 = vector.shape_cast %parallel_loop3A_689 : vector<16xf32> to vector<1x1x16xf32>
      tpu.vector_store %arg7[%parallel_loop3A_691, %parallel_loop3A_692, %parallel_loop3A_693], %parallel_loop3A_696 {add = true, strides = array<i32>} : memref<8x64x128xf32, #tpu.memory_space<vmem>>, vector<1x1x16xf32>,
    } {sc.loop_unroll_factor = 4 : i64, sc.parallel_access}
    %add3A_314 = arith.constant 64 : i32
    %add3A_315 = arith.addi %mul3A_2, %add3A_314 : i32
    %dma_start3A_316 = arith.constant 3 : i32
    %dma_start3A_317 = arith.constant 1 : i32
    %dma_start3A_318 = arith.constant 0 : i32
    %dma_start3A_319 = arith.constant 0 : i32
    %dma_start3A_320 = tpu.memref_slice %arg7[%dma_start3A_316, %dma_start3A_318, %dma_start3A_319] : memref<8x64x128xf32, #tpu.memory_space<vmem>> -> memref<1x64x128xf32, #tpu.memory_space<vmem>>
    %dma_start3A_321 = tpu.memref_squeeze %dma_start3A_320 : memref<1x64x128xf32, #tpu.memory_space<vmem>> -> memref<64x128xf32, #tpu.memory_space<vmem>>
    %dma_start3A_322 = arith.constant 0 : i32
    %dma_start3A_323 = tpu.memref_slice %arg5[%dma_start3A_317, %add3A_315, %dma_start3A_322] : memref<4x4096x128xf32, #tpu.memory_space<hbm>> -> memref<1x64x128xf32, #tpu.memory_space<hbm>>
    %dma_start3A_324 = tpu.memref_squeeze %dma_start3A_323 : memref<1x64x128xf32, #tpu.memory_space<hbm>> -> memref<64x128xf32, #tpu.memory_space<hbm>>
    %dma_start3A_325 = arith.constant 0 : i32
    %dma_start3A_326 = tpu.memref_slice %arg5[%dma_start3A_317, %add3A_315, %dma_start3A_325] : memref<4x4096x128xf32, #tpu.memory_space<hbm>> -> memref<1x64x128xf32, #tpu.memory_space<hbm>>
    %dma_start3A_327 = tpu.memref_squeeze %dma_start3A_326 : memref<1x64x128xf32, #tpu.memory_space<hbm>> -> memref<64x128xf32, #tpu.memory_space<hbm>>
    %dma_start3A_328 = arith.constant 0 : i32
    %dma_start3A_329 = arith.constant 0 : i32
    %dma_start3A_330 = tpu.memref_slice %arg7[%dma_start3A_316, %dma_start3A_328, %dma_start3A_329] : memref<8x64x128xf32, #tpu.memory_space<vmem>> -> memref<1x64x128xf32, #tpu.memory_space<vmem>>
    %dma_start3A_331 = tpu.memref_squeeze %dma_start3A_330 : memref<1x64x128xf32, #tpu.memory_space<vmem>> -> memref<64x128xf32, #tpu.memory_space<vmem>>
    tpu.enqueue_dma source(%dma_start3A_331 : memref<64x128xf32, #tpu.memory_space<vmem>>) target(%dma_start3A_327 : memref<64x128xf32, #tpu.memory_space<hbm>>) target_semaphore(%arg10 : memref<!tpu.dma_semaphore, #tpu.memory_space<semaphore_mem>>)
    %dma_wait3A_332 = arith.constant 2 : i32
    %dma_wait3A_333 = arith.constant 4 : i32
    %dma_wait3A_334 = arith.constant 0 : i32
    %dma_wait3A_335 = arith.constant 0 : i32
    %dma_wait3A_336 = tpu.memref_slice %arg7[%dma_wait3A_333, %dma_wait3A_334, %dma_wait3A_335] : memref<8x64x128xf32, #tpu.memory_space<vmem>> -> memref<1x64x128xf32, #tpu.memory_space<vmem>>
    %dma_wait3A_337 = tpu.memref_squeeze %dma_wait3A_336 : memref<1x64x128xf32, #tpu.memory_space<vmem>> -> memref<64x128xf32, #tpu.memory_space<vmem>>
    %dma_wait3A_338 = arith.constant 0 : i32
    %dma_wait3A_339 = tpu.memref_slice %arg6[%dma_wait3A_332, %dma_wait3A_338] : memref<4x128xi32, #tpu.memory_space<vmem>> -> memref<1x64xi32, #tpu.memory_space<vmem>>
    %dma_wait3A_340 = tpu.memref_squeeze %dma_wait3A_339 : memref<1x64xi32, #tpu.memory_space<vmem>> -> memref<64xi32, #tpu.memory_space<vmem>>
    %dma_wait3A_341 = arith.constant 0 : i32
    %dma_wait3A_342 = arith.constant 0 : i32
    %dma_wait3A_343 = tpu.memref_slice %arg3[%dma_wait3A_341, %dma_wait3A_342] : memref<100000x128xf32, #tpu.memory_space<hbm>> -> memref<100000x128xf32, #tpu.memory_space<hbm>>
    tpu.wait_indirect_dma semaphore(%arg15 : memref<!tpu.dma_semaphore, #tpu.memory_space<semaphore_mem>>) src(%dma_wait3A_343 : memref<100000x128xf32, #tpu.memory_space<hbm>>) dst(%dma_wait3A_337 : memref<64x128xf32, #tpu.memory_space<vmem>>)
    %parallel_loop3A_344 = arith.constant 0 : i32
    %parallel_loop3A_345 = arith.constant 64 : i32
    %parallel_loop3A_346 = arith.constant 1 : i32
    scf.for %parallel_loop3A_592 = %parallel_loop3A_344 to %parallel_loop3A_345 step %parallel_loop3A_346  : i32 {
      %parallel_loop3A_593 = arith.constant 0 : i32
      %parallel_loop3A_594 = arith.addi %parallel_loop3A_593, %parallel_loop3A_592 : i32
      %parallel_loop3A_595 = arith.index_cast %parallel_loop3A_594 : i32 to index
      %parallel_loop3A_596 = arith.constant 0 : index
      %parallel_loop3A_597 = tpu.vector_load %arg8[%parallel_loop3A_595, %parallel_loop3A_596] {strides = array<i32>} : memref<128x128xf32, #tpu.memory_space<vmem>>, vector<1x16xf32>,
      %parallel_loop3A_598 = vector.shape_cast %parallel_loop3A_597 : vector<1x16xf32> to vector<16xf32>
      %parallel_loop3A_599 = arith.constant 4 : i32
      %parallel_loop3A_600 = arith.index_cast %parallel_loop3A_599 : i32 to index
      %parallel_loop3A_601 = arith.index_cast %parallel_loop3A_592 : i32 to index
      %parallel_loop3A_602 = arith.constant 0 : index
      %parallel_loop3A_603 = tpu.vector_load %arg7[%parallel_loop3A_600, %parallel_loop3A_601, %parallel_loop3A_602] {strides = array<i32>} : memref<8x64x128xf32, #tpu.memory_space<vmem>>, vector<1x1x16xf32>,
      %parallel_loop3A_604 = vector.shape_cast %parallel_loop3A_603 : vector<1x1x16xf32> to vector<16xf32>
      %parallel_loop3A_605 = vector.shape_cast %parallel_loop3A_598 : vector<16xf32> to vector<1x1x16xf32>
      tpu.vector_store %arg7[%parallel_loop3A_600, %parallel_loop3A_601, %parallel_loop3A_602], %parallel_loop3A_605 {add = true, strides = array<i32>} : memref<8x64x128xf32, #tpu.memory_space<vmem>>, vector<1x1x16xf32>,
      %parallel_loop3A_606 = arith.constant 0 : i32
      %parallel_loop3A_607 = arith.addi %parallel_loop3A_606, %parallel_loop3A_592 : i32
      %parallel_loop3A_608 = arith.index_cast %parallel_loop3A_607 : i32 to index
      %parallel_loop3A_609 = arith.constant 16 : index
      %parallel_loop3A_610 = tpu.vector_load %arg8[%parallel_loop3A_608, %parallel_loop3A_609] {strides = array<i32>} : memref<128x128xf32, #tpu.memory_space<vmem>>, vector<1x16xf32>,
      %parallel_loop3A_611 = vector.shape_cast %parallel_loop3A_610 : vector<1x16xf32> to vector<16xf32>
      %parallel_loop3A_612 = arith.constant 4 : i32
      %parallel_loop3A_613 = arith.index_cast %parallel_loop3A_612 : i32 to index
      %parallel_loop3A_614 = arith.index_cast %parallel_loop3A_592 : i32 to index
      %parallel_loop3A_615 = arith.constant 16 : index
      %parallel_loop3A_616 = tpu.vector_load %arg7[%parallel_loop3A_613, %parallel_loop3A_614, %parallel_loop3A_615] {strides = array<i32>} : memref<8x64x128xf32, #tpu.memory_space<vmem>>, vector<1x1x16xf32>,
      %parallel_loop3A_617 = vector.shape_cast %parallel_loop3A_616 : vector<1x1x16xf32> to vector<16xf32>
      %parallel_loop3A_618 = vector.shape_cast %parallel_loop3A_611 : vector<16xf32> to vector<1x1x16xf32>
      tpu.vector_store %arg7[%parallel_loop3A_613, %parallel_loop3A_614, %parallel_loop3A_615], %parallel_loop3A_618 {add = true, strides = array<i32>} : memref<8x64x128xf32, #tpu.memory_space<vmem>>, vector<1x1x16xf32>,
      %parallel_loop3A_619 = arith.constant 0 : i32
      %parallel_loop3A_620 = arith.addi %parallel_loop3A_619, %parallel_loop3A_592 : i32
      %parallel_loop3A_621 = arith.index_cast %parallel_loop3A_620 : i32 to index
      %parallel_loop3A_622 = arith.constant 32 : index
      %parallel_loop3A_623 = tpu.vector_load %arg8[%parallel_loop3A_621, %parallel_loop3A_622] {strides = array<i32>} : memref<128x128xf32, #tpu.memory_space<vmem>>, vector<1x16xf32>,
      %parallel_loop3A_624 = vector.shape_cast %parallel_loop3A_623 : vector<1x16xf32> to vector<16xf32>
      %parallel_loop3A_625 = arith.constant 4 : i32
      %parallel_loop3A_626 = arith.index_cast %parallel_loop3A_625 : i32 to index
      %parallel_loop3A_627 = arith.index_cast %parallel_loop3A_592 : i32 to index
      %parallel_loop3A_628 = arith.constant 32 : index
      %parallel_loop3A_629 = tpu.vector_load %arg7[%parallel_loop3A_626, %parallel_loop3A_627, %parallel_loop3A_628] {strides = array<i32>} : memref<8x64x128xf32, #tpu.memory_space<vmem>>, vector<1x1x16xf32>,
      %parallel_loop3A_630 = vector.shape_cast %parallel_loop3A_629 : vector<1x1x16xf32> to vector<16xf32>
      %parallel_loop3A_631 = vector.shape_cast %parallel_loop3A_624 : vector<16xf32> to vector<1x1x16xf32>
      tpu.vector_store %arg7[%parallel_loop3A_626, %parallel_loop3A_627, %parallel_loop3A_628], %parallel_loop3A_631 {add = true, strides = array<i32>} : memref<8x64x128xf32, #tpu.memory_space<vmem>>, vector<1x1x16xf32>,
      %parallel_loop3A_632 = arith.constant 0 : i32
      %parallel_loop3A_633 = arith.addi %parallel_loop3A_632, %parallel_loop3A_592 : i32
      %parallel_loop3A_634 = arith.index_cast %parallel_loop3A_633 : i32 to index
      %parallel_loop3A_635 = arith.constant 48 : index
      %parallel_loop3A_636 = tpu.vector_load %arg8[%parallel_loop3A_634, %parallel_loop3A_635] {strides = array<i32>} : memref<128x128xf32, #tpu.memory_space<vmem>>, vector<1x16xf32>,
      %parallel_loop3A_637 = vector.shape_cast %parallel_loop3A_636 : vector<1x16xf32> to vector<16xf32>
      %parallel_loop3A_638 = arith.constant 4 : i32
      %parallel_loop3A_639 = arith.index_cast %parallel_loop3A_638 : i32 to index
      %parallel_loop3A_640 = arith.index_cast %parallel_loop3A_592 : i32 to index
      %parallel_loop3A_641 = arith.constant 48 : index
      %parallel_loop3A_642 = tpu.vector_load %arg7[%parallel_loop3A_639, %parallel_loop3A_640, %parallel_loop3A_641] {strides = array<i32>} : memref<8x64x128xf32, #tpu.memory_space<vmem>>, vector<1x1x16xf32>,
      %parallel_loop3A_643 = vector.shape_cast %parallel_loop3A_642 : vector<1x1x16xf32> to vector<16xf32>
      %parallel_loop3A_644 = vector.shape_cast %parallel_loop3A_637 : vector<16xf32> to vector<1x1x16xf32>
      tpu.vector_store %arg7[%parallel_loop3A_639, %parallel_loop3A_640, %parallel_loop3A_641], %parallel_loop3A_644 {add = true, strides = array<i32>} : memref<8x64x128xf32, #tpu.memory_space<vmem>>, vector<1x1x16xf32>,
      %parallel_loop3A_645 = arith.constant 0 : i32
      %parallel_loop3A_646 = arith.addi %parallel_loop3A_645, %parallel_loop3A_592 : i32
      %parallel_loop3A_647 = arith.index_cast %parallel_loop3A_646 : i32 to index
      %parallel_loop3A_648 = arith.constant 64 : index
      %parallel_loop3A_649 = tpu.vector_load %arg8[%parallel_loop3A_647, %parallel_loop3A_648] {strides = array<i32>} : memref<128x128xf32, #tpu.memory_space<vmem>>, vector<1x16xf32>,
      %parallel_loop3A_650 = vector.shape_cast %parallel_loop3A_649 : vector<1x16xf32> to vector<16xf32>
      %parallel_loop3A_651 = arith.constant 4 : i32
      %parallel_loop3A_652 = arith.index_cast %parallel_loop3A_651 : i32 to index
      %parallel_loop3A_653 = arith.index_cast %parallel_loop3A_592 : i32 to index
      %parallel_loop3A_654 = arith.constant 64 : index
      %parallel_loop3A_655 = tpu.vector_load %arg7[%parallel_loop3A_652, %parallel_loop3A_653, %parallel_loop3A_654] {strides = array<i32>} : memref<8x64x128xf32, #tpu.memory_space<vmem>>, vector<1x1x16xf32>,
      %parallel_loop3A_656 = vector.shape_cast %parallel_loop3A_655 : vector<1x1x16xf32> to vector<16xf32>
      %parallel_loop3A_657 = vector.shape_cast %parallel_loop3A_650 : vector<16xf32> to vector<1x1x16xf32>
      tpu.vector_store %arg7[%parallel_loop3A_652, %parallel_loop3A_653, %parallel_loop3A_654], %parallel_loop3A_657 {add = true, strides = array<i32>} : memref<8x64x128xf32, #tpu.memory_space<vmem>>, vector<1x1x16xf32>,
      %parallel_loop3A_658 = arith.constant 0 : i32
      %parallel_loop3A_659 = arith.addi %parallel_loop3A_658, %parallel_loop3A_592 : i32
      %parallel_loop3A_660 = arith.index_cast %parallel_loop3A_659 : i32 to index
      %parallel_loop3A_661 = arith.constant 80 : index
      %parallel_loop3A_662 = tpu.vector_load %arg8[%parallel_loop3A_660, %parallel_loop3A_661] {strides = array<i32>} : memref<128x128xf32, #tpu.memory_space<vmem>>, vector<1x16xf32>,
      %parallel_loop3A_663 = vector.shape_cast %parallel_loop3A_662 : vector<1x16xf32> to vector<16xf32>
      %parallel_loop3A_664 = arith.constant 4 : i32
      %parallel_loop3A_665 = arith.index_cast %parallel_loop3A_664 : i32 to index
      %parallel_loop3A_666 = arith.index_cast %parallel_loop3A_592 : i32 to index
      %parallel_loop3A_667 = arith.constant 80 : index
      %parallel_loop3A_668 = tpu.vector_load %arg7[%parallel_loop3A_665, %parallel_loop3A_666, %parallel_loop3A_667] {strides = array<i32>} : memref<8x64x128xf32, #tpu.memory_space<vmem>>, vector<1x1x16xf32>,
      %parallel_loop3A_669 = vector.shape_cast %parallel_loop3A_668 : vector<1x1x16xf32> to vector<16xf32>
      %parallel_loop3A_670 = vector.shape_cast %parallel_loop3A_663 : vector<16xf32> to vector<1x1x16xf32>
      tpu.vector_store %arg7[%parallel_loop3A_665, %parallel_loop3A_666, %parallel_loop3A_667], %parallel_loop3A_670 {add = true, strides = array<i32>} : memref<8x64x128xf32, #tpu.memory_space<vmem>>, vector<1x1x16xf32>,
      %parallel_loop3A_671 = arith.constant 0 : i32
      %parallel_loop3A_672 = arith.addi %parallel_loop3A_671, %parallel_loop3A_592 : i32
      %parallel_loop3A_673 = arith.index_cast %parallel_loop3A_672 : i32 to index
      %parallel_loop3A_674 = arith.constant 96 : index
      %parallel_loop3A_675 = tpu.vector_load %arg8[%parallel_loop3A_673, %parallel_loop3A_674] {strides = array<i32>} : memref<128x128xf32, #tpu.memory_space<vmem>>, vector<1x16xf32>,
      %parallel_loop3A_676 = vector.shape_cast %parallel_loop3A_675 : vector<1x16xf32> to vector<16xf32>
      %parallel_loop3A_677 = arith.constant 4 : i32
      %parallel_loop3A_678 = arith.index_cast %parallel_loop3A_677 : i32 to index
      %parallel_loop3A_679 = arith.index_cast %parallel_loop3A_592 : i32 to index
      %parallel_loop3A_680 = arith.constant 96 : index
      %parallel_loop3A_681 = tpu.vector_load %arg7[%parallel_loop3A_678, %parallel_loop3A_679, %parallel_loop3A_680] {strides = array<i32>} : memref<8x64x128xf32, #tpu.memory_space<vmem>>, vector<1x1x16xf32>,
      %parallel_loop3A_682 = vector.shape_cast %parallel_loop3A_681 : vector<1x1x16xf32> to vector<16xf32>
      %parallel_loop3A_683 = vector.shape_cast %parallel_loop3A_676 : vector<16xf32> to vector<1x1x16xf32>
      tpu.vector_store %arg7[%parallel_loop3A_678, %parallel_loop3A_679, %parallel_loop3A_680], %parallel_loop3A_683 {add = true, strides = array<i32>} : memref<8x64x128xf32, #tpu.memory_space<vmem>>, vector<1x1x16xf32>,
      %parallel_loop3A_684 = arith.constant 0 : i32
      %parallel_loop3A_685 = arith.addi %parallel_loop3A_684, %parallel_loop3A_592 : i32
      %parallel_loop3A_686 = arith.index_cast %parallel_loop3A_685 : i32 to index
      %parallel_loop3A_687 = arith.constant 112 : index
      %parallel_loop3A_688 = tpu.vector_load %arg8[%parallel_loop3A_686, %parallel_loop3A_687] {strides = array<i32>} : memref<128x128xf32, #tpu.memory_space<vmem>>, vector<1x16xf32>,
      %parallel_loop3A_689 = vector.shape_cast %parallel_loop3A_688 : vector<1x16xf32> to vector<16xf32>
      %parallel_loop3A_690 = arith.constant 4 : i32
      %parallel_loop3A_691 = arith.index_cast %parallel_loop3A_690 : i32 to index
      %parallel_loop3A_692 = arith.index_cast %parallel_loop3A_592 : i32 to index
      %parallel_loop3A_693 = arith.constant 112 : index
      %parallel_loop3A_694 = tpu.vector_load %arg7[%parallel_loop3A_691, %parallel_loop3A_692, %parallel_loop3A_693] {strides = array<i32>} : memref<8x64x128xf32, #tpu.memory_space<vmem>>, vector<1x1x16xf32>,
      %parallel_loop3A_695 = vector.shape_cast %parallel_loop3A_694 : vector<1x1x16xf32> to vector<16xf32>
      %parallel_loop3A_696 = vector.shape_cast %parallel_loop3A_689 : vector<16xf32> to vector<1x1x16xf32>
      tpu.vector_store %arg7[%parallel_loop3A_691, %parallel_loop3A_692, %parallel_loop3A_693], %parallel_loop3A_696 {add = true, strides = array<i32>} : memref<8x64x128xf32, #tpu.memory_space<vmem>>, vector<1x1x16xf32>,
    } {sc.loop_unroll_factor = 4 : i64, sc.parallel_access}
    %add3A_347 = arith.constant 0 : i32
    %add3A_348 = arith.addi %mul3A_2, %add3A_347 : i32
    %dma_start3A_349 = arith.constant 4 : i32
    %dma_start3A_350 = arith.constant 2 : i32
    %dma_start3A_351 = arith.constant 0 : i32
    %dma_start3A_352 = arith.constant 0 : i32
    %dma_start3A_353 = tpu.memref_slice %arg7[%dma_start3A_349, %dma_start3A_351, %dma_start3A_352] : memref<8x64x128xf32, #tpu.memory_space<vmem>> -> memref<1x64x128xf32, #tpu.memory_space<vmem>>
    %dma_start3A_354 = tpu.memref_squeeze %dma_start3A_353 : memref<1x64x128xf32, #tpu.memory_space<vmem>> -> memref<64x128xf32, #tpu.memory_space<vmem>>
    %dma_start3A_355 = arith.constant 0 : i32
    %dma_start3A_356 = tpu.memref_slice %arg5[%dma_start3A_350, %add3A_348, %dma_start3A_355] : memref<4x4096x128xf32, #tpu.memory_space<hbm>> -> memref<1x64x128xf32, #tpu.memory_space<hbm>>
    %dma_start3A_357 = tpu.memref_squeeze %dma_start3A_356 : memref<1x64x128xf32, #tpu.memory_space<hbm>> -> memref<64x128xf32, #tpu.memory_space<hbm>>
    %dma_start3A_358 = arith.constant 0 : i32
    %dma_start3A_359 = tpu.memref_slice %arg5[%dma_start3A_350, %add3A_348, %dma_start3A_358] : memref<4x4096x128xf32, #tpu.memory_space<hbm>> -> memref<1x64x128xf32, #tpu.memory_space<hbm>>
    %dma_start3A_360 = tpu.memref_squeeze %dma_start3A_359 : memref<1x64x128xf32, #tpu.memory_space<hbm>> -> memref<64x128xf32, #tpu.memory_space<hbm>>
    %dma_start3A_361 = arith.constant 0 : i32
    %dma_start3A_362 = arith.constant 0 : i32
    %dma_start3A_363 = tpu.memref_slice %arg7[%dma_start3A_349, %dma_start3A_361, %dma_start3A_362] : memref<8x64x128xf32, #tpu.memory_space<vmem>> -> memref<1x64x128xf32, #tpu.memory_space<vmem>>
    %dma_start3A_364 = tpu.memref_squeeze %dma_start3A_363 : memref<1x64x128xf32, #tpu.memory_space<vmem>> -> memref<64x128xf32, #tpu.memory_space<vmem>>
    tpu.enqueue_dma source(%dma_start3A_364 : memref<64x128xf32, #tpu.memory_space<vmem>>) target(%dma_start3A_360 : memref<64x128xf32, #tpu.memory_space<hbm>>) target_semaphore(%arg10 : memref<!tpu.dma_semaphore, #tpu.memory_space<semaphore_mem>>)
    %dma_wait3A_365 = arith.constant 2 : i32
    %dma_wait3A_366 = arith.constant 5 : i32
    %dma_wait3A_367 = arith.constant 0 : i32
    %dma_wait3A_368 = arith.constant 0 : i32
    %dma_wait3A_369 = tpu.memref_slice %arg7[%dma_wait3A_366, %dma_wait3A_367, %dma_wait3A_368] : memref<8x64x128xf32, #tpu.memory_space<vmem>> -> memref<1x64x128xf32, #tpu.memory_space<vmem>>
    %dma_wait3A_370 = tpu.memref_squeeze %dma_wait3A_369 : memref<1x64x128xf32, #tpu.memory_space<vmem>> -> memref<64x128xf32, #tpu.memory_space<vmem>>
    %dma_wait3A_371 = arith.constant 64 : i32
    %dma_wait3A_372 = tpu.memref_slice %arg6[%dma_wait3A_365, %dma_wait3A_371] : memref<4x128xi32, #tpu.memory_space<vmem>> -> memref<1x64xi32, #tpu.memory_space<vmem>>
    %dma_wait3A_373 = tpu.memref_squeeze %dma_wait3A_372 : memref<1x64xi32, #tpu.memory_space<vmem>> -> memref<64xi32, #tpu.memory_space<vmem>>
    %dma_wait3A_374 = arith.constant 0 : i32
    %dma_wait3A_375 = arith.constant 0 : i32
    %dma_wait3A_376 = tpu.memref_slice %arg3[%dma_wait3A_374, %dma_wait3A_375] : memref<100000x128xf32, #tpu.memory_space<hbm>> -> memref<100000x128xf32, #tpu.memory_space<hbm>>
    tpu.wait_indirect_dma semaphore(%arg16 : memref<!tpu.dma_semaphore, #tpu.memory_space<semaphore_mem>>) src(%dma_wait3A_376 : memref<100000x128xf32, #tpu.memory_space<hbm>>) dst(%dma_wait3A_370 : memref<64x128xf32, #tpu.memory_space<vmem>>)
    %parallel_loop3A_377 = arith.constant 0 : i32
    %parallel_loop3A_378 = arith.constant 64 : i32
    %parallel_loop3A_379 = arith.constant 1 : i32
    scf.for %parallel_loop3A_592 = %parallel_loop3A_377 to %parallel_loop3A_378 step %parallel_loop3A_379  : i32 {
      %parallel_loop3A_593 = arith.constant 64 : i32
      %parallel_loop3A_594 = arith.addi %parallel_loop3A_593, %parallel_loop3A_592 : i32
      %parallel_loop3A_595 = arith.index_cast %parallel_loop3A_594 : i32 to index
      %parallel_loop3A_596 = arith.constant 0 : index
      %parallel_loop3A_597 = tpu.vector_load %arg8[%parallel_loop3A_595, %parallel_loop3A_596] {strides = array<i32>} : memref<128x128xf32, #tpu.memory_space<vmem>>, vector<1x16xf32>,
      %parallel_loop3A_598 = vector.shape_cast %parallel_loop3A_597 : vector<1x16xf32> to vector<16xf32>
      %parallel_loop3A_599 = arith.constant 5 : i32
      %parallel_loop3A_600 = arith.index_cast %parallel_loop3A_599 : i32 to index
      %parallel_loop3A_601 = arith.index_cast %parallel_loop3A_592 : i32 to index
      %parallel_loop3A_602 = arith.constant 0 : index
      %parallel_loop3A_603 = tpu.vector_load %arg7[%parallel_loop3A_600, %parallel_loop3A_601, %parallel_loop3A_602] {strides = array<i32>} : memref<8x64x128xf32, #tpu.memory_space<vmem>>, vector<1x1x16xf32>,
      %parallel_loop3A_604 = vector.shape_cast %parallel_loop3A_603 : vector<1x1x16xf32> to vector<16xf32>
      %parallel_loop3A_605 = vector.shape_cast %parallel_loop3A_598 : vector<16xf32> to vector<1x1x16xf32>
      tpu.vector_store %arg7[%parallel_loop3A_600, %parallel_loop3A_601, %parallel_loop3A_602], %parallel_loop3A_605 {add = true, strides = array<i32>} : memref<8x64x128xf32, #tpu.memory_space<vmem>>, vector<1x1x16xf32>,
      %parallel_loop3A_606 = arith.constant 64 : i32
      %parallel_loop3A_607 = arith.addi %parallel_loop3A_606, %parallel_loop3A_592 : i32
      %parallel_loop3A_608 = arith.index_cast %parallel_loop3A_607 : i32 to index
      %parallel_loop3A_609 = arith.constant 16 : index
      %parallel_loop3A_610 = tpu.vector_load %arg8[%parallel_loop3A_608, %parallel_loop3A_609] {strides = array<i32>} : memref<128x128xf32, #tpu.memory_space<vmem>>, vector<1x16xf32>,
      %parallel_loop3A_611 = vector.shape_cast %parallel_loop3A_610 : vector<1x16xf32> to vector<16xf32>
      %parallel_loop3A_612 = arith.constant 5 : i32
      %parallel_loop3A_613 = arith.index_cast %parallel_loop3A_612 : i32 to index
      %parallel_loop3A_614 = arith.index_cast %parallel_loop3A_592 : i32 to index
      %parallel_loop3A_615 = arith.constant 16 : index
      %parallel_loop3A_616 = tpu.vector_load %arg7[%parallel_loop3A_613, %parallel_loop3A_614, %parallel_loop3A_615] {strides = array<i32>} : memref<8x64x128xf32, #tpu.memory_space<vmem>>, vector<1x1x16xf32>,
      %parallel_loop3A_617 = vector.shape_cast %parallel_loop3A_616 : vector<1x1x16xf32> to vector<16xf32>
      %parallel_loop3A_618 = vector.shape_cast %parallel_loop3A_611 : vector<16xf32> to vector<1x1x16xf32>
      tpu.vector_store %arg7[%parallel_loop3A_613, %parallel_loop3A_614, %parallel_loop3A_615], %parallel_loop3A_618 {add = true, strides = array<i32>} : memref<8x64x128xf32, #tpu.memory_space<vmem>>, vector<1x1x16xf32>,
      %parallel_loop3A_619 = arith.constant 64 : i32
      %parallel_loop3A_620 = arith.addi %parallel_loop3A_619, %parallel_loop3A_592 : i32
      %parallel_loop3A_621 = arith.index_cast %parallel_loop3A_620 : i32 to index
      %parallel_loop3A_622 = arith.constant 32 : index
      %parallel_loop3A_623 = tpu.vector_load %arg8[%parallel_loop3A_621, %parallel_loop3A_622] {strides = array<i32>} : memref<128x128xf32, #tpu.memory_space<vmem>>, vector<1x16xf32>,
      %parallel_loop3A_624 = vector.shape_cast %parallel_loop3A_623 : vector<1x16xf32> to vector<16xf32>
      %parallel_loop3A_625 = arith.constant 5 : i32
      %parallel_loop3A_626 = arith.index_cast %parallel_loop3A_625 : i32 to index
      %parallel_loop3A_627 = arith.index_cast %parallel_loop3A_592 : i32 to index
      %parallel_loop3A_628 = arith.constant 32 : index
      %parallel_loop3A_629 = tpu.vector_load %arg7[%parallel_loop3A_626, %parallel_loop3A_627, %parallel_loop3A_628] {strides = array<i32>} : memref<8x64x128xf32, #tpu.memory_space<vmem>>, vector<1x1x16xf32>,
      %parallel_loop3A_630 = vector.shape_cast %parallel_loop3A_629 : vector<1x1x16xf32> to vector<16xf32>
      %parallel_loop3A_631 = vector.shape_cast %parallel_loop3A_624 : vector<16xf32> to vector<1x1x16xf32>
      tpu.vector_store %arg7[%parallel_loop3A_626, %parallel_loop3A_627, %parallel_loop3A_628], %parallel_loop3A_631 {add = true, strides = array<i32>} : memref<8x64x128xf32, #tpu.memory_space<vmem>>, vector<1x1x16xf32>,
      %parallel_loop3A_632 = arith.constant 64 : i32
      %parallel_loop3A_633 = arith.addi %parallel_loop3A_632, %parallel_loop3A_592 : i32
      %parallel_loop3A_634 = arith.index_cast %parallel_loop3A_633 : i32 to index
      %parallel_loop3A_635 = arith.constant 48 : index
      %parallel_loop3A_636 = tpu.vector_load %arg8[%parallel_loop3A_634, %parallel_loop3A_635] {strides = array<i32>} : memref<128x128xf32, #tpu.memory_space<vmem>>, vector<1x16xf32>,
      %parallel_loop3A_637 = vector.shape_cast %parallel_loop3A_636 : vector<1x16xf32> to vector<16xf32>
      %parallel_loop3A_638 = arith.constant 5 : i32
      %parallel_loop3A_639 = arith.index_cast %parallel_loop3A_638 : i32 to index
      %parallel_loop3A_640 = arith.index_cast %parallel_loop3A_592 : i32 to index
      %parallel_loop3A_641 = arith.constant 48 : index
      %parallel_loop3A_642 = tpu.vector_load %arg7[%parallel_loop3A_639, %parallel_loop3A_640, %parallel_loop3A_641] {strides = array<i32>} : memref<8x64x128xf32, #tpu.memory_space<vmem>>, vector<1x1x16xf32>,
      %parallel_loop3A_643 = vector.shape_cast %parallel_loop3A_642 : vector<1x1x16xf32> to vector<16xf32>
      %parallel_loop3A_644 = vector.shape_cast %parallel_loop3A_637 : vector<16xf32> to vector<1x1x16xf32>
      tpu.vector_store %arg7[%parallel_loop3A_639, %parallel_loop3A_640, %parallel_loop3A_641], %parallel_loop3A_644 {add = true, strides = array<i32>} : memref<8x64x128xf32, #tpu.memory_space<vmem>>, vector<1x1x16xf32>,
      %parallel_loop3A_645 = arith.constant 64 : i32
      %parallel_loop3A_646 = arith.addi %parallel_loop3A_645, %parallel_loop3A_592 : i32
      %parallel_loop3A_647 = arith.index_cast %parallel_loop3A_646 : i32 to index
      %parallel_loop3A_648 = arith.constant 64 : index
      %parallel_loop3A_649 = tpu.vector_load %arg8[%parallel_loop3A_647, %parallel_loop3A_648] {strides = array<i32>} : memref<128x128xf32, #tpu.memory_space<vmem>>, vector<1x16xf32>,
      %parallel_loop3A_650 = vector.shape_cast %parallel_loop3A_649 : vector<1x16xf32> to vector<16xf32>
      %parallel_loop3A_651 = arith.constant 5 : i32
      %parallel_loop3A_652 = arith.index_cast %parallel_loop3A_651 : i32 to index
      %parallel_loop3A_653 = arith.index_cast %parallel_loop3A_592 : i32 to index
      %parallel_loop3A_654 = arith.constant 64 : index
      %parallel_loop3A_655 = tpu.vector_load %arg7[%parallel_loop3A_652, %parallel_loop3A_653, %parallel_loop3A_654] {strides = array<i32>} : memref<8x64x128xf32, #tpu.memory_space<vmem>>, vector<1x1x16xf32>,
      %parallel_loop3A_656 = vector.shape_cast %parallel_loop3A_655 : vector<1x1x16xf32> to vector<16xf32>
      %parallel_loop3A_657 = vector.shape_cast %parallel_loop3A_650 : vector<16xf32> to vector<1x1x16xf32>
      tpu.vector_store %arg7[%parallel_loop3A_652, %parallel_loop3A_653, %parallel_loop3A_654], %parallel_loop3A_657 {add = true, strides = array<i32>} : memref<8x64x128xf32, #tpu.memory_space<vmem>>, vector<1x1x16xf32>,
      %parallel_loop3A_658 = arith.constant 64 : i32
      %parallel_loop3A_659 = arith.addi %parallel_loop3A_658, %parallel_loop3A_592 : i32
      %parallel_loop3A_660 = arith.index_cast %parallel_loop3A_659 : i32 to index
      %parallel_loop3A_661 = arith.constant 80 : index
      %parallel_loop3A_662 = tpu.vector_load %arg8[%parallel_loop3A_660, %parallel_loop3A_661] {strides = array<i32>} : memref<128x128xf32, #tpu.memory_space<vmem>>, vector<1x16xf32>,
      %parallel_loop3A_663 = vector.shape_cast %parallel_loop3A_662 : vector<1x16xf32> to vector<16xf32>
      %parallel_loop3A_664 = arith.constant 5 : i32
      %parallel_loop3A_665 = arith.index_cast %parallel_loop3A_664 : i32 to index
      %parallel_loop3A_666 = arith.index_cast %parallel_loop3A_592 : i32 to index
      %parallel_loop3A_667 = arith.constant 80 : index
      %parallel_loop3A_668 = tpu.vector_load %arg7[%parallel_loop3A_665, %parallel_loop3A_666, %parallel_loop3A_667] {strides = array<i32>} : memref<8x64x128xf32, #tpu.memory_space<vmem>>, vector<1x1x16xf32>,
      %parallel_loop3A_669 = vector.shape_cast %parallel_loop3A_668 : vector<1x1x16xf32> to vector<16xf32>
      %parallel_loop3A_670 = vector.shape_cast %parallel_loop3A_663 : vector<16xf32> to vector<1x1x16xf32>
      tpu.vector_store %arg7[%parallel_loop3A_665, %parallel_loop3A_666, %parallel_loop3A_667], %parallel_loop3A_670 {add = true, strides = array<i32>} : memref<8x64x128xf32, #tpu.memory_space<vmem>>, vector<1x1x16xf32>,
      %parallel_loop3A_671 = arith.constant 64 : i32
      %parallel_loop3A_672 = arith.addi %parallel_loop3A_671, %parallel_loop3A_592 : i32
      %parallel_loop3A_673 = arith.index_cast %parallel_loop3A_672 : i32 to index
      %parallel_loop3A_674 = arith.constant 96 : index
      %parallel_loop3A_675 = tpu.vector_load %arg8[%parallel_loop3A_673, %parallel_loop3A_674] {strides = array<i32>} : memref<128x128xf32, #tpu.memory_space<vmem>>, vector<1x16xf32>,
      %parallel_loop3A_676 = vector.shape_cast %parallel_loop3A_675 : vector<1x16xf32> to vector<16xf32>
      %parallel_loop3A_677 = arith.constant 5 : i32
      %parallel_loop3A_678 = arith.index_cast %parallel_loop3A_677 : i32 to index
      %parallel_loop3A_679 = arith.index_cast %parallel_loop3A_592 : i32 to index
      %parallel_loop3A_680 = arith.constant 96 : index
      %parallel_loop3A_681 = tpu.vector_load %arg7[%parallel_loop3A_678, %parallel_loop3A_679, %parallel_loop3A_680] {strides = array<i32>} : memref<8x64x128xf32, #tpu.memory_space<vmem>>, vector<1x1x16xf32>,
      %parallel_loop3A_682 = vector.shape_cast %parallel_loop3A_681 : vector<1x1x16xf32> to vector<16xf32>
      %parallel_loop3A_683 = vector.shape_cast %parallel_loop3A_676 : vector<16xf32> to vector<1x1x16xf32>
      tpu.vector_store %arg7[%parallel_loop3A_678, %parallel_loop3A_679, %parallel_loop3A_680], %parallel_loop3A_683 {add = true, strides = array<i32>} : memref<8x64x128xf32, #tpu.memory_space<vmem>>, vector<1x1x16xf32>,
      %parallel_loop3A_684 = arith.constant 64 : i32
      %parallel_loop3A_685 = arith.addi %parallel_loop3A_684, %parallel_loop3A_592 : i32
      %parallel_loop3A_686 = arith.index_cast %parallel_loop3A_685 : i32 to index
      %parallel_loop3A_687 = arith.constant 112 : index
      %parallel_loop3A_688 = tpu.vector_load %arg8[%parallel_loop3A_686, %parallel_loop3A_687] {strides = array<i32>} : memref<128x128xf32, #tpu.memory_space<vmem>>, vector<1x16xf32>,
      %parallel_loop3A_689 = vector.shape_cast %parallel_loop3A_688 : vector<1x16xf32> to vector<16xf32>
      %parallel_loop3A_690 = arith.constant 5 : i32
      %parallel_loop3A_691 = arith.index_cast %parallel_loop3A_690 : i32 to index
      %parallel_loop3A_692 = arith.index_cast %parallel_loop3A_592 : i32 to index
      %parallel_loop3A_693 = arith.constant 112 : index
      %parallel_loop3A_694 = tpu.vector_load %arg7[%parallel_loop3A_691, %parallel_loop3A_692, %parallel_loop3A_693] {strides = array<i32>} : memref<8x64x128xf32, #tpu.memory_space<vmem>>, vector<1x1x16xf32>,
      %parallel_loop3A_695 = vector.shape_cast %parallel_loop3A_694 : vector<1x1x16xf32> to vector<16xf32>
      %parallel_loop3A_696 = vector.shape_cast %parallel_loop3A_689 : vector<16xf32> to vector<1x1x16xf32>
      tpu.vector_store %arg7[%parallel_loop3A_691, %parallel_loop3A_692, %parallel_loop3A_693], %parallel_loop3A_696 {add = true, strides = array<i32>} : memref<8x64x128xf32, #tpu.memory_space<vmem>>, vector<1x1x16xf32>,
    } {sc.loop_unroll_factor = 4 : i64, sc.parallel_access}
    %add3A_380 = arith.constant 64 : i32
    %add3A_381 = arith.addi %mul3A_2, %add3A_380 : i32
    %dma_start3A_382 = arith.constant 5 : i32
    %dma_start3A_383 = arith.constant 2 : i32
    %dma_start3A_384 = arith.constant 0 : i32
    %dma_start3A_385 = arith.constant 0 : i32
    %dma_start3A_386 = tpu.memref_slice %arg7[%dma_start3A_382, %dma_start3A_384, %dma_start3A_385] : memref<8x64x128xf32, #tpu.memory_space<vmem>> -> memref<1x64x128xf32, #tpu.memory_space<vmem>>
    %dma_start3A_387 = tpu.memref_squeeze %dma_start3A_386 : memref<1x64x128xf32, #tpu.memory_space<vmem>> -> memref<64x128xf32, #tpu.memory_space<vmem>>
    %dma_start3A_388 = arith.constant 0 : i32
    %dma_start3A_389 = tpu.memref_slice %arg5[%dma_start3A_383, %add3A_381, %dma_start3A_388] : memref<4x4096x128xf32, #tpu.memory_space<hbm>> -> memref<1x64x128xf32, #tpu.memory_space<hbm>>
    %dma_start3A_390 = tpu.memref_squeeze %dma_start3A_389 : memref<1x64x128xf32, #tpu.memory_space<hbm>> -> memref<64x128xf32, #tpu.memory_space<hbm>>
    %dma_start3A_391 = arith.constant 0 : i32
    %dma_start3A_392 = tpu.memref_slice %arg5[%dma_start3A_383, %add3A_381, %dma_start3A_391] : memref<4x4096x128xf32, #tpu.memory_space<hbm>> -> memref<1x64x128xf32, #tpu.memory_space<hbm>>
    %dma_start3A_393 = tpu.memref_squeeze %dma_start3A_392 : memref<1x64x128xf32, #tpu.memory_space<hbm>> -> memref<64x128xf32, #tpu.memory_space<hbm>>
    %dma_start3A_394 = arith.constant 0 : i32
    %dma_start3A_395 = arith.constant 0 : i32
    %dma_start3A_396 = tpu.memref_slice %arg7[%dma_start3A_382, %dma_start3A_394, %dma_start3A_395] : memref<8x64x128xf32, #tpu.memory_space<vmem>> -> memref<1x64x128xf32, #tpu.memory_space<vmem>>
    %dma_start3A_397 = tpu.memref_squeeze %dma_start3A_396 : memref<1x64x128xf32, #tpu.memory_space<vmem>> -> memref<64x128xf32, #tpu.memory_space<vmem>>
    tpu.enqueue_dma source(%dma_start3A_397 : memref<64x128xf32, #tpu.memory_space<vmem>>) target(%dma_start3A_393 : memref<64x128xf32, #tpu.memory_space<hbm>>) target_semaphore(%arg10 : memref<!tpu.dma_semaphore, #tpu.memory_space<semaphore_mem>>)
    %dma_wait3A_398 = arith.constant 3 : i32
    %dma_wait3A_399 = arith.constant 6 : i32
    %dma_wait3A_400 = arith.constant 0 : i32
    %dma_wait3A_401 = arith.constant 0 : i32
    %dma_wait3A_402 = tpu.memref_slice %arg7[%dma_wait3A_399, %dma_wait3A_400, %dma_wait3A_401] : memref<8x64x128xf32, #tpu.memory_space<vmem>> -> memref<1x64x128xf32, #tpu.memory_space<vmem>>
    %dma_wait3A_403 = tpu.memref_squeeze %dma_wait3A_402 : memref<1x64x128xf32, #tpu.memory_space<vmem>> -> memref<64x128xf32, #tpu.memory_space<vmem>>
    %dma_wait3A_404 = arith.constant 0 : i32
    %dma_wait3A_405 = tpu.memref_slice %arg6[%dma_wait3A_398, %dma_wait3A_404] : memref<4x128xi32, #tpu.memory_space<vmem>> -> memref<1x64xi32, #tpu.memory_space<vmem>>
    %dma_wait3A_406 = tpu.memref_squeeze %dma_wait3A_405 : memref<1x64xi32, #tpu.memory_space<vmem>> -> memref<64xi32, #tpu.memory_space<vmem>>
    %dma_wait3A_407 = arith.constant 0 : i32
    %dma_wait3A_408 = arith.constant 0 : i32
    %dma_wait3A_409 = tpu.memref_slice %arg3[%dma_wait3A_407, %dma_wait3A_408] : memref<100000x128xf32, #tpu.memory_space<hbm>> -> memref<100000x128xf32, #tpu.memory_space<hbm>>
    tpu.wait_indirect_dma semaphore(%arg17 : memref<!tpu.dma_semaphore, #tpu.memory_space<semaphore_mem>>) src(%dma_wait3A_409 : memref<100000x128xf32, #tpu.memory_space<hbm>>) dst(%dma_wait3A_403 : memref<64x128xf32, #tpu.memory_space<vmem>>)
    %parallel_loop3A_410 = arith.constant 0 : i32
    %parallel_loop3A_411 = arith.constant 64 : i32
    %parallel_loop3A_412 = arith.constant 1 : i32
    scf.for %parallel_loop3A_592 = %parallel_loop3A_410 to %parallel_loop3A_411 step %parallel_loop3A_412  : i32 {
      %parallel_loop3A_593 = arith.constant 0 : i32
      %parallel_loop3A_594 = arith.addi %parallel_loop3A_593, %parallel_loop3A_592 : i32
      %parallel_loop3A_595 = arith.index_cast %parallel_loop3A_594 : i32 to index
      %parallel_loop3A_596 = arith.constant 0 : index
      %parallel_loop3A_597 = tpu.vector_load %arg8[%parallel_loop3A_595, %parallel_loop3A_596] {strides = array<i32>} : memref<128x128xf32, #tpu.memory_space<vmem>>, vector<1x16xf32>,
      %parallel_loop3A_598 = vector.shape_cast %parallel_loop3A_597 : vector<1x16xf32> to vector<16xf32>
      %parallel_loop3A_599 = arith.constant 6 : i32
      %parallel_loop3A_600 = arith.index_cast %parallel_loop3A_599 : i32 to index
      %parallel_loop3A_601 = arith.index_cast %parallel_loop3A_592 : i32 to index
      %parallel_loop3A_602 = arith.constant 0 : index
      %parallel_loop3A_603 = tpu.vector_load %arg7[%parallel_loop3A_600, %parallel_loop3A_601, %parallel_loop3A_602] {strides = array<i32>} : memref<8x64x128xf32, #tpu.memory_space<vmem>>, vector<1x1x16xf32>,
      %parallel_loop3A_604 = vector.shape_cast %parallel_loop3A_603 : vector<1x1x16xf32> to vector<16xf32>
      %parallel_loop3A_605 = vector.shape_cast %parallel_loop3A_598 : vector<16xf32> to vector<1x1x16xf32>
      tpu.vector_store %arg7[%parallel_loop3A_600, %parallel_loop3A_601, %parallel_loop3A_602], %parallel_loop3A_605 {add = true, strides = array<i32>} : memref<8x64x128xf32, #tpu.memory_space<vmem>>, vector<1x1x16xf32>,
      %parallel_loop3A_606 = arith.constant 0 : i32
      %parallel_loop3A_607 = arith.addi %parallel_loop3A_606, %parallel_loop3A_592 : i32
      %parallel_loop3A_608 = arith.index_cast %parallel_loop3A_607 : i32 to index
      %parallel_loop3A_609 = arith.constant 16 : index
      %parallel_loop3A_610 = tpu.vector_load %arg8[%parallel_loop3A_608, %parallel_loop3A_609] {strides = array<i32>} : memref<128x128xf32, #tpu.memory_space<vmem>>, vector<1x16xf32>,
      %parallel_loop3A_611 = vector.shape_cast %parallel_loop3A_610 : vector<1x16xf32> to vector<16xf32>
      %parallel_loop3A_612 = arith.constant 6 : i32
      %parallel_loop3A_613 = arith.index_cast %parallel_loop3A_612 : i32 to index
      %parallel_loop3A_614 = arith.index_cast %parallel_loop3A_592 : i32 to index
      %parallel_loop3A_615 = arith.constant 16 : index
      %parallel_loop3A_616 = tpu.vector_load %arg7[%parallel_loop3A_613, %parallel_loop3A_614, %parallel_loop3A_615] {strides = array<i32>} : memref<8x64x128xf32, #tpu.memory_space<vmem>>, vector<1x1x16xf32>,
      %parallel_loop3A_617 = vector.shape_cast %parallel_loop3A_616 : vector<1x1x16xf32> to vector<16xf32>
      %parallel_loop3A_618 = vector.shape_cast %parallel_loop3A_611 : vector<16xf32> to vector<1x1x16xf32>
      tpu.vector_store %arg7[%parallel_loop3A_613, %parallel_loop3A_614, %parallel_loop3A_615], %parallel_loop3A_618 {add = true, strides = array<i32>} : memref<8x64x128xf32, #tpu.memory_space<vmem>>, vector<1x1x16xf32>,
      %parallel_loop3A_619 = arith.constant 0 : i32
      %parallel_loop3A_620 = arith.addi %parallel_loop3A_619, %parallel_loop3A_592 : i32
      %parallel_loop3A_621 = arith.index_cast %parallel_loop3A_620 : i32 to index
      %parallel_loop3A_622 = arith.constant 32 : index
      %parallel_loop3A_623 = tpu.vector_load %arg8[%parallel_loop3A_621, %parallel_loop3A_622] {strides = array<i32>} : memref<128x128xf32, #tpu.memory_space<vmem>>, vector<1x16xf32>,
      %parallel_loop3A_624 = vector.shape_cast %parallel_loop3A_623 : vector<1x16xf32> to vector<16xf32>
      %parallel_loop3A_625 = arith.constant 6 : i32
      %parallel_loop3A_626 = arith.index_cast %parallel_loop3A_625 : i32 to index
      %parallel_loop3A_627 = arith.index_cast %parallel_loop3A_592 : i32 to index
      %parallel_loop3A_628 = arith.constant 32 : index
      %parallel_loop3A_629 = tpu.vector_load %arg7[%parallel_loop3A_626, %parallel_loop3A_627, %parallel_loop3A_628] {strides = array<i32>} : memref<8x64x128xf32, #tpu.memory_space<vmem>>, vector<1x1x16xf32>,
      %parallel_loop3A_630 = vector.shape_cast %parallel_loop3A_629 : vector<1x1x16xf32> to vector<16xf32>
      %parallel_loop3A_631 = vector.shape_cast %parallel_loop3A_624 : vector<16xf32> to vector<1x1x16xf32>
      tpu.vector_store %arg7[%parallel_loop3A_626, %parallel_loop3A_627, %parallel_loop3A_628], %parallel_loop3A_631 {add = true, strides = array<i32>} : memref<8x64x128xf32, #tpu.memory_space<vmem>>, vector<1x1x16xf32>,
      %parallel_loop3A_632 = arith.constant 0 : i32
      %parallel_loop3A_633 = arith.addi %parallel_loop3A_632, %parallel_loop3A_592 : i32
      %parallel_loop3A_634 = arith.index_cast %parallel_loop3A_633 : i32 to index
      %parallel_loop3A_635 = arith.constant 48 : index
      %parallel_loop3A_636 = tpu.vector_load %arg8[%parallel_loop3A_634, %parallel_loop3A_635] {strides = array<i32>} : memref<128x128xf32, #tpu.memory_space<vmem>>, vector<1x16xf32>,
      %parallel_loop3A_637 = vector.shape_cast %parallel_loop3A_636 : vector<1x16xf32> to vector<16xf32>
      %parallel_loop3A_638 = arith.constant 6 : i32
      %parallel_loop3A_639 = arith.index_cast %parallel_loop3A_638 : i32 to index
      %parallel_loop3A_640 = arith.index_cast %parallel_loop3A_592 : i32 to index
      %parallel_loop3A_641 = arith.constant 48 : index
      %parallel_loop3A_642 = tpu.vector_load %arg7[%parallel_loop3A_639, %parallel_loop3A_640, %parallel_loop3A_641] {strides = array<i32>} : memref<8x64x128xf32, #tpu.memory_space<vmem>>, vector<1x1x16xf32>,
      %parallel_loop3A_643 = vector.shape_cast %parallel_loop3A_642 : vector<1x1x16xf32> to vector<16xf32>
      %parallel_loop3A_644 = vector.shape_cast %parallel_loop3A_637 : vector<16xf32> to vector<1x1x16xf32>
      tpu.vector_store %arg7[%parallel_loop3A_639, %parallel_loop3A_640, %parallel_loop3A_641], %parallel_loop3A_644 {add = true, strides = array<i32>} : memref<8x64x128xf32, #tpu.memory_space<vmem>>, vector<1x1x16xf32>,
      %parallel_loop3A_645 = arith.constant 0 : i32
      %parallel_loop3A_646 = arith.addi %parallel_loop3A_645, %parallel_loop3A_592 : i32
      %parallel_loop3A_647 = arith.index_cast %parallel_loop3A_646 : i32 to index
      %parallel_loop3A_648 = arith.constant 64 : index
      %parallel_loop3A_649 = tpu.vector_load %arg8[%parallel_loop3A_647, %parallel_loop3A_648] {strides = array<i32>} : memref<128x128xf32, #tpu.memory_space<vmem>>, vector<1x16xf32>,
      %parallel_loop3A_650 = vector.shape_cast %parallel_loop3A_649 : vector<1x16xf32> to vector<16xf32>
      %parallel_loop3A_651 = arith.constant 6 : i32
      %parallel_loop3A_652 = arith.index_cast %parallel_loop3A_651 : i32 to index
      %parallel_loop3A_653 = arith.index_cast %parallel_loop3A_592 : i32 to index
      %parallel_loop3A_654 = arith.constant 64 : index
      %parallel_loop3A_655 = tpu.vector_load %arg7[%parallel_loop3A_652, %parallel_loop3A_653, %parallel_loop3A_654] {strides = array<i32>} : memref<8x64x128xf32, #tpu.memory_space<vmem>>, vector<1x1x16xf32>,
      %parallel_loop3A_656 = vector.shape_cast %parallel_loop3A_655 : vector<1x1x16xf32> to vector<16xf32>
      %parallel_loop3A_657 = vector.shape_cast %parallel_loop3A_650 : vector<16xf32> to vector<1x1x16xf32>
      tpu.vector_store %arg7[%parallel_loop3A_652, %parallel_loop3A_653, %parallel_loop3A_654], %parallel_loop3A_657 {add = true, strides = array<i32>} : memref<8x64x128xf32, #tpu.memory_space<vmem>>, vector<1x1x16xf32>,
      %parallel_loop3A_658 = arith.constant 0 : i32
      %parallel_loop3A_659 = arith.addi %parallel_loop3A_658, %parallel_loop3A_592 : i32
      %parallel_loop3A_660 = arith.index_cast %parallel_loop3A_659 : i32 to index
      %parallel_loop3A_661 = arith.constant 80 : index
      %parallel_loop3A_662 = tpu.vector_load %arg8[%parallel_loop3A_660, %parallel_loop3A_661] {strides = array<i32>} : memref<128x128xf32, #tpu.memory_space<vmem>>, vector<1x16xf32>,
      %parallel_loop3A_663 = vector.shape_cast %parallel_loop3A_662 : vector<1x16xf32> to vector<16xf32>
      %parallel_loop3A_664 = arith.constant 6 : i32
      %parallel_loop3A_665 = arith.index_cast %parallel_loop3A_664 : i32 to index
      %parallel_loop3A_666 = arith.index_cast %parallel_loop3A_592 : i32 to index
      %parallel_loop3A_667 = arith.constant 80 : index
      %parallel_loop3A_668 = tpu.vector_load %arg7[%parallel_loop3A_665, %parallel_loop3A_666, %parallel_loop3A_667] {strides = array<i32>} : memref<8x64x128xf32, #tpu.memory_space<vmem>>, vector<1x1x16xf32>,
      %parallel_loop3A_669 = vector.shape_cast %parallel_loop3A_668 : vector<1x1x16xf32> to vector<16xf32>
      %parallel_loop3A_670 = vector.shape_cast %parallel_loop3A_663 : vector<16xf32> to vector<1x1x16xf32>
      tpu.vector_store %arg7[%parallel_loop3A_665, %parallel_loop3A_666, %parallel_loop3A_667], %parallel_loop3A_670 {add = true, strides = array<i32>} : memref<8x64x128xf32, #tpu.memory_space<vmem>>, vector<1x1x16xf32>,
      %parallel_loop3A_671 = arith.constant 0 : i32
      %parallel_loop3A_672 = arith.addi %parallel_loop3A_671, %parallel_loop3A_592 : i32
      %parallel_loop3A_673 = arith.index_cast %parallel_loop3A_672 : i32 to index
      %parallel_loop3A_674 = arith.constant 96 : index
      %parallel_loop3A_675 = tpu.vector_load %arg8[%parallel_loop3A_673, %parallel_loop3A_674] {strides = array<i32>} : memref<128x128xf32, #tpu.memory_space<vmem>>, vector<1x16xf32>,
      %parallel_loop3A_676 = vector.shape_cast %parallel_loop3A_675 : vector<1x16xf32> to vector<16xf32>
      %parallel_loop3A_677 = arith.constant 6 : i32
      %parallel_loop3A_678 = arith.index_cast %parallel_loop3A_677 : i32 to index
      %parallel_loop3A_679 = arith.index_cast %parallel_loop3A_592 : i32 to index
      %parallel_loop3A_680 = arith.constant 96 : index
      %parallel_loop3A_681 = tpu.vector_load %arg7[%parallel_loop3A_678, %parallel_loop3A_679, %parallel_loop3A_680] {strides = array<i32>} : memref<8x64x128xf32, #tpu.memory_space<vmem>>, vector<1x1x16xf32>,
      %parallel_loop3A_682 = vector.shape_cast %parallel_loop3A_681 : vector<1x1x16xf32> to vector<16xf32>
      %parallel_loop3A_683 = vector.shape_cast %parallel_loop3A_676 : vector<16xf32> to vector<1x1x16xf32>
      tpu.vector_store %arg7[%parallel_loop3A_678, %parallel_loop3A_679, %parallel_loop3A_680], %parallel_loop3A_683 {add = true, strides = array<i32>} : memref<8x64x128xf32, #tpu.memory_space<vmem>>, vector<1x1x16xf32>,
      %parallel_loop3A_684 = arith.constant 0 : i32
      %parallel_loop3A_685 = arith.addi %parallel_loop3A_684, %parallel_loop3A_592 : i32
      %parallel_loop3A_686 = arith.index_cast %parallel_loop3A_685 : i32 to index
      %parallel_loop3A_687 = arith.constant 112 : index
      %parallel_loop3A_688 = tpu.vector_load %arg8[%parallel_loop3A_686, %parallel_loop3A_687] {strides = array<i32>} : memref<128x128xf32, #tpu.memory_space<vmem>>, vector<1x16xf32>,
      %parallel_loop3A_689 = vector.shape_cast %parallel_loop3A_688 : vector<1x16xf32> to vector<16xf32>
      %parallel_loop3A_690 = arith.constant 6 : i32
      %parallel_loop3A_691 = arith.index_cast %parallel_loop3A_690 : i32 to index
      %parallel_loop3A_692 = arith.index_cast %parallel_loop3A_592 : i32 to index
      %parallel_loop3A_693 = arith.constant 112 : index
      %parallel_loop3A_694 = tpu.vector_load %arg7[%parallel_loop3A_691, %parallel_loop3A_692, %parallel_loop3A_693] {strides = array<i32>} : memref<8x64x128xf32, #tpu.memory_space<vmem>>, vector<1x1x16xf32>,
      %parallel_loop3A_695 = vector.shape_cast %parallel_loop3A_694 : vector<1x1x16xf32> to vector<16xf32>
      %parallel_loop3A_696 = vector.shape_cast %parallel_loop3A_689 : vector<16xf32> to vector<1x1x16xf32>
      tpu.vector_store %arg7[%parallel_loop3A_691, %parallel_loop3A_692, %parallel_loop3A_693], %parallel_loop3A_696 {add = true, strides = array<i32>} : memref<8x64x128xf32, #tpu.memory_space<vmem>>, vector<1x1x16xf32>,
    } {sc.loop_unroll_factor = 4 : i64, sc.parallel_access}
    %add3A_413 = arith.constant 0 : i32
    %add3A_414 = arith.addi %mul3A_2, %add3A_413 : i32
    %dma_start3A_415 = arith.constant 6 : i32
    %dma_start3A_416 = arith.constant 3 : i32
    %dma_start3A_417 = arith.constant 0 : i32
    %dma_start3A_418 = arith.constant 0 : i32
    %dma_start3A_419 = tpu.memref_slice %arg7[%dma_start3A_415, %dma_start3A_417, %dma_start3A_418] : memref<8x64x128xf32, #tpu.memory_space<vmem>> -> memref<1x64x128xf32, #tpu.memory_space<vmem>>
    %dma_start3A_420 = tpu.memref_squeeze %dma_start3A_419 : memref<1x64x128xf32, #tpu.memory_space<vmem>> -> memref<64x128xf32, #tpu.memory_space<vmem>>
    %dma_start3A_421 = arith.constant 0 : i32
    %dma_start3A_422 = tpu.memref_slice %arg5[%dma_start3A_416, %add3A_414, %dma_start3A_421] : memref<4x4096x128xf32, #tpu.memory_space<hbm>> -> memref<1x64x128xf32, #tpu.memory_space<hbm>>
    %dma_start3A_423 = tpu.memref_squeeze %dma_start3A_422 : memref<1x64x128xf32, #tpu.memory_space<hbm>> -> memref<64x128xf32, #tpu.memory_space<hbm>>
    %dma_start3A_424 = arith.constant 0 : i32
    %dma_start3A_425 = tpu.memref_slice %arg5[%dma_start3A_416, %add3A_414, %dma_start3A_424] : memref<4x4096x128xf32, #tpu.memory_space<hbm>> -> memref<1x64x128xf32, #tpu.memory_space<hbm>>
    %dma_start3A_426 = tpu.memref_squeeze %dma_start3A_425 : memref<1x64x128xf32, #tpu.memory_space<hbm>> -> memref<64x128xf32, #tpu.memory_space<hbm>>
    %dma_start3A_427 = arith.constant 0 : i32
    %dma_start3A_428 = arith.constant 0 : i32
    %dma_start3A_429 = tpu.memref_slice %arg7[%dma_start3A_415, %dma_start3A_427, %dma_start3A_428] : memref<8x64x128xf32, #tpu.memory_space<vmem>> -> memref<1x64x128xf32, #tpu.memory_space<vmem>>
    %dma_start3A_430 = tpu.memref_squeeze %dma_start3A_429 : memref<1x64x128xf32, #tpu.memory_space<vmem>> -> memref<64x128xf32, #tpu.memory_space<vmem>>
    tpu.enqueue_dma source(%dma_start3A_430 : memref<64x128xf32, #tpu.memory_space<vmem>>) target(%dma_start3A_426 : memref<64x128xf32, #tpu.memory_space<hbm>>) target_semaphore(%arg10 : memref<!tpu.dma_semaphore, #tpu.memory_space<semaphore_mem>>)
    %dma_wait3A_431 = arith.constant 3 : i32
    %dma_wait3A_432 = arith.constant 7 : i32
    %dma_wait3A_433 = arith.constant 0 : i32
    %dma_wait3A_434 = arith.constant 0 : i32
    %dma_wait3A_435 = tpu.memref_slice %arg7[%dma_wait3A_432, %dma_wait3A_433, %dma_wait3A_434] : memref<8x64x128xf32, #tpu.memory_space<vmem>> -> memref<1x64x128xf32, #tpu.memory_space<vmem>>
    %dma_wait3A_436 = tpu.memref_squeeze %dma_wait3A_435 : memref<1x64x128xf32, #tpu.memory_space<vmem>> -> memref<64x128xf32, #tpu.memory_space<vmem>>
    %dma_wait3A_437 = arith.constant 64 : i32
    %dma_wait3A_438 = tpu.memref_slice %arg6[%dma_wait3A_431, %dma_wait3A_437] : memref<4x128xi32, #tpu.memory_space<vmem>> -> memref<1x64xi32, #tpu.memory_space<vmem>>
    %dma_wait3A_439 = tpu.memref_squeeze %dma_wait3A_438 : memref<1x64xi32, #tpu.memory_space<vmem>> -> memref<64xi32, #tpu.memory_space<vmem>>
    %dma_wait3A_440 = arith.constant 0 : i32
    %dma_wait3A_441 = arith.constant 0 : i32
    %dma_wait3A_442 = tpu.memref_slice %arg3[%dma_wait3A_440, %dma_wait3A_441] : memref<100000x128xf32, #tpu.memory_space<hbm>> -> memref<100000x128xf32, #tpu.memory_space<hbm>>
    tpu.wait_indirect_dma semaphore(%arg18 : memref<!tpu.dma_semaphore, #tpu.memory_space<semaphore_mem>>) src(%dma_wait3A_442 : memref<100000x128xf32, #tpu.memory_space<hbm>>) dst(%dma_wait3A_436 : memref<64x128xf32, #tpu.memory_space<vmem>>)
    %parallel_loop3A_443 = arith.constant 0 : i32
    %parallel_loop3A_444 = arith.constant 64 : i32
    %parallel_loop3A_445 = arith.constant 1 : i32
    scf.for %parallel_loop3A_592 = %parallel_loop3A_443 to %parallel_loop3A_444 step %parallel_loop3A_445  : i32 {
      %parallel_loop3A_593 = arith.constant 64 : i32
      %parallel_loop3A_594 = arith.addi %parallel_loop3A_593, %parallel_loop3A_592 : i32
      %parallel_loop3A_595 = arith.index_cast %parallel_loop3A_594 : i32 to index
      %parallel_loop3A_596 = arith.constant 0 : index
      %parallel_loop3A_597 = tpu.vector_load %arg8[%parallel_loop3A_595, %parallel_loop3A_596] {strides = array<i32>} : memref<128x128xf32, #tpu.memory_space<vmem>>, vector<1x16xf32>,
      %parallel_loop3A_598 = vector.shape_cast %parallel_loop3A_597 : vector<1x16xf32> to vector<16xf32>
      %parallel_loop3A_599 = arith.constant 7 : i32
      %parallel_loop3A_600 = arith.index_cast %parallel_loop3A_599 : i32 to index
      %parallel_loop3A_601 = arith.index_cast %parallel_loop3A_592 : i32 to index
      %parallel_loop3A_602 = arith.constant 0 : index
      %parallel_loop3A_603 = tpu.vector_load %arg7[%parallel_loop3A_600, %parallel_loop3A_601, %parallel_loop3A_602] {strides = array<i32>} : memref<8x64x128xf32, #tpu.memory_space<vmem>>, vector<1x1x16xf32>,
      %parallel_loop3A_604 = vector.shape_cast %parallel_loop3A_603 : vector<1x1x16xf32> to vector<16xf32>
      %parallel_loop3A_605 = vector.shape_cast %parallel_loop3A_598 : vector<16xf32> to vector<1x1x16xf32>
      tpu.vector_store %arg7[%parallel_loop3A_600, %parallel_loop3A_601, %parallel_loop3A_602], %parallel_loop3A_605 {add = true, strides = array<i32>} : memref<8x64x128xf32, #tpu.memory_space<vmem>>, vector<1x1x16xf32>,
      %parallel_loop3A_606 = arith.constant 64 : i32
      %parallel_loop3A_607 = arith.addi %parallel_loop3A_606, %parallel_loop3A_592 : i32
      %parallel_loop3A_608 = arith.index_cast %parallel_loop3A_607 : i32 to index
      %parallel_loop3A_609 = arith.constant 16 : index
      %parallel_loop3A_610 = tpu.vector_load %arg8[%parallel_loop3A_608, %parallel_loop3A_609] {strides = array<i32>} : memref<128x128xf32, #tpu.memory_space<vmem>>, vector<1x16xf32>,
      %parallel_loop3A_611 = vector.shape_cast %parallel_loop3A_610 : vector<1x16xf32> to vector<16xf32>
      %parallel_loop3A_612 = arith.constant 7 : i32
      %parallel_loop3A_613 = arith.index_cast %parallel_loop3A_612 : i32 to index
      %parallel_loop3A_614 = arith.index_cast %parallel_loop3A_592 : i32 to index
      %parallel_loop3A_615 = arith.constant 16 : index
      %parallel_loop3A_616 = tpu.vector_load %arg7[%parallel_loop3A_613, %parallel_loop3A_614, %parallel_loop3A_615] {strides = array<i32>} : memref<8x64x128xf32, #tpu.memory_space<vmem>>, vector<1x1x16xf32>,
      %parallel_loop3A_617 = vector.shape_cast %parallel_loop3A_616 : vector<1x1x16xf32> to vector<16xf32>
      %parallel_loop3A_618 = vector.shape_cast %parallel_loop3A_611 : vector<16xf32> to vector<1x1x16xf32>
      tpu.vector_store %arg7[%parallel_loop3A_613, %parallel_loop3A_614, %parallel_loop3A_615], %parallel_loop3A_618 {add = true, strides = array<i32>} : memref<8x64x128xf32, #tpu.memory_space<vmem>>, vector<1x1x16xf32>,
      %parallel_loop3A_619 = arith.constant 64 : i32
      %parallel_loop3A_620 = arith.addi %parallel_loop3A_619, %parallel_loop3A_592 : i32
      %parallel_loop3A_621 = arith.index_cast %parallel_loop3A_620 : i32 to index
      %parallel_loop3A_622 = arith.constant 32 : index
      %parallel_loop3A_623 = tpu.vector_load %arg8[%parallel_loop3A_621, %parallel_loop3A_622] {strides = array<i32>} : memref<128x128xf32, #tpu.memory_space<vmem>>, vector<1x16xf32>,
      %parallel_loop3A_624 = vector.shape_cast %parallel_loop3A_623 : vector<1x16xf32> to vector<16xf32>
      %parallel_loop3A_625 = arith.constant 7 : i32
      %parallel_loop3A_626 = arith.index_cast %parallel_loop3A_625 : i32 to index
      %parallel_loop3A_627 = arith.index_cast %parallel_loop3A_592 : i32 to index
      %parallel_loop3A_628 = arith.constant 32 : index
      %parallel_loop3A_629 = tpu.vector_load %arg7[%parallel_loop3A_626, %parallel_loop3A_627, %parallel_loop3A_628] {strides = array<i32>} : memref<8x64x128xf32, #tpu.memory_space<vmem>>, vector<1x1x16xf32>,
      %parallel_loop3A_630 = vector.shape_cast %parallel_loop3A_629 : vector<1x1x16xf32> to vector<16xf32>
      %parallel_loop3A_631 = vector.shape_cast %parallel_loop3A_624 : vector<16xf32> to vector<1x1x16xf32>
      tpu.vector_store %arg7[%parallel_loop3A_626, %parallel_loop3A_627, %parallel_loop3A_628], %parallel_loop3A_631 {add = true, strides = array<i32>} : memref<8x64x128xf32, #tpu.memory_space<vmem>>, vector<1x1x16xf32>,
      %parallel_loop3A_632 = arith.constant 64 : i32
      %parallel_loop3A_633 = arith.addi %parallel_loop3A_632, %parallel_loop3A_592 : i32
      %parallel_loop3A_634 = arith.index_cast %parallel_loop3A_633 : i32 to index
      %parallel_loop3A_635 = arith.constant 48 : index
      %parallel_loop3A_636 = tpu.vector_load %arg8[%parallel_loop3A_634, %parallel_loop3A_635] {strides = array<i32>} : memref<128x128xf32, #tpu.memory_space<vmem>>, vector<1x16xf32>,
      %parallel_loop3A_637 = vector.shape_cast %parallel_loop3A_636 : vector<1x16xf32> to vector<16xf32>
      %parallel_loop3A_638 = arith.constant 7 : i32
      %parallel_loop3A_639 = arith.index_cast %parallel_loop3A_638 : i32 to index
      %parallel_loop3A_640 = arith.index_cast %parallel_loop3A_592 : i32 to index
      %parallel_loop3A_641 = arith.constant 48 : index
      %parallel_loop3A_642 = tpu.vector_load %arg7[%parallel_loop3A_639, %parallel_loop3A_640, %parallel_loop3A_641] {strides = array<i32>} : memref<8x64x128xf32, #tpu.memory_space<vmem>>, vector<1x1x16xf32>,
      %parallel_loop3A_643 = vector.shape_cast %parallel_loop3A_642 : vector<1x1x16xf32> to vector<16xf32>
      %parallel_loop3A_644 = vector.shape_cast %parallel_loop3A_637 : vector<16xf32> to vector<1x1x16xf32>
      tpu.vector_store %arg7[%parallel_loop3A_639, %parallel_loop3A_640, %parallel_loop3A_641], %parallel_loop3A_644 {add = true, strides = array<i32>} : memref<8x64x128xf32, #tpu.memory_space<vmem>>, vector<1x1x16xf32>,
      %parallel_loop3A_645 = arith.constant 64 : i32
      %parallel_loop3A_646 = arith.addi %parallel_loop3A_645, %parallel_loop3A_592 : i32
      %parallel_loop3A_647 = arith.index_cast %parallel_loop3A_646 : i32 to index
      %parallel_loop3A_648 = arith.constant 64 : index
      %parallel_loop3A_649 = tpu.vector_load %arg8[%parallel_loop3A_647, %parallel_loop3A_648] {strides = array<i32>} : memref<128x128xf32, #tpu.memory_space<vmem>>, vector<1x16xf32>,
      %parallel_loop3A_650 = vector.shape_cast %parallel_loop3A_649 : vector<1x16xf32> to vector<16xf32>
      %parallel_loop3A_651 = arith.constant 7 : i32
      %parallel_loop3A_652 = arith.index_cast %parallel_loop3A_651 : i32 to index
      %parallel_loop3A_653 = arith.index_cast %parallel_loop3A_592 : i32 to index
      %parallel_loop3A_654 = arith.constant 64 : index
      %parallel_loop3A_655 = tpu.vector_load %arg7[%parallel_loop3A_652, %parallel_loop3A_653, %parallel_loop3A_654] {strides = array<i32>} : memref<8x64x128xf32, #tpu.memory_space<vmem>>, vector<1x1x16xf32>,
      %parallel_loop3A_656 = vector.shape_cast %parallel_loop3A_655 : vector<1x1x16xf32> to vector<16xf32>
      %parallel_loop3A_657 = vector.shape_cast %parallel_loop3A_650 : vector<16xf32> to vector<1x1x16xf32>
      tpu.vector_store %arg7[%parallel_loop3A_652, %parallel_loop3A_653, %parallel_loop3A_654], %parallel_loop3A_657 {add = true, strides = array<i32>} : memref<8x64x128xf32, #tpu.memory_space<vmem>>, vector<1x1x16xf32>,
      %parallel_loop3A_658 = arith.constant 64 : i32
      %parallel_loop3A_659 = arith.addi %parallel_loop3A_658, %parallel_loop3A_592 : i32
      %parallel_loop3A_660 = arith.index_cast %parallel_loop3A_659 : i32 to index
      %parallel_loop3A_661 = arith.constant 80 : index
      %parallel_loop3A_662 = tpu.vector_load %arg8[%parallel_loop3A_660, %parallel_loop3A_661] {strides = array<i32>} : memref<128x128xf32, #tpu.memory_space<vmem>>, vector<1x16xf32>,
      %parallel_loop3A_663 = vector.shape_cast %parallel_loop3A_662 : vector<1x16xf32> to vector<16xf32>
      %parallel_loop3A_664 = arith.constant 7 : i32
      %parallel_loop3A_665 = arith.index_cast %parallel_loop3A_664 : i32 to index
      %parallel_loop3A_666 = arith.index_cast %parallel_loop3A_592 : i32 to index
      %parallel_loop3A_667 = arith.constant 80 : index
      %parallel_loop3A_668 = tpu.vector_load %arg7[%parallel_loop3A_665, %parallel_loop3A_666, %parallel_loop3A_667] {strides = array<i32>} : memref<8x64x128xf32, #tpu.memory_space<vmem>>, vector<1x1x16xf32>,
      %parallel_loop3A_669 = vector.shape_cast %parallel_loop3A_668 : vector<1x1x16xf32> to vector<16xf32>
      %parallel_loop3A_670 = vector.shape_cast %parallel_loop3A_663 : vector<16xf32> to vector<1x1x16xf32>
      tpu.vector_store %arg7[%parallel_loop3A_665, %parallel_loop3A_666, %parallel_loop3A_667], %parallel_loop3A_670 {add = true, strides = array<i32>} : memref<8x64x128xf32, #tpu.memory_space<vmem>>, vector<1x1x16xf32>,
      %parallel_loop3A_671 = arith.constant 64 : i32
      %parallel_loop3A_672 = arith.addi %parallel_loop3A_671, %parallel_loop3A_592 : i32
      %parallel_loop3A_673 = arith.index_cast %parallel_loop3A_672 : i32 to index
      %parallel_loop3A_674 = arith.constant 96 : index
      %parallel_loop3A_675 = tpu.vector_load %arg8[%parallel_loop3A_673, %parallel_loop3A_674] {strides = array<i32>} : memref<128x128xf32, #tpu.memory_space<vmem>>, vector<1x16xf32>,
      %parallel_loop3A_676 = vector.shape_cast %parallel_loop3A_675 : vector<1x16xf32> to vector<16xf32>
      %parallel_loop3A_677 = arith.constant 7 : i32
      %parallel_loop3A_678 = arith.index_cast %parallel_loop3A_677 : i32 to index
      %parallel_loop3A_679 = arith.index_cast %parallel_loop3A_592 : i32 to index
      %parallel_loop3A_680 = arith.constant 96 : index
      %parallel_loop3A_681 = tpu.vector_load %arg7[%parallel_loop3A_678, %parallel_loop3A_679, %parallel_loop3A_680] {strides = array<i32>} : memref<8x64x128xf32, #tpu.memory_space<vmem>>, vector<1x1x16xf32>,
      %parallel_loop3A_682 = vector.shape_cast %parallel_loop3A_681 : vector<1x1x16xf32> to vector<16xf32>
      %parallel_loop3A_683 = vector.shape_cast %parallel_loop3A_676 : vector<16xf32> to vector<1x1x16xf32>
      tpu.vector_store %arg7[%parallel_loop3A_678, %parallel_loop3A_679, %parallel_loop3A_680], %parallel_loop3A_683 {add = true, strides = array<i32>} : memref<8x64x128xf32, #tpu.memory_space<vmem>>, vector<1x1x16xf32>,
      %parallel_loop3A_684 = arith.constant 64 : i32
      %parallel_loop3A_685 = arith.addi %parallel_loop3A_684, %parallel_loop3A_592 : i32
      %parallel_loop3A_686 = arith.index_cast %parallel_loop3A_685 : i32 to index
      %parallel_loop3A_687 = arith.constant 112 : index
      %parallel_loop3A_688 = tpu.vector_load %arg8[%parallel_loop3A_686, %parallel_loop3A_687] {strides = array<i32>} : memref<128x128xf32, #tpu.memory_space<vmem>>, vector<1x16xf32>,
      %parallel_loop3A_689 = vector.shape_cast %parallel_loop3A_688 : vector<1x16xf32> to vector<16xf32>
      %parallel_loop3A_690 = arith.constant 7 : i32
      %parallel_loop3A_691 = arith.index_cast %parallel_loop3A_690 : i32 to index
      %parallel_loop3A_692 = arith.index_cast %parallel_loop3A_592 : i32 to index
      %parallel_loop3A_693 = arith.constant 112 : index
      %parallel_loop3A_694 = tpu.vector_load %arg7[%parallel_loop3A_691, %parallel_loop3A_692, %parallel_loop3A_693] {strides = array<i32>} : memref<8x64x128xf32, #tpu.memory_space<vmem>>, vector<1x1x16xf32>,
      %parallel_loop3A_695 = vector.shape_cast %parallel_loop3A_694 : vector<1x1x16xf32> to vector<16xf32>
      %parallel_loop3A_696 = vector.shape_cast %parallel_loop3A_689 : vector<16xf32> to vector<1x1x16xf32>
      tpu.vector_store %arg7[%parallel_loop3A_691, %parallel_loop3A_692, %parallel_loop3A_693], %parallel_loop3A_696 {add = true, strides = array<i32>} : memref<8x64x128xf32, #tpu.memory_space<vmem>>, vector<1x1x16xf32>,
    } {sc.loop_unroll_factor = 4 : i64, sc.parallel_access}
    %add3A_446 = arith.constant 64 : i32
    %add3A_447 = arith.addi %mul3A_2, %add3A_446 : i32
    %dma_start3A_448 = arith.constant 7 : i32
    %dma_start3A_449 = arith.constant 3 : i32
    %dma_start3A_450 = arith.constant 0 : i32
    %dma_start3A_451 = arith.constant 0 : i32
    %dma_start3A_452 = tpu.memref_slice %arg7[%dma_start3A_448, %dma_start3A_450, %dma_start3A_451] : memref<8x64x128xf32, #tpu.memory_space<vmem>> -> memref<1x64x128xf32, #tpu.memory_space<vmem>>
    %dma_start3A_453 = tpu.memref_squeeze %dma_start3A_452 : memref<1x64x128xf32, #tpu.memory_space<vmem>> -> memref<64x128xf32, #tpu.memory_space<vmem>>
    %dma_start3A_454 = arith.constant 0 : i32
    %dma_start3A_455 = tpu.memref_slice %arg5[%dma_start3A_449, %add3A_447, %dma_start3A_454] : memref<4x4096x128xf32, #tpu.memory_space<hbm>> -> memref<1x64x128xf32, #tpu.memory_space<hbm>>
    %dma_start3A_456 = tpu.memref_squeeze %dma_start3A_455 : memref<1x64x128xf32, #tpu.memory_space<hbm>> -> memref<64x128xf32, #tpu.memory_space<hbm>>
    %dma_start3A_457 = arith.constant 0 : i32
    %dma_start3A_458 = tpu.memref_slice %arg5[%dma_start3A_449, %add3A_447, %dma_start3A_457] : memref<4x4096x128xf32, #tpu.memory_space<hbm>> -> memref<1x64x128xf32, #tpu.memory_space<hbm>>
    %dma_start3A_459 = tpu.memref_squeeze %dma_start3A_458 : memref<1x64x128xf32, #tpu.memory_space<hbm>> -> memref<64x128xf32, #tpu.memory_space<hbm>>
    %dma_start3A_460 = arith.constant 0 : i32
    %dma_start3A_461 = arith.constant 0 : i32
    %dma_start3A_462 = tpu.memref_slice %arg7[%dma_start3A_448, %dma_start3A_460, %dma_start3A_461] : memref<8x64x128xf32, #tpu.memory_space<vmem>> -> memref<1x64x128xf32, #tpu.memory_space<vmem>>
    %dma_start3A_463 = tpu.memref_squeeze %dma_start3A_462 : memref<1x64x128xf32, #tpu.memory_space<vmem>> -> memref<64x128xf32, #tpu.memory_space<vmem>>
    tpu.enqueue_dma source(%dma_start3A_463 : memref<64x128xf32, #tpu.memory_space<vmem>>) target(%dma_start3A_459 : memref<64x128xf32, #tpu.memory_space<hbm>>) target_semaphore(%arg10 : memref<!tpu.dma_semaphore, #tpu.memory_space<semaphore_mem>>)
    %dma_wait3A_464 = arith.constant 0 : i32
    %dma_wait3A_465 = arith.constant 0 : i32
    %dma_wait3A_466 = arith.constant 0 : i32
    %dma_wait3A_467 = arith.constant 0 : i32
    %dma_wait3A_468 = tpu.memref_slice %arg7[%dma_wait3A_464, %dma_wait3A_466, %dma_wait3A_467] : memref<8x64x128xf32, #tpu.memory_space<vmem>> -> memref<1x64x128xf32, #tpu.memory_space<vmem>>
    %dma_wait3A_469 = tpu.memref_squeeze %dma_wait3A_468 : memref<1x64x128xf32, #tpu.memory_space<vmem>> -> memref<64x128xf32, #tpu.memory_space<vmem>>
    %dma_wait3A_470 = arith.constant 0 : i32
    %dma_wait3A_471 = tpu.memref_slice %arg5[%dma_wait3A_465, %add3A_216, %dma_wait3A_470] : memref<4x4096x128xf32, #tpu.memory_space<hbm>> -> memref<1x64x128xf32, #tpu.memory_space<hbm>>
    %dma_wait3A_472 = tpu.memref_squeeze %dma_wait3A_471 : memref<1x64x128xf32, #tpu.memory_space<hbm>> -> memref<64x128xf32, #tpu.memory_space<hbm>>
    %dma_wait3A_473 = arith.constant 0 : i32
    %dma_wait3A_474 = tpu.memref_slice %arg5[%dma_wait3A_465, %add3A_216, %dma_wait3A_473] : memref<4x4096x128xf32, #tpu.memory_space<hbm>> -> memref<1x64x128xf32, #tpu.memory_space<hbm>>
    %dma_wait3A_475 = tpu.memref_squeeze %dma_wait3A_474 : memref<1x64x128xf32, #tpu.memory_space<hbm>> -> memref<64x128xf32, #tpu.memory_space<hbm>>
    %dma_wait3A_476 = arith.constant 0 : i32
    %dma_wait3A_477 = arith.constant 0 : i32
    %dma_wait3A_478 = tpu.memref_slice %arg7[%dma_wait3A_464, %dma_wait3A_476, %dma_wait3A_477] : memref<8x64x128xf32, #tpu.memory_space<vmem>> -> memref<1x64x128xf32, #tpu.memory_space<vmem>>
    %dma_wait3A_479 = tpu.memref_squeeze %dma_wait3A_478 : memref<1x64x128xf32, #tpu.memory_space<vmem>> -> memref<64x128xf32, #tpu.memory_space<vmem>>
    tpu.wait_dma2 semaphore(%arg10 : memref<!tpu.dma_semaphore, #tpu.memory_space<semaphore_mem>>) src(%dma_wait3A_479 : memref<64x128xf32, #tpu.memory_space<vmem>>) dst(%dma_wait3A_475 : memref<64x128xf32, #tpu.memory_space<hbm>>)
    %dma_wait3A_480 = arith.constant 1 : i32
    %dma_wait3A_481 = arith.constant 0 : i32
    %dma_wait3A_482 = arith.constant 0 : i32
    %dma_wait3A_483 = arith.constant 0 : i32
    %dma_wait3A_484 = tpu.memref_slice %arg7[%dma_wait3A_480, %dma_wait3A_482, %dma_wait3A_483] : memref<8x64x128xf32, #tpu.memory_space<vmem>> -> memref<1x64x128xf32, #tpu.memory_space<vmem>>
    %dma_wait3A_485 = tpu.memref_squeeze %dma_wait3A_484 : memref<1x64x128xf32, #tpu.memory_space<vmem>> -> memref<64x128xf32, #tpu.memory_space<vmem>>
    %dma_wait3A_486 = arith.constant 0 : i32
    %dma_wait3A_487 = tpu.memref_slice %arg5[%dma_wait3A_481, %add3A_249, %dma_wait3A_486] : memref<4x4096x128xf32, #tpu.memory_space<hbm>> -> memref<1x64x128xf32, #tpu.memory_space<hbm>>
    %dma_wait3A_488 = tpu.memref_squeeze %dma_wait3A_487 : memref<1x64x128xf32, #tpu.memory_space<hbm>> -> memref<64x128xf32, #tpu.memory_space<hbm>>
    %dma_wait3A_489 = arith.constant 0 : i32
    %dma_wait3A_490 = tpu.memref_slice %arg5[%dma_wait3A_481, %add3A_249, %dma_wait3A_489] : memref<4x4096x128xf32, #tpu.memory_space<hbm>> -> memref<1x64x128xf32, #tpu.memory_space<hbm>>
    %dma_wait3A_491 = tpu.memref_squeeze %dma_wait3A_490 : memref<1x64x128xf32, #tpu.memory_space<hbm>> -> memref<64x128xf32, #tpu.memory_space<hbm>>
    %dma_wait3A_492 = arith.constant 0 : i32
    %dma_wait3A_493 = arith.constant 0 : i32
    %dma_wait3A_494 = tpu.memref_slice %arg7[%dma_wait3A_480, %dma_wait3A_492, %dma_wait3A_493] : memref<8x64x128xf32, #tpu.memory_space<vmem>> -> memref<1x64x128xf32, #tpu.memory_space<vmem>>
    %dma_wait3A_495 = tpu.memref_squeeze %dma_wait3A_494 : memref<1x64x128xf32, #tpu.memory_space<vmem>> -> memref<64x128xf32, #tpu.memory_space<vmem>>
    tpu.wait_dma2 semaphore(%arg10 : memref<!tpu.dma_semaphore, #tpu.memory_space<semaphore_mem>>) src(%dma_wait3A_495 : memref<64x128xf32, #tpu.memory_space<vmem>>) dst(%dma_wait3A_491 : memref<64x128xf32, #tpu.memory_space<hbm>>)
    %dma_wait3A_496 = arith.constant 2 : i32
    %dma_wait3A_497 = arith.constant 1 : i32
    %dma_wait3A_498 = arith.constant 0 : i32
    %dma_wait3A_499 = arith.constant 0 : i32
    %dma_wait3A_500 = tpu.memref_slice %arg7[%dma_wait3A_496, %dma_wait3A_498, %dma_wait3A_499] : memref<8x64x128xf32, #tpu.memory_space<vmem>> -> memref<1x64x128xf32, #tpu.memory_space<vmem>>
    %dma_wait3A_501 = tpu.memref_squeeze %dma_wait3A_500 : memref<1x64x128xf32, #tpu.memory_space<vmem>> -> memref<64x128xf32, #tpu.memory_space<vmem>>
    %dma_wait3A_502 = arith.constant 0 : i32
    %dma_wait3A_503 = tpu.memref_slice %arg5[%dma_wait3A_497, %add3A_282, %dma_wait3A_502] : memref<4x4096x128xf32, #tpu.memory_space<hbm>> -> memref<1x64x128xf32, #tpu.memory_space<hbm>>
    %dma_wait3A_504 = tpu.memref_squeeze %dma_wait3A_503 : memref<1x64x128xf32, #tpu.memory_space<hbm>> -> memref<64x128xf32, #tpu.memory_space<hbm>>
    %dma_wait3A_505 = arith.constant 0 : i32
    %dma_wait3A_506 = tpu.memref_slice %arg5[%dma_wait3A_497, %add3A_282, %dma_wait3A_505] : memref<4x4096x128xf32, #tpu.memory_space<hbm>> -> memref<1x64x128xf32, #tpu.memory_space<hbm>>
    %dma_wait3A_507 = tpu.memref_squeeze %dma_wait3A_506 : memref<1x64x128xf32, #tpu.memory_space<hbm>> -> memref<64x128xf32, #tpu.memory_space<hbm>>
    %dma_wait3A_508 = arith.constant 0 : i32
    %dma_wait3A_509 = arith.constant 0 : i32
    %dma_wait3A_510 = tpu.memref_slice %arg7[%dma_wait3A_496, %dma_wait3A_508, %dma_wait3A_509] : memref<8x64x128xf32, #tpu.memory_space<vmem>> -> memref<1x64x128xf32, #tpu.memory_space<vmem>>
    %dma_wait3A_511 = tpu.memref_squeeze %dma_wait3A_510 : memref<1x64x128xf32, #tpu.memory_space<vmem>> -> memref<64x128xf32, #tpu.memory_space<vmem>>
    tpu.wait_dma2 semaphore(%arg10 : memref<!tpu.dma_semaphore, #tpu.memory_space<semaphore_mem>>) src(%dma_wait3A_511 : memref<64x128xf32, #tpu.memory_space<vmem>>) dst(%dma_wait3A_507 : memref<64x128xf32, #tpu.memory_space<hbm>>)
    %dma_wait3A_512 = arith.constant 3 : i32
    %dma_wait3A_513 = arith.constant 1 : i32
    %dma_wait3A_514 = arith.constant 0 : i32
    %dma_wait3A_515 = arith.constant 0 : i32
    %dma_wait3A_516 = tpu.memref_slice %arg7[%dma_wait3A_512, %dma_wait3A_514, %dma_wait3A_515] : memref<8x64x128xf32, #tpu.memory_space<vmem>> -> memref<1x64x128xf32, #tpu.memory_space<vmem>>
    %dma_wait3A_517 = tpu.memref_squeeze %dma_wait3A_516 : memref<1x64x128xf32, #tpu.memory_space<vmem>> -> memref<64x128xf32, #tpu.memory_space<vmem>>
    %dma_wait3A_518 = arith.constant 0 : i32
    %dma_wait3A_519 = tpu.memref_slice %arg5[%dma_wait3A_513, %add3A_315, %dma_wait3A_518] : memref<4x4096x128xf32, #tpu.memory_space<hbm>> -> memref<1x64x128xf32, #tpu.memory_space<hbm>>
    %dma_wait3A_520 = tpu.memref_squeeze %dma_wait3A_519 : memref<1x64x128xf32, #tpu.memory_space<hbm>> -> memref<64x128xf32, #tpu.memory_space<hbm>>
    %dma_wait3A_521 = arith.constant 0 : i32
    %dma_wait3A_522 = tpu.memref_slice %arg5[%dma_wait3A_513, %add3A_315, %dma_wait3A_521] : memref<4x4096x128xf32, #tpu.memory_space<hbm>> -> memref<1x64x128xf32, #tpu.memory_space<hbm>>
    %dma_wait3A_523 = tpu.memref_squeeze %dma_wait3A_522 : memref<1x64x128xf32, #tpu.memory_space<hbm>> -> memref<64x128xf32, #tpu.memory_space<hbm>>
    %dma_wait3A_524 = arith.constant 0 : i32
    %dma_wait3A_525 = arith.constant 0 : i32
    %dma_wait3A_526 = tpu.memref_slice %arg7[%dma_wait3A_512, %dma_wait3A_524, %dma_wait3A_525] : memref<8x64x128xf32, #tpu.memory_space<vmem>> -> memref<1x64x128xf32, #tpu.memory_space<vmem>>
    %dma_wait3A_527 = tpu.memref_squeeze %dma_wait3A_526 : memref<1x64x128xf32, #tpu.memory_space<vmem>> -> memref<64x128xf32, #tpu.memory_space<vmem>>
    tpu.wait_dma2 semaphore(%arg10 : memref<!tpu.dma_semaphore, #tpu.memory_space<semaphore_mem>>) src(%dma_wait3A_527 : memref<64x128xf32, #tpu.memory_space<vmem>>) dst(%dma_wait3A_523 : memref<64x128xf32, #tpu.memory_space<hbm>>)
    %dma_wait3A_528 = arith.constant 4 : i32
    %dma_wait3A_529 = arith.constant 2 : i32
    %dma_wait3A_530 = arith.constant 0 : i32
    %dma_wait3A_531 = arith.constant 0 : i32
    %dma_wait3A_532 = tpu.memref_slice %arg7[%dma_wait3A_528, %dma_wait3A_530, %dma_wait3A_531] : memref<8x64x128xf32, #tpu.memory_space<vmem>> -> memref<1x64x128xf32, #tpu.memory_space<vmem>>
    %dma_wait3A_533 = tpu.memref_squeeze %dma_wait3A_532 : memref<1x64x128xf32, #tpu.memory_space<vmem>> -> memref<64x128xf32, #tpu.memory_space<vmem>>
    %dma_wait3A_534 = arith.constant 0 : i32
    %dma_wait3A_535 = tpu.memref_slice %arg5[%dma_wait3A_529, %add3A_348, %dma_wait3A_534] : memref<4x4096x128xf32, #tpu.memory_space<hbm>> -> memref<1x64x128xf32, #tpu.memory_space<hbm>>
    %dma_wait3A_536 = tpu.memref_squeeze %dma_wait3A_535 : memref<1x64x128xf32, #tpu.memory_space<hbm>> -> memref<64x128xf32, #tpu.memory_space<hbm>>
    %dma_wait3A_537 = arith.constant 0 : i32
    %dma_wait3A_538 = tpu.memref_slice %arg5[%dma_wait3A_529, %add3A_348, %dma_wait3A_537] : memref<4x4096x128xf32, #tpu.memory_space<hbm>> -> memref<1x64x128xf32, #tpu.memory_space<hbm>>
    %dma_wait3A_539 = tpu.memref_squeeze %dma_wait3A_538 : memref<1x64x128xf32, #tpu.memory_space<hbm>> -> memref<64x128xf32, #tpu.memory_space<hbm>>
    %dma_wait3A_540 = arith.constant 0 : i32
    %dma_wait3A_541 = arith.constant 0 : i32
    %dma_wait3A_542 = tpu.memref_slice %arg7[%dma_wait3A_528, %dma_wait3A_540, %dma_wait3A_541] : memref<8x64x128xf32, #tpu.memory_space<vmem>> -> memref<1x64x128xf32, #tpu.memory_space<vmem>>
    %dma_wait3A_543 = tpu.memref_squeeze %dma_wait3A_542 : memref<1x64x128xf32, #tpu.memory_space<vmem>> -> memref<64x128xf32, #tpu.memory_space<vmem>>
    tpu.wait_dma2 semaphore(%arg10 : memref<!tpu.dma_semaphore, #tpu.memory_space<semaphore_mem>>) src(%dma_wait3A_543 : memref<64x128xf32, #tpu.memory_space<vmem>>) dst(%dma_wait3A_539 : memref<64x128xf32, #tpu.memory_space<hbm>>)
    %dma_wait3A_544 = arith.constant 5 : i32
    %dma_wait3A_545 = arith.constant 2 : i32
    %dma_wait3A_546 = arith.constant 0 : i32
    %dma_wait3A_547 = arith.constant 0 : i32
    %dma_wait3A_548 = tpu.memref_slice %arg7[%dma_wait3A_544, %dma_wait3A_546, %dma_wait3A_547] : memref<8x64x128xf32, #tpu.memory_space<vmem>> -> memref<1x64x128xf32, #tpu.memory_space<vmem>>
    %dma_wait3A_549 = tpu.memref_squeeze %dma_wait3A_548 : memref<1x64x128xf32, #tpu.memory_space<vmem>> -> memref<64x128xf32, #tpu.memory_space<vmem>>
    %dma_wait3A_550 = arith.constant 0 : i32
    %dma_wait3A_551 = tpu.memref_slice %arg5[%dma_wait3A_545, %add3A_381, %dma_wait3A_550] : memref<4x4096x128xf32, #tpu.memory_space<hbm>> -> memref<1x64x128xf32, #tpu.memory_space<hbm>>
    %dma_wait3A_552 = tpu.memref_squeeze %dma_wait3A_551 : memref<1x64x128xf32, #tpu.memory_space<hbm>> -> memref<64x128xf32, #tpu.memory_space<hbm>>
    %dma_wait3A_553 = arith.constant 0 : i32
    %dma_wait3A_554 = tpu.memref_slice %arg5[%dma_wait3A_545, %add3A_381, %dma_wait3A_553] : memref<4x4096x128xf32, #tpu.memory_space<hbm>> -> memref<1x64x128xf32, #tpu.memory_space<hbm>>
    %dma_wait3A_555 = tpu.memref_squeeze %dma_wait3A_554 : memref<1x64x128xf32, #tpu.memory_space<hbm>> -> memref<64x128xf32, #tpu.memory_space<hbm>>
    %dma_wait3A_556 = arith.constant 0 : i32
    %dma_wait3A_557 = arith.constant 0 : i32
    %dma_wait3A_558 = tpu.memref_slice %arg7[%dma_wait3A_544, %dma_wait3A_556, %dma_wait3A_557] : memref<8x64x128xf32, #tpu.memory_space<vmem>> -> memref<1x64x128xf32, #tpu.memory_space<vmem>>
    %dma_wait3A_559 = tpu.memref_squeeze %dma_wait3A_558 : memref<1x64x128xf32, #tpu.memory_space<vmem>> -> memref<64x128xf32, #tpu.memory_space<vmem>>
    tpu.wait_dma2 semaphore(%arg10 : memref<!tpu.dma_semaphore, #tpu.memory_space<semaphore_mem>>) src(%dma_wait3A_559 : memref<64x128xf32, #tpu.memory_space<vmem>>) dst(%dma_wait3A_555 : memref<64x128xf32, #tpu.memory_space<hbm>>)
    %dma_wait3A_560 = arith.constant 6 : i32
    %dma_wait3A_561 = arith.constant 3 : i32
    %dma_wait3A_562 = arith.constant 0 : i32
    %dma_wait3A_563 = arith.constant 0 : i32
    %dma_wait3A_564 = tpu.memref_slice %arg7[%dma_wait3A_560, %dma_wait3A_562, %dma_wait3A_563] : memref<8x64x128xf32, #tpu.memory_space<vmem>> -> memref<1x64x128xf32, #tpu.memory_space<vmem>>
    %dma_wait3A_565 = tpu.memref_squeeze %dma_wait3A_564 : memref<1x64x128xf32, #tpu.memory_space<vmem>> -> memref<64x128xf32, #tpu.memory_space<vmem>>
    %dma_wait3A_566 = arith.constant 0 : i32
    %dma_wait3A_567 = tpu.memref_slice %arg5[%dma_wait3A_561, %add3A_414, %dma_wait3A_566] : memref<4x4096x128xf32, #tpu.memory_space<hbm>> -> memref<1x64x128xf32, #tpu.memory_space<hbm>>
    %dma_wait3A_568 = tpu.memref_squeeze %dma_wait3A_567 : memref<1x64x128xf32, #tpu.memory_space<hbm>> -> memref<64x128xf32, #tpu.memory_space<hbm>>
    %dma_wait3A_569 = arith.constant 0 : i32
    %dma_wait3A_570 = tpu.memref_slice %arg5[%dma_wait3A_561, %add3A_414, %dma_wait3A_569] : memref<4x4096x128xf32, #tpu.memory_space<hbm>> -> memref<1x64x128xf32, #tpu.memory_space<hbm>>
    %dma_wait3A_571 = tpu.memref_squeeze %dma_wait3A_570 : memref<1x64x128xf32, #tpu.memory_space<hbm>> -> memref<64x128xf32, #tpu.memory_space<hbm>>
    %dma_wait3A_572 = arith.constant 0 : i32
    %dma_wait3A_573 = arith.constant 0 : i32
    %dma_wait3A_574 = tpu.memref_slice %arg7[%dma_wait3A_560, %dma_wait3A_572, %dma_wait3A_573] : memref<8x64x128xf32, #tpu.memory_space<vmem>> -> memref<1x64x128xf32, #tpu.memory_space<vmem>>
    %dma_wait3A_575 = tpu.memref_squeeze %dma_wait3A_574 : memref<1x64x128xf32, #tpu.memory_space<vmem>> -> memref<64x128xf32, #tpu.memory_space<vmem>>
    tpu.wait_dma2 semaphore(%arg10 : memref<!tpu.dma_semaphore, #tpu.memory_space<semaphore_mem>>) src(%dma_wait3A_575 : memref<64x128xf32, #tpu.memory_space<vmem>>) dst(%dma_wait3A_571 : memref<64x128xf32, #tpu.memory_space<hbm>>)
    %dma_wait3A_576 = arith.constant 7 : i32
    %dma_wait3A_577 = arith.constant 3 : i32
    %dma_wait3A_578 = arith.constant 0 : i32
    %dma_wait3A_579 = arith.constant 0 : i32
    %dma_wait3A_580 = tpu.memref_slice %arg7[%dma_wait3A_576, %dma_wait3A_578, %dma_wait3A_579] : memref<8x64x128xf32, #tpu.memory_space<vmem>> -> memref<1x64x128xf32, #tpu.memory_space<vmem>>
    %dma_wait3A_581 = tpu.memref_squeeze %dma_wait3A_580 : memref<1x64x128xf32, #tpu.memory_space<vmem>> -> memref<64x128xf32, #tpu.memory_space<vmem>>
    %dma_wait3A_582 = arith.constant 0 : i32
    %dma_wait3A_583 = tpu.memref_slice %arg5[%dma_wait3A_577, %add3A_447, %dma_wait3A_582] : memref<4x4096x128xf32, #tpu.memory_space<hbm>> -> memref<1x64x128xf32, #tpu.memory_space<hbm>>
    %dma_wait3A_584 = tpu.memref_squeeze %dma_wait3A_583 : memref<1x64x128xf32, #tpu.memory_space<hbm>> -> memref<64x128xf32, #tpu.memory_space<hbm>>
    %dma_wait3A_585 = arith.constant 0 : i32
    %dma_wait3A_586 = tpu.memref_slice %arg5[%dma_wait3A_577, %add3A_447, %dma_wait3A_585] : memref<4x4096x128xf32, #tpu.memory_space<hbm>> -> memref<1x64x128xf32, #tpu.memory_space<hbm>>
    %dma_wait3A_587 = tpu.memref_squeeze %dma_wait3A_586 : memref<1x64x128xf32, #tpu.memory_space<hbm>> -> memref<64x128xf32, #tpu.memory_space<hbm>>
    %dma_wait3A_588 = arith.constant 0 : i32
    %dma_wait3A_589 = arith.constant 0 : i32
    %dma_wait3A_590 = tpu.memref_slice %arg7[%dma_wait3A_576, %dma_wait3A_588, %dma_wait3A_589] : memref<8x64x128xf32, #tpu.memory_space<vmem>> -> memref<1x64x128xf32, #tpu.memory_space<vmem>>
    %dma_wait3A_591 = tpu.memref_squeeze %dma_wait3A_590 : memref<1x64x128xf32, #tpu.memory_space<vmem>> -> memref<64x128xf32, #tpu.memory_space<vmem>>
    tpu.wait_dma2 semaphore(%arg10 : memref<!tpu.dma_semaphore, #tpu.memory_space<semaphore_mem>>) src(%dma_wait3A_591 : memref<64x128xf32, #tpu.memory_space<vmem>>) dst(%dma_wait3A_587 : memref<64x128xf32, #tpu.memory_space<hbm>>)
    return
  }
}

</mosaic_0001>

<sc_bundles>
// kernel: kernel.3.cloned.1.call-start
scs
__scs_entry_jumppad:
0x0: {  	(pc) =	sbr.rel $0x88, $3  }
0x1: {  	(tag) =	ssettag $0x0;
	lr =	simm.s32 $0x1  }
0x2: {  	[smem:$0x3F9E] =	sst lr;
	_ =	strace $0xD0000000  }
0x3: {  	_ = 	snop  }
0x4: {  	_ = 	snop  }
0x5: {  	_ = 	snop  }
0x6: {  	_ = 	snop  }
0x7: {  	_ = 	snop  }
__scs_overlays_trampoline_lowered:
0x8: {  	[smem:$0x3FAD] =	sst s0  }
0x9: {  	[smem:$0x3FAE] =	sst s1  }
0xa: {  	[smem:$0x3FAF] =	sst s2  }
0xb: {  	[smem:$0x3FB0] =	sst s3  }
0xc: {  	[smem:$0x3FB1] =	sst s4  }
0xd: {  	[smem:$0x3FB2] =	sst s5  }
0xe: {  	[smem:$0x3FB3] =	sst s6  }
0xf: {  	[smem:$0x3FB4] =	sst s7  }
0x10: {  	[smem:$0x3FB5] =	sst s8  }
0x11: {  	[smem:$0x3FB6] =	sst s9;
	s0 =	simm.s32 @!p0 $0x0  }
0x12: {  	s1 =	sld [smem:$0x3F9C];
	s0 =	simm.s32 @p0 $0x1  }
0x13: {  	[smem:$0x3FB7] =	sst s0;
	s0 =	simm.s32 @!p1 $0x0  }
0x14: {  	s2 =	sld [smem:$0x3F9B];
	s0 =	simm.s32 @p1 $0x1  }
0x15: {  	[smem:$0x3FB8] =	sst s0;
	s0 =	simm.s32 @!p2 $0x0  }
0x16: {  	s3 =	sld [smem:$0x3FDB];
	s0 =	simm.s32 @p2 $0x1  }
0x17: {  	s4 =	simm.s32 $0x1BF5;
	[smem:$0x3FBA] =	sst s0  }
0x18: {  	s0 =	sld [smem:$0x3F9D];
	_ =	swait.ge [sflag:s4], $0x0  }
0x19: {  	s7 =	sld [smem:$0x3F9E]  }
0x1a: {  	s8 =	sadd.s32 $0xFFFFE003, lr  }
0x1b: {  	s9 =	sadd.s32 $0xFFFFFEF7, lr;
	s5 =	simm.s32 $0xFFFFFFFF;
	p2 =	slt.u32 s8, $0xFFFFF086  }
0x1c: {  	p1 =	slt.u32 s9, $0xF7A;
	s5 =	simm.s32 @!p2 $0x0  }
0x1d: {  	s5 =	simm.s32 @p1 $0x1;
	p0 =	seq.s32 s7, s2  }
0x1e: {  	s7 =	smul.u32 @!p0 $0xF7A, s2;
	p2 =	seq.s32 @!p0 s5, $0x0  }
0x1f: {  	s9 =	smul.u32 $0xF7A, s1;
	s8 =	simm.s32 @!p0 $0x1BF5;
	p2 =	por !p2, p0  }
0x20: {  	[sflag:s8] =	ssyncset.s32 @!p0 $0xFFFFF086;
	s6 =	sadd.s32 @!p0 s3, s7;
	s7 =	simm.s32 @!p0 $0x108  }
0x21: {  	s3 =	sadd.s32 s3, s9;
	s6 =	sadd.s32 @!p0 $0x88, s6;
	s7 =	simm.s32 @p2 $0x1082  }
0x22: {  	[simem:s7], [sflag:s8] =	dma.local @!p0 [hbm:s6], $0xF7A  }
0x23: {  	s9 =	sor.u32 $0xD0000000, s2;
	s6 =	simm.s32 $0x108;
	_ =	swait.ge @!p0 [sflag:s8], $0x0  }
0x24: {  	s3 =	sadd.s32 $0x88, s3;
	s6 =	simm.s32 @!p1 $0x1082;
	[sflag:s4] =	ssyncset.s32 $0xFFFFF086  }
0x25: {  	[simem:s6], [sflag:s4] =	dma.local [hbm:s3], $0xF7A  }
0x26: {  	[smem:$0x3F9E] =	sst s1;
	(tag) =	ssettag s2;
	_ =	strace s9  }
0x27: {  	s1 =	sld [smem:$0x3FAE]  }
0x28: {  	s2 =	sld [smem:$0x3FAF]  }
0x29: {  	s4 =	sld [smem:$0x3FB1]  }
0x2a: {  	p0 =	seq.s32 s5, $0x0;
	s5 =	sld [smem:$0x3FB2]  }
0x2b: {  	s6 =	sld [smem:$0x3FB3]  }
0x2c: {  	s7 =	sld [smem:$0x3FB4]  }
0x2d: {  	s3 =	simm.s32 $0x108;
	s8 =	sld [smem:$0x3FB5]  }
0x2e: {  	s3 =	simm.s32 @!p0 $0x1082;
	s9 =	sld [smem:$0x3FB6]  }
0x2f: {  	lr =	sadd.s32 s0, s3;
	s0 =	sld [smem:$0x3FAD]  }
0x30: {  	s3 =	sld [smem:$0x3FB0]  }
0x31: {  	[smem:$0x3FB9] =	sst s10  }
0x32: {  	s10 =	sld [smem:$0x3FB7];
	_ =	sdelay $0x3  }
0x33: {  	p0 =	seq.s32 s10, $0x1;
	s10 =	sld [smem:$0x3FB9];
	_ =	sdelay $0x3  }
0x34: {  	[smem:$0x3FB9] =	sst s10  }
0x35: {  	s10 =	sld [smem:$0x3FB8];
	_ =	sdelay $0x3  }
0x36: {  	p1 =	seq.s32 s10, $0x1;
	s10 =	sld [smem:$0x3FB9];
	_ =	sdelay $0x3  }
0x37: {  	[smem:$0x3FB9] =	sst s10  }
0x38: {  	s10 =	sld [smem:$0x3FBA]  }
0x39: {  	_ = 	snop;
	(pc) =	sbr.ind lr, $3  }
0x3a: {  	_ = 	snop  }
0x3b: {  	_ = 	snop  }
0x3c: {  	p2 =	seq.s32 s10, $0x1;
	s10 =	sld [smem:$0x3FB9]  }
0x3d: {  	_ =	shalt  }
0x3e: {  	_ =	shalt  }
0x3f: {  	_ =	shalt  }
0x40: {  	_ =	shalt  }
0x41: {  	_ =	shalt  }
0x42: {  	_ =	shalt  }
0x43: {  	_ =	shalt  }
0x44: {  	_ =	shalt  }
0x45: {  	_ =	shalt  }
0x46: {  	_ =	shalt  }
0x47: {  	_ =	shalt  }
0x48: {  	_ =	shalt  }
0x49: {  	_ =	shalt  }
0x4a: {  	_ =	shalt  }
0x4b: {  	_ =	shalt  }
0x4c: {  	_ =	shalt  }
0x4d: {  	_ =	shalt  }
0x4e: {  	_ =	shalt  }
0x4f: {  	_ =	shalt  }
0x50: {  	_ =	shalt  }
0x51: {  	_ =	shalt  }
0x52: {  	_ =	shalt  }
0x53: {  	_ =	shalt  }
0x54: {  	_ =	shalt  }
0x55: {  	_ =	shalt  }
0x56: {  	_ =	shalt  }
0x57: {  	_ =	shalt  }
0x58: {  	_ =	shalt  }
0x59: {  	_ =	shalt  }
0x5a: {  	_ =	shalt  }
0x5b: {  	_ =	shalt  }
0x5c: {  	_ =	shalt  }
0x5d: {  	_ =	shalt  }
0x5e: {  	_ =	shalt  }
0x5f: {  	_ =	shalt  }
0x60: {  	_ =	shalt  }
0x61: {  	_ =	shalt  }
0x62: {  	_ =	shalt  }
0x63: {  	_ =	shalt  }
0x64: {  	_ =	shalt  }
0x65: {  	_ =	shalt  }
0x66: {  	_ =	shalt  }
0x67: {  	_ =	shalt  }
0x68: {  	_ =	shalt  }
0x69: {  	_ =	shalt  }
0x6a: {  	_ =	shalt  }
0x6b: {  	_ =	shalt  }
0x6c: {  	_ =	shalt  }
0x6d: {  	_ =	shalt  }
0x6e: {  	_ =	shalt  }
0x6f: {  	_ =	shalt  }
0x70: {  	_ =	shalt  }
0x71: {  	_ =	shalt  }
0x72: {  	_ =	shalt  }
0x73: {  	_ =	shalt  }
0x74: {  	_ =	shalt  }
0x75: {  	_ =	shalt  }
0x76: {  	_ =	shalt  }
0x77: {  	_ =	shalt  }
0x78: {  	_ =	shalt  }
0x79: {  	_ =	shalt  }
0x7a: {  	_ =	shalt  }
0x7b: {  	_ =	shalt  }
0x7c: {  	_ =	shalt  }
0x7d: {  	_ =	shalt  }
0x7e: {  	_ =	shalt  }
0x7f: {  	_ =	shalt  }
0x80: {  	_ =	shalt  }
0x81: {  	_ =	shalt  }
0x82: {  	_ =	shalt  }
0x83: {  	_ =	shalt  }
0x84: {  	_ =	shalt  }
0x85: {  	_ =	shalt  }
0x86: {  	_ =	shalt  }
0x87: {  	_ =	shalt  }
.Lfunc_end0:
.L_simem_size_0:
called_computation_lowered:
.L_overlay_start_0:
0x88: {  	s2 =	sld [smem:$0x3FD9]  }
0x89: {  	s3 =	sld [smem:$0x3FFE];
	_ =	sdelay $0x1  }
0x8a: {  	s1 =	srdreg.scid  }
0x8b: {  	s0 =	sand.u32 $0x1, s1  }
0x8c: {  	s18 =	sshll.u32 s0, $0xA;
	s2 =	sadd.s32 s3, s2  }
0x8d: {  	s2 =	sadd.s32 s2, s18  }
0x8e: {  	[smem:$0x3FC5] =	sst s2  }
0x8f: {  	_ = 	snop  }
0x90: {  	s2 =	sld [smem:$0x3FC9]  }
0x91: {  	s19 =	sld [smem:$0x3FC8]  }
0x92: {  	s4 =	sld [smem:$0x3FC7]  }
0x93: {  	s5 =	sld [smem:$0x3FD0];
	(tm) =	ssettm $0x1  }
0x94: {  	s6 =	sld [smem:$0x3FFB];
	_ =	sdelay $0x3  }
0x95: {  	_ =	strace s6  }
0x96: {  	s6 =	sld [smem:$0x3FFC];
	_ =	sdelay $0x3  }
0x97: {  	_ =	strace s6  }
0x98: {  	s6 =	sld [smem:$0x3FFD];
	_ =	sdelay $0x3  }
0x99: {  	_ =	strace s6  }
0x9a: {  	_ =	strace $0x8FFFFFFF  }
0x9b: {  	s20 =	sld [smem:$0x3FDB];
	_ =	sdelay $0x1  }
0x9c: {  	s7 =	simm.s32 $_scs_section_size  }
0x9d: {  	s8 =	simm.s32 $_size__tile_overlayer_lowered;
	s9 =	simm.s32 $_tile_overlayer_lowered  }
0x9e: {  	s23 =	simm.s32 $0x1BFF;
	s22 =	sshll.u32 s9, $0x1;
	s6 =	sadd.s32 s7, s20  }
0x9f: {  	s10 =	simm.s32 $0x0;
	s21 =	sshll.u32 s8, $0x1;
	s8 =	sadd.s32 s22, s6  }
0xa0: {  	[timem:s10], [sflag:s23] =	dma.local [hbm:s8], s21  }
0xa1: {  	_ =	swait.ge [sflag:s23], s21  }
0xa2: {  	s7 =	ssub.s32 $0x0, s21;
	[sflag:s23] =	ssyncset.done $0x0  }
0xa3: {  	[sflag:s23] =	ssyncadd.s32 s7;
	_ =	sdelay $0x1  }
0xa4: {  	s24 =	simm.s32 $0x1B8B  }
0xa5: {  	_ =	swait.ge [sflag:s24], $0x1  }
0xa6: {  	[sflag:s24] =	ssyncset.done $0x0  }
0xa7: {  	s25 =	simm.s32 $0x1B8E;
	[sflag:s24] =	ssyncadd.s32 $0xFFFFFFFF  }
0xa8: {  	s26 =	simm.s32 $execute0_lowered;
	[smem:$0x3FD2] =	sst s25  }
0xa9: {  	s7 =	sshll.u32 s26, $0x1;
	_ =	strace $0x80000046;
	[dreg:$0x1] =	wrdreg $0xFFFFFFFF  }
0xaa: {  	s28 =	simm.s32 $_size_execute0_lowered;
	s6 =	sadd.s32 s6, s7;
	[dreg:$0x0] =	wrdreg $0x0  }
0xab: {  	s7 =	sshll.u32 s28, $0x1;
	[dreg:$0x2] =	wrdreg s6  }
0xac: {  	[dreg:$0x3] =	wrdreg s7  }
0xad: {  	[dreg:$0x4] =	wrdreg $0xC0  }
0xae: {  	_ =	task [dreg:s10], $0x5FFFF  }
0xaf: {  	[dreg:$0x1] =	wrdreg $0xFFFFFFFF  }
0xb0: {  	[dreg:$0x0] =	wrdreg $0x60  }
0xb1: {  	[dreg:$0x2] =	wrdreg s2  }
0xb2: {  	[dreg:$0x3] =	wrdreg s19  }
0xb3: {  	[dreg:$0x4] =	wrdreg s4  }
0xb4: {  	[dreg:$0x5] =	wrdreg s5  }
0xb5: {  	[dreg:$0x6] =	wrdreg $0x9  }
0xb6: {  	_ =	task.clear_ibuf [dreg:s10], $0x7FFFF;
	_ =	strace $0x90000046  }
0xb7: {  	s29 =	simm.s32 $0x9;
	_ =	strace $0x80000048  }
0xb8: {  	_ =	swait.ge [sflag:s29], $0x1  }
0xb9: {  	[sflag:s29] =	ssyncadd.s32 $0xFFFFFFFF  }
0xba: {  	_ =	strace $0x90000048  }
0xbb: {  	_ =	sfence  }
0xbc: {  	s30 =	sld [smem:$0x0];
	_ =	sdelay $0x2  }
0xbd: {  	s31 =	sshll.u32 s1, $0xD;
	s1 =	sshrl.u32 s1, $0x2  }
0xbe: {  	s3 =	sand.u32 $0x4000, s31;
	s1 =	sadd.s32 s1, s30  }
0xbf: {  	s0 =	sor.u32 s3, s0;
	s1 =	sshll.u32 s1, $0x11  }
0xc0: {  	s0 =	sor.u32 s1, s0  }
0xc1: {  	s0 =	sadd.s32 $0x8F2B, s0  }
0xc2: {  	[sflag:s0] =	ssyncadd.remote.s32 $0x1  }
0xc3: {  	_ =	sfence.sel $0xFFFF  }
0xc4: {  	[dreg:$0x0] =	wrdreg $0xFFFFFFFF;
	(pc) =	sbr.abs _section_cstart, $3  }
0xc5: {  	[dreg:$0x1] =	wrdreg $0xFFFFFFFF  }
0xc6: {  	_ =	task.clear_ibuf [dreg:s10], $0x2FFFF;
	_ =	strace $0x9FFFFFFF  }
0xc7: {  	(tm) =	ssettm $0x7FFFFFFF  }
tec
execute0_lowered:
.L_overlay_start_1:
0x0: {  	(tag) =	ssettag $0x1  }
0x1: {  	s0 =	rddreg [dreg:$0x0]  }
0x2: {  	s2 =	rddreg [dreg:$0x1]  }
0x3: {  	s1 =	rddreg [dreg:$0x2]  }
0x4: {  	s3 =	srdreg.scid;
	s5 =	rddreg [dreg:$0x3]  }
0x5: {  	s6 =	stileid.u32;
	s31 =	simm.s32 $0xD;
	s29 =	simm.s32 $0xE  }
0x6: {  	s19 =	simm.s32 $0x3;
	s20 =	simm.s32 $0x1;
	s28 =	simm.s32 $0x6  }
0x7: {  	s30 =	simm.s32 $0x7;
	s12 =	simm.s32 $0xE200;
	s4 =	sand.u32 $0x1, s3  }
0x8: {  	s6 =	sshll.u32 s6, $0x8;
	s3 =	simm.s32 $0x0;
	s7 =	sshll.u32 s4, $0x7  }
0x9: {  	s4 =	ssub.s32 $0x2, s4;
	[smem:$0x7FF] =	sst s3;
	s6 =	sor.u32 s7, s6  }
0xa: {  	s21 =	sshrl.u32 s4, $0x1;
	_ =	strace $0x80000047;
	s8 =	sshrl.u32 s6, $0x1  }
0xb: {  	s7 =	ssub.s32 s4, s21;
	s23 =	sshll.u32 s6, $0x4;
	s6 =	simm.s32 $0xA  }
0xc: {  	s21 =	simm.s32 $0x2;
	s4 =	sadd.s32 s0, s8;
	s1 =	sadd.s32 s1, s23  }
0xd: {  	s9 =	sadd.s32 s5, s23;
	s17 =	smax.u32 s7, $0x1;
	s23 =	simm.s32 $0x40  }
0xe: {  	s5 =	simm.s32 $0x9;
	s0 =	sadd.s32 $0x10, s4;
	[dreg:$0x8] =	wrdreg s1  }
0xf: {  	s7 =	simm.s32 $0x0;
	s22 =	sadd.s32 $0x20, s4;
	[dreg:$0x5] =	wrdreg s0  }
0x10: {  	s24 =	sadd.s32 $0x30, s4;
	s25 =	sadd.s32 $0x10000, s9;
	[dreg:$0x6] =	wrdreg s22  }
0x11: {  	s26 =	sadd.s32 $0x10400, s9;
	s13 =	sadd.s32 $0x20000, s9;
	[dreg:$0x7] =	wrdreg s24  }
0x12: {  	s14 =	sadd.s32 $0x20400, s9;
	s15 =	sadd.s32 $0x30000, s9;
	[dreg:$0xa] =	wrdreg s25  }
0x13: {  	s16 =	sadd.s32 $0x30400, s9;
	s0 =	sadd.s32 $0x400, s9;
	[dreg:$0xb] =	wrdreg s26  }
0x14: {  	s22 =	simm.s32 $0xB;
	s26 =	simm.s32 $0xC;
	s24 =	simm.s32 $0x4  }
0x15: {  	s25 =	simm.s32 $0x5;
	[dreg:$0x9] =	wrdreg s0;
	s0 =	simm.s32 $0x8  }
.LBB2_1:
0x16: {  	[tilespmem:s3], [sflag:$0xB] =	stream.linear.gather [hbm4b:s4+s3], $0x80, $0x38;
	[tilespmem:$0x14200] =	vst v63  }
0x17: {  	s1 =	rddreg [dreg:$0x5];
	s8 =	simm.s32 $0x80  }
0x18: {  	[tilespmem:s8], [sflag:$0xC] =	stream.linear.gather [hbm4b:s1+s3], $0x80, $0x38;
	[tilespmem:$0x14200] =	vst v63  }
0x19: {  	s10 =	rddreg [dreg:$0x6];
	s18 =	simm.s32 $0x100  }
0x1a: {  	[tilespmem:s18], [sflag:$0xD] =	stream.linear.gather [hbm4b:s10+s3], $0x80, $0x38;
	[tilespmem:$0x14200] =	vst v63  }
0x1b: {  	s11 =	rddreg [dreg:$0x7];
	s10 =	simm.s32 $0x180  }
0x1c: {  	[tilespmem:s10], [sflag:$0xE] =	stream.linear.gather [hbm4b:s11+s3], $0x80, $0x38;
	[tilespmem:$0x14200] =	vst v63  }
0x1d: {  	s1 =	rddreg [dreg:$0x8];
	s11 =	simm.s32 $0x10200  }
0x1e: {  	[tilespmem:s11], [sflag:$0x1] =	stream.linear.gather [hbm4b:s1+s3], $0x4000, $0x38;
	[tilespmem:$0x14200] =	vst v63  }
0x1f: {  	_ =	swait.ge [sflag:s22], $0x80  }
0x20: {  	[sflag:s22] =	ssyncset.done $0x0  }
0x21: {  	s11 =	simm.s32 $0x200;
	[sflag:s22] =	ssyncadd.s32 $0xFFFFFF80  }
0x22: {  	[tilespmem:s11], [sflag:$0x3] =	stream.indirect.gather [hbm4b:s2+s23], $0x80, s3, s23, $0xb8;
	[tilespmem:$0x14200] =	vst v63  }
0x23: {  	s1 =	simm.s32 $0x2200  }
0x24: {  	[tilespmem:s1], [sflag:$0x4] =	stream.indirect.gather [hbm4b:s2+s23], $0x80, s23, s23, $0xb8;
	[tilespmem:$0x14200] =	vst v63  }
0x25: {  	_ =	swait.ge [sflag:s26], $0x80  }
0x26: {  	[sflag:s26] =	ssyncset.done $0x0  }
0x27: {  	s1 =	simm.s32 $0x4200;
	[sflag:s26] =	ssyncadd.s32 $0xFFFFFF80  }
0x28: {  	[tilespmem:s1], [sflag:$0x5] =	stream.indirect.gather [hbm4b:s2+s23], $0x80, s8, s23, $0xb8;
	[tilespmem:$0x14200] =	vst v63  }
0x29: {  	s1 =	simm.s32 $0xC0;
	s8 =	simm.s32 $0x6200  }
0x2a: {  	[tilespmem:s8], [sflag:$0x6] =	stream.indirect.gather [hbm4b:s2+s23], $0x80, s1, s23, $0xb8;
	[tilespmem:$0x14200] =	vst v63  }
0x2b: {  	_ =	swait.ge [sflag:s31], $0x80  }
0x2c: {  	[sflag:s31] =	ssyncset.done $0x0  }
0x2d: {  	s8 =	simm.s32 $0x8200;
	[sflag:s31] =	ssyncadd.s32 $0xFFFFFF80  }
0x2e: {  	[tilespmem:s8], [sflag:$0x7] =	stream.indirect.gather [hbm4b:s2+s23], $0x80, s18, s23, $0xb8;
	[tilespmem:$0x14200] =	vst v63  }
0x2f: {  	s8 =	simm.s32 $0x140;
	s18 =	simm.s32 $0xA200  }
0x30: {  	[tilespmem:s18], [sflag:$0x8] =	stream.indirect.gather [hbm4b:s2+s23], $0x80, s8, s23, $0xb8;
	[tilespmem:$0x14200] =	vst v63  }
0x31: {  	_ =	swait.ge [sflag:s29], $0x80  }
0x32: {  	[sflag:s29] =	ssyncset.done $0x0  }
0x33: {  	s8 =	simm.s32 $0xC200;
	[sflag:s29] =	ssyncadd.s32 $0xFFFFFF80  }
0x34: {  	[tilespmem:s8], [sflag:$0x9] =	stream.indirect.gather [hbm4b:s2+s23], $0x80, s10, s23, $0xb8;
	[tilespmem:$0x14200] =	vst v63  }
0x35: {  	s18 =	simm.s32 $0x1C0  }
0x36: {  	[tilespmem:s12], [sflag:$0xA] =	stream.indirect.gather [hbm4b:s2+s23], $0x80, s18, s23, $0xb8;
	[tilespmem:$0x14200] =	vst v63  }
0x37: {  	_ =	swait.ge [sflag:s19], $0x2000  }
0x38: {  	[sflag:s19] =	ssyncset.done $0x0  }
0x39: {  	[sflag:s19] =	ssyncadd.s32 $0xFFFFE000  }
0x3a: {  	_ =	swait.ge [sflag:s20], $0x4000  }
0x3b: {  	[sflag:s20] =	ssyncset.done $0x0  }
0x3c: {  	s1 =	simm.s32 $0x0;
	[sflag:s20] =	ssyncadd.s32 $0xFFFFC000  }
0x3d: {  	v0 =	vld [tilespmem:s1+$0x103F0]  }
0x3e: {  	v1 =	vld [tilespmem:s1+$0x10200]  }
0x3f: {  	v2 =	vld [tilespmem:s1+$0x10210]  }
0x40: {  	v3 =	vld [tilespmem:s1+$0x10220]  }
0x41: {  	v4 =	vld [tilespmem:s1+$0x10230]  }
0x42: {  	v5 =	vld [tilespmem:s1+$0x10240]  }
0x43: {  	v6 =	vld [tilespmem:s1+$0x10250]  }
0x44: {  	v7 =	vld [tilespmem:s1+$0x10260]  }
0x45: {  	v8 =	vld [tilespmem:s1+$0x10270]  }
0x46: {  	v9 =	vld [tilespmem:s1+$0x10280]  }
0x47: {  	v10 =	vld [tilespmem:s1+$0x10290]  }
0x48: {  	v11 =	vld [tilespmem:s1+$0x102A0]  }
0x49: {  	v12 =	vld [tilespmem:s1+$0x102B0]  }
0x4a: {  	v13 =	vld [tilespmem:s1+$0x102C0]  }
0x4b: {  	v14 =	vld [tilespmem:s1+$0x102D0]  }
0x4c: {  	v15 =	vld [tilespmem:s1+$0x102E0]  }
0x4d: {  	v16 =	vld [tilespmem:s1+$0x102F0]  }
0x4e: {  	v17 =	vld [tilespmem:s1+$0x10300]  }
0x4f: {  	v18 =	vld [tilespmem:s1+$0x10310]  }
0x50: {  	v19 =	vld [tilespmem:s1+$0x10320]  }
0x51: {  	v20 =	vld [tilespmem:s1+$0x10330]  }
0x52: {  	v21 =	vld [tilespmem:s1+$0x10340]  }
0x53: {  	v22 =	vld [tilespmem:s1+$0x10350]  }
0x54: {  	v23 =	vld [tilespmem:s1+$0x10360]  }
0x55: {  	v24 =	vld [tilespmem:s1+$0x10370]  }
0x56: {  	v25 =	vld [tilespmem:s1+$0x10380]  }
0x57: {  	v26 =	vld [tilespmem:s1+$0x10390]  }
0x58: {  	v27 =	vld [tilespmem:s1+$0x103A0]  }
0x59: {  	v28 =	vld [tilespmem:s1+$0x103B0]  }
0x5a: {  	v29 =	vld [tilespmem:s1+$0x103C0]  }
0x5b: {  	v30 =	vld [tilespmem:s1+$0x103D0]  }
0x5c: {  	[tilespmem:s1+$0x3F0] =	vst.add.f32.msk $0xffff, v0  }
0x5d: {  	v0 =	vld [tilespmem:s1+$0x103E0]  }
0x5e: {  	[tilespmem:s1+$0x200] =	vst.add.f32.msk $0xffff, v1  }
0x5f: {  	[tilespmem:s1+$0x210] =	vst.add.f32.msk $0xffff, v2  }
0x60: {  	[tilespmem:s1+$0x220] =	vst.add.f32.msk $0xffff, v3  }
0x61: {  	[tilespmem:s1+$0x230] =	vst.add.f32.msk $0xffff, v4  }
0x62: {  	[tilespmem:s1+$0x240] =	vst.add.f32.msk $0xffff, v5  }
0x63: {  	[tilespmem:s1+$0x250] =	vst.add.f32.msk $0xffff, v6  }
0x64: {  	[tilespmem:s1+$0x260] =	vst.add.f32.msk $0xffff, v7  }
0x65: {  	[tilespmem:s1+$0x270] =	vst.add.f32.msk $0xffff, v8  }
0x66: {  	[tilespmem:s1+$0x280] =	vst.add.f32.msk $0xffff, v9  }
0x67: {  	[tilespmem:s1+$0x290] =	vst.add.f32.msk $0xffff, v10  }
0x68: {  	[tilespmem:s1+$0x2A0] =	vst.add.f32.msk $0xffff, v11  }
0x69: {  	[tilespmem:s1+$0x2B0] =	vst.add.f32.msk $0xffff, v12  }
0x6a: {  	[tilespmem:s1+$0x2C0] =	vst.add.f32.msk $0xffff, v13  }
0x6b: {  	[tilespmem:s1+$0x2D0] =	vst.add.f32.msk $0xffff, v14  }
0x6c: {  	[tilespmem:s1+$0x2E0] =	vst.add.f32.msk $0xffff, v15  }
0x6d: {  	[tilespmem:s1+$0x2F0] =	vst.add.f32.msk $0xffff, v16  }
0x6e: {  	[tilespmem:s1+$0x300] =	vst.add.f32.msk $0xffff, v17  }
0x6f: {  	[tilespmem:s1+$0x310] =	vst.add.f32.msk $0xffff, v18  }
0x70: {  	[tilespmem:s1+$0x320] =	vst.add.f32.msk $0xffff, v19  }
0x71: {  	[tilespmem:s1+$0x330] =	vst.add.f32.msk $0xffff, v20  }
0x72: {  	[tilespmem:s1+$0x340] =	vst.add.f32.msk $0xffff, v21  }
0x73: {  	[tilespmem:s1+$0x350] =	vst.add.f32.msk $0xffff, v22  }
0x74: {  	[tilespmem:s1+$0x360] =	vst.add.f32.msk $0xffff, v23  }
0x75: {  	[tilespmem:s1+$0x370] =	vst.add.f32.msk $0xffff, v24  }
0x76: {  	[tilespmem:s1+$0x380] =	vst.add.f32.msk $0xffff, v25  }
0x77: {  	[tilespmem:s1+$0x390] =	vst.add.f32.msk $0xffff, v26  }
0x78: {  	[tilespmem:s1+$0x3A0] =	vst.add.f32.msk $0xffff, v27  }
0x79: {  	[tilespmem:s1+$0x3B0] =	vst.add.f32.msk $0xffff, v28  }
0x7a: {  	[tilespmem:s1+$0x3C0] =	vst.add.f32.msk $0xffff, v29  }
0x7b: {  	s8 =	simm.s32 $0x0;
	s18 =	simm.s32 $0x800;
	[tilespmem:s1+$0x3D0] =	vst.add.f32.msk $0xffff, v30  }
.LBB2_2:
0x7c: {  	s8 =	sadd.s32 $0x4, s8;
	[tilespmem:s1+$0x3E0] =	vst.add.f32.msk $0xffff, v0;
	s1 =	sshra.s32 s18, $0x2  }
0x7d: {  	v0 =	vld [tilespmem:s1+$0x103F0];
	p0 =	slt.u32 s8, $0x3C  }
0x7e: {  	v1 =	vld [tilespmem:s1+$0x10200]  }
0x7f: {  	v2 =	vld [tilespmem:s1+$0x10210]  }
0x80: {  	v3 =	vld [tilespmem:s1+$0x10220]  }
0x81: {  	v4 =	vld [tilespmem:s1+$0x10230]  }
0x82: {  	[tilespmem:s1+$0x3F0] =	vst.add.f32.msk $0xffff, v0  }
0x83: {  	v5 =	vld [tilespmem:s1+$0x10240]  }
0x84: {  	v6 =	vld [tilespmem:s1+$0x10250]  }
0x85: {  	v7 =	vld [tilespmem:s1+$0x10260]  }
0x86: {  	v8 =	vld [tilespmem:s1+$0x10270]  }
0x87: {  	v9 =	vld [tilespmem:s1+$0x10280]  }
0x88: {  	v10 =	vld [tilespmem:s1+$0x10290]  }
0x89: {  	v11 =	vld [tilespmem:s1+$0x102A0]  }
0x8a: {  	v12 =	vld [tilespmem:s1+$0x102B0]  }
0x8b: {  	v13 =	vld [tilespmem:s1+$0x102C0]  }
0x8c: {  	v14 =	vld [tilespmem:s1+$0x102D0]  }
0x8d: {  	v15 =	vld [tilespmem:s1+$0x102E0]  }
0x8e: {  	v16 =	vld [tilespmem:s1+$0x102F0]  }
0x8f: {  	v17 =	vld [tilespmem:s1+$0x10300]  }
0x90: {  	v18 =	vld [tilespmem:s1+$0x10310]  }
0x91: {  	v19 =	vld [tilespmem:s1+$0x10320]  }
0x92: {  	v20 =	vld [tilespmem:s1+$0x10330]  }
0x93: {  	v21 =	vld [tilespmem:s1+$0x10340]  }
0x94: {  	v22 =	vld [tilespmem:s1+$0x10350]  }
0x95: {  	v23 =	vld [tilespmem:s1+$0x10360]  }
0x96: {  	v24 =	vld [tilespmem:s1+$0x10370]  }
0x97: {  	v25 =	vld [tilespmem:s1+$0x10380]  }
0x98: {  	v26 =	vld [tilespmem:s1+$0x10390]  }
0x99: {  	v27 =	vld [tilespmem:s1+$0x103A0]  }
0x9a: {  	v28 =	vld [tilespmem:s1+$0x103B0]  }
0x9b: {  	v29 =	vld [tilespmem:s1+$0x103C0]  }
0x9c: {  	v30 =	vld [tilespmem:s1+$0x103D0]  }
0x9d: {  	v0 =	vld [tilespmem:s1+$0x103E0]  }
0x9e: {  	[tilespmem:s1+$0x200] =	vst.add.f32.msk $0xffff, v1  }
0x9f: {  	[tilespmem:s1+$0x210] =	vst.add.f32.msk $0xffff, v2  }
0xa0: {  	[tilespmem:s1+$0x220] =	vst.add.f32.msk $0xffff, v3  }
0xa1: {  	[tilespmem:s1+$0x230] =	vst.add.f32.msk $0xffff, v4  }
0xa2: {  	[tilespmem:s1+$0x240] =	vst.add.f32.msk $0xffff, v5  }
0xa3: {  	[tilespmem:s1+$0x250] =	vst.add.f32.msk $0xffff, v6  }
0xa4: {  	[tilespmem:s1+$0x260] =	vst.add.f32.msk $0xffff, v7  }
0xa5: {  	[tilespmem:s1+$0x270] =	vst.add.f32.msk $0xffff, v8  }
0xa6: {  	[tilespmem:s1+$0x280] =	vst.add.f32.msk $0xffff, v9  }
0xa7: {  	[tilespmem:s1+$0x290] =	vst.add.f32.msk $0xffff, v10  }
0xa8: {  	[tilespmem:s1+$0x2A0] =	vst.add.f32.msk $0xffff, v11  }
0xa9: {  	[tilespmem:s1+$0x2B0] =	vst.add.f32.msk $0xffff, v12  }
0xaa: {  	[tilespmem:s1+$0x2C0] =	vst.add.f32.msk $0xffff, v13  }
0xab: {  	[tilespmem:s1+$0x2D0] =	vst.add.f32.msk $0xffff, v14  }
0xac: {  	[tilespmem:s1+$0x2E0] =	vst.add.f32.msk $0xffff, v15  }
0xad: {  	[tilespmem:s1+$0x2F0] =	vst.add.f32.msk $0xffff, v16  }
0xae: {  	[tilespmem:s1+$0x300] =	vst.add.f32.msk $0xffff, v17  }
0xaf: {  	[tilespmem:s1+$0x310] =	vst.add.f32.msk $0xffff, v18  }
0xb0: {  	[tilespmem:s1+$0x320] =	vst.add.f32.msk $0xffff, v19  }
0xb1: {  	[tilespmem:s1+$0x330] =	vst.add.f32.msk $0xffff, v20  }
0xb2: {  	[tilespmem:s1+$0x340] =	vst.add.f32.msk $0xffff, v21  }
0xb3: {  	[tilespmem:s1+$0x350] =	vst.add.f32.msk $0xffff, v22  }
0xb4: {  	[tilespmem:s1+$0x360] =	vst.add.f32.msk $0xffff, v23  }
0xb5: {  	[tilespmem:s1+$0x370] =	vst.add.f32.msk $0xffff, v24  }
0xb6: {  	[tilespmem:s1+$0x380] =	vst.add.f32.msk $0xffff, v25  }
.Ltmp0:
0xb7: {  	[tilespmem:s1+$0x390] =	vst.add.f32.msk $0xffff, v26;
	(pc) =	sbr.rel @p0 .LBB2_2-.Ltmp0, $4  }
0xb8: {  	[tilespmem:s1+$0x3A0] =	vst.add.f32.msk $0xffff, v27  }
0xb9: {  	[tilespmem:s1+$0x3B0] =	vst.add.f32.msk $0xffff, v28  }
0xba: {  	[tilespmem:s1+$0x3C0] =	vst.add.f32.msk $0xffff, v29  }
0xbb: {  	s18 =	sadd.s32 $0x800, s18;
	[tilespmem:s1+$0x3D0] =	vst.add.f32.msk $0xffff, v30  }
0xbc: {  	[tilespmem:s1+$0x3E0] =	vst.add.f32.msk $0xffff, v0;
	s18 =	simm.s32 $0x0  }
0xbd: {  	[hbm4b:s9+s18] =	stream.linear.scatter [tilespmem:s11], [sflag:$0x2], $0x2000, $0x38;
	[tilespmem:$0x14200] =	vst v63  }
0xbe: {  	_ =	swait.ge [sflag:s24], $0x2000  }
0xbf: {  	[sflag:s24] =	ssyncset.done $0x0  }
0xc0: {  	s1 =	simm.s32 $0x0;
	[sflag:s24] =	ssyncadd.s32 $0xFFFFE000  }
0xc1: {  	v0 =	vld [tilespmem:s1+$0x123F0]  }
0xc2: {  	v1 =	vld [tilespmem:s1+$0x12200]  }
0xc3: {  	v2 =	vld [tilespmem:s1+$0x12210]  }
0xc4: {  	v3 =	vld [tilespmem:s1+$0x12220]  }
0xc5: {  	v4 =	vld [tilespmem:s1+$0x12230]  }
0xc6: {  	v5 =	vld [tilespmem:s1+$0x12240]  }
0xc7: {  	v6 =	vld [tilespmem:s1+$0x12250]  }
0xc8: {  	v7 =	vld [tilespmem:s1+$0x12260]  }
0xc9: {  	v8 =	vld [tilespmem:s1+$0x12270]  }
0xca: {  	v9 =	vld [tilespmem:s1+$0x12280]  }
0xcb: {  	v10 =	vld [tilespmem:s1+$0x12290]  }
0xcc: {  	v11 =	vld [tilespmem:s1+$0x122A0]  }
0xcd: {  	v12 =	vld [tilespmem:s1+$0x122B0]  }
0xce: {  	v13 =	vld [tilespmem:s1+$0x122C0]  }
0xcf: {  	v14 =	vld [tilespmem:s1+$0x122D0]  }
0xd0: {  	v15 =	vld [tilespmem:s1+$0x122E0]  }
0xd1: {  	v16 =	vld [tilespmem:s1+$0x122F0]  }
0xd2: {  	v17 =	vld [tilespmem:s1+$0x12300]  }
0xd3: {  	v18 =	vld [tilespmem:s1+$0x12310]  }
0xd4: {  	v19 =	vld [tilespmem:s1+$0x12320]  }
0xd5: {  	v20 =	vld [tilespmem:s1+$0x12330]  }
0xd6: {  	v21 =	vld [tilespmem:s1+$0x12340]  }
0xd7: {  	v22 =	vld [tilespmem:s1+$0x12350]  }
0xd8: {  	v23 =	vld [tilespmem:s1+$0x12360]  }
0xd9: {  	v24 =	vld [tilespmem:s1+$0x12370]  }
0xda: {  	v25 =	vld [tilespmem:s1+$0x12380]  }
0xdb: {  	v26 =	vld [tilespmem:s1+$0x12390]  }
0xdc: {  	v27 =	vld [tilespmem:s1+$0x123A0]  }
0xdd: {  	v28 =	vld [tilespmem:s1+$0x123B0]  }
0xde: {  	v29 =	vld [tilespmem:s1+$0x123C0]  }
0xdf: {  	v30 =	vld [tilespmem:s1+$0x123D0]  }
0xe0: {  	[tilespmem:s1+$0x23F0] =	vst.add.f32.msk $0xffff, v0  }
0xe1: {  	v0 =	vld [tilespmem:s1+$0x123E0]  }
0xe2: {  	[tilespmem:s1+$0x2200] =	vst.add.f32.msk $0xffff, v1  }
0xe3: {  	[tilespmem:s1+$0x2210] =	vst.add.f32.msk $0xffff, v2  }
0xe4: {  	[tilespmem:s1+$0x2220] =	vst.add.f32.msk $0xffff, v3  }
0xe5: {  	[tilespmem:s1+$0x2230] =	vst.add.f32.msk $0xffff, v4  }
0xe6: {  	[tilespmem:s1+$0x2240] =	vst.add.f32.msk $0xffff, v5  }
0xe7: {  	[tilespmem:s1+$0x2250] =	vst.add.f32.msk $0xffff, v6  }
0xe8: {  	[tilespmem:s1+$0x2260] =	vst.add.f32.msk $0xffff, v7  }
0xe9: {  	[tilespmem:s1+$0x2270] =	vst.add.f32.msk $0xffff, v8  }
0xea: {  	[tilespmem:s1+$0x2280] =	vst.add.f32.msk $0xffff, v9  }
0xeb: {  	[tilespmem:s1+$0x2290] =	vst.add.f32.msk $0xffff, v10  }
0xec: {  	[tilespmem:s1+$0x22A0] =	vst.add.f32.msk $0xffff, v11  }
0xed: {  	[tilespmem:s1+$0x22B0] =	vst.add.f32.msk $0xffff, v12  }
0xee: {  	[tilespmem:s1+$0x22C0] =	vst.add.f32.msk $0xffff, v13  }
0xef: {  	[tilespmem:s1+$0x22D0] =	vst.add.f32.msk $0xffff, v14  }
0xf0: {  	[tilespmem:s1+$0x22E0] =	vst.add.f32.msk $0xffff, v15  }
0xf1: {  	[tilespmem:s1+$0x22F0] =	vst.add.f32.msk $0xffff, v16  }
0xf2: {  	[tilespmem:s1+$0x2300] =	vst.add.f32.msk $0xffff, v17  }
0xf3: {  	[tilespmem:s1+$0x2310] =	vst.add.f32.msk $0xffff, v18  }
0xf4: {  	[tilespmem:s1+$0x2320] =	vst.add.f32.msk $0xffff, v19  }
0xf5: {  	[tilespmem:s1+$0x2330] =	vst.add.f32.msk $0xffff, v20  }
0xf6: {  	[tilespmem:s1+$0x2340] =	vst.add.f32.msk $0xffff, v21  }
0xf7: {  	[tilespmem:s1+$0x2350] =	vst.add.f32.msk $0xffff, v22  }
0xf8: {  	[tilespmem:s1+$0x2360] =	vst.add.f32.msk $0xffff, v23  }
0xf9: {  	[tilespmem:s1+$0x2370] =	vst.add.f32.msk $0xffff, v24  }
0xfa: {  	[tilespmem:s1+$0x2380] =	vst.add.f32.msk $0xffff, v25  }
0xfb: {  	[tilespmem:s1+$0x2390] =	vst.add.f32.msk $0xffff, v26  }
0xfc: {  	[tilespmem:s1+$0x23A0] =	vst.add.f32.msk $0xffff, v27  }
0xfd: {  	[tilespmem:s1+$0x23B0] =	vst.add.f32.msk $0xffff, v28  }
0xfe: {  	[tilespmem:s1+$0x23C0] =	vst.add.f32.msk $0xffff, v29  }
0xff: {  	s8 =	simm.s32 $0x0;
	s18 =	simm.s32 $0x800;
	[tilespmem:s1+$0x23D0] =	vst.add.f32.msk $0xffff, v30  }
.LBB2_4:
0x100: {  	s8 =	sadd.s32 $0x4, s8;
	[tilespmem:s1+$0x23E0] =	vst.add.f32.msk $0xffff, v0;
	s1 =	sshra.s32 s18, $0x2  }
0x101: {  	v0 =	vld [tilespmem:s1+$0x123F0];
	p0 =	slt.u32 s8, $0x3C  }
0x102: {  	v1 =	vld [tilespmem:s1+$0x12200]  }
0x103: {  	v2 =	vld [tilespmem:s1+$0x12210]  }
0x104: {  	v3 =	vld [tilespmem:s1+$0x12220]  }
0x105: {  	v4 =	vld [tilespmem:s1+$0x12230]  }
0x106: {  	[tilespmem:s1+$0x23F0] =	vst.add.f32.msk $0xffff, v0  }
0x107: {  	v5 =	vld [tilespmem:s1+$0x12240]  }
0x108: {  	v6 =	vld [tilespmem:s1+$0x12250]  }
0x109: {  	v7 =	vld [tilespmem:s1+$0x12260]  }
0x10a: {  	v8 =	vld [tilespmem:s1+$0x12270]  }
0x10b: {  	v9 =	vld [tilespmem:s1+$0x12280]  }
0x10c: {  	v10 =	vld [tilespmem:s1+$0x12290]  }
0x10d: {  	v11 =	vld [tilespmem:s1+$0x122A0]  }
0x10e: {  	v12 =	vld [tilespmem:s1+$0x122B0]  }
0x10f: {  	v13 =	vld [tilespmem:s1+$0x122C0]  }
0x110: {  	v14 =	vld [tilespmem:s1+$0x122D0]  }
0x111: {  	v15 =	vld [tilespmem:s1+$0x122E0]  }
0x112: {  	v16 =	vld [tilespmem:s1+$0x122F0]  }
0x113: {  	v17 =	vld [tilespmem:s1+$0x12300]  }
0x114: {  	v18 =	vld [tilespmem:s1+$0x12310]  }
0x115: {  	v19 =	vld [tilespmem:s1+$0x12320]  }
0x116: {  	v20 =	vld [tilespmem:s1+$0x12330]  }
0x117: {  	v21 =	vld [tilespmem:s1+$0x12340]  }
0x118: {  	v22 =	vld [tilespmem:s1+$0x12350]  }
0x119: {  	v23 =	vld [tilespmem:s1+$0x12360]  }
0x11a: {  	v24 =	vld [tilespmem:s1+$0x12370]  }
0x11b: {  	v25 =	vld [tilespmem:s1+$0x12380]  }
0x11c: {  	v26 =	vld [tilespmem:s1+$0x12390]  }
0x11d: {  	v27 =	vld [tilespmem:s1+$0x123A0]  }
0x11e: {  	v28 =	vld [tilespmem:s1+$0x123B0]  }
0x11f: {  	v29 =	vld [tilespmem:s1+$0x123C0]  }
0x120: {  	v30 =	vld [tilespmem:s1+$0x123D0]  }
0x121: {  	v0 =	vld [tilespmem:s1+$0x123E0]  }
0x122: {  	[tilespmem:s1+$0x2200] =	vst.add.f32.msk $0xffff, v1  }
0x123: {  	[tilespmem:s1+$0x2210] =	vst.add.f32.msk $0xffff, v2  }
0x124: {  	[tilespmem:s1+$0x2220] =	vst.add.f32.msk $0xffff, v3  }
0x125: {  	[tilespmem:s1+$0x2230] =	vst.add.f32.msk $0xffff, v4  }
0x126: {  	[tilespmem:s1+$0x2240] =	vst.add.f32.msk $0xffff, v5  }
0x127: {  	[tilespmem:s1+$0x2250] =	vst.add.f32.msk $0xffff, v6  }
0x128: {  	[tilespmem:s1+$0x2260] =	vst.add.f32.msk $0xffff, v7  }
0x129: {  	[tilespmem:s1+$0x2270] =	vst.add.f32.msk $0xffff, v8  }
0x12a: {  	[tilespmem:s1+$0x2280] =	vst.add.f32.msk $0xffff, v9  }
0x12b: {  	[tilespmem:s1+$0x2290] =	vst.add.f32.msk $0xffff, v10  }
0x12c: {  	[tilespmem:s1+$0x22A0] =	vst.add.f32.msk $0xffff, v11  }
0x12d: {  	[tilespmem:s1+$0x22B0] =	vst.add.f32.msk $0xffff, v12  }
0x12e: {  	[tilespmem:s1+$0x22C0] =	vst.add.f32.msk $0xffff, v13  }
0x12f: {  	[tilespmem:s1+$0x22D0] =	vst.add.f32.msk $0xffff, v14  }
0x130: {  	[tilespmem:s1+$0x22E0] =	vst.add.f32.msk $0xffff, v15  }
0x131: {  	[tilespmem:s1+$0x22F0] =	vst.add.f32.msk $0xffff, v16  }
0x132: {  	[tilespmem:s1+$0x2300] =	vst.add.f32.msk $0xffff, v17  }
0x133: {  	[tilespmem:s1+$0x2310] =	vst.add.f32.msk $0xffff, v18  }
0x134: {  	[tilespmem:s1+$0x2320] =	vst.add.f32.msk $0xffff, v19  }
0x135: {  	[tilespmem:s1+$0x2330] =	vst.add.f32.msk $0xffff, v20  }
0x136: {  	[tilespmem:s1+$0x2340] =	vst.add.f32.msk $0xffff, v21  }
0x137: {  	[tilespmem:s1+$0x2350] =	vst.add.f32.msk $0xffff, v22  }
0x138: {  	[tilespmem:s1+$0x2360] =	vst.add.f32.msk $0xffff, v23  }
0x139: {  	[tilespmem:s1+$0x2370] =	vst.add.f32.msk $0xffff, v24  }
0x13a: {  	[tilespmem:s1+$0x2380] =	vst.add.f32.msk $0xffff, v25  }
.Ltmp1:
0x13b: {  	[tilespmem:s1+$0x2390] =	vst.add.f32.msk $0xffff, v26;
	(pc) =	sbr.rel @p0 .LBB2_4-.Ltmp1, $4  }
0x13c: {  	[tilespmem:s1+$0x23A0] =	vst.add.f32.msk $0xffff, v27  }
0x13d: {  	[tilespmem:s1+$0x23B0] =	vst.add.f32.msk $0xffff, v28  }
0x13e: {  	[tilespmem:s1+$0x23C0] =	vst.add.f32.msk $0xffff, v29  }
0x13f: {  	s18 =	sadd.s32 $0x800, s18;
	[tilespmem:s1+$0x23D0] =	vst.add.f32.msk $0xffff, v30  }
0x140: {  	[tilespmem:s1+$0x23E0] =	vst.add.f32.msk $0xffff, v0  }
0x141: {  	s18 =	simm.s32 $0x0;
	s10 =	simm.s32 $0x2200;
	s8 =	rddreg [dreg:$0x9]  }
0x142: {  	[hbm4b:s8+s18] =	stream.linear.scatter [tilespmem:s10], [sflag:$0x2], $0x2000, $0x38;
	[tilespmem:$0x14200] =	vst v63  }
0x143: {  	_ =	swait.ge [sflag:s25], $0x2000  }
0x144: {  	[sflag:s25] =	ssyncset.done $0x0  }
0x145: {  	s1 =	simm.s32 $0x0;
	[sflag:s25] =	ssyncadd.s32 $0xFFFFE000  }
0x146: {  	v0 =	vld [tilespmem:s1+$0x103F0]  }
0x147: {  	v1 =	vld [tilespmem:s1+$0x10200]  }
0x148: {  	v2 =	vld [tilespmem:s1+$0x10210]  }
0x149: {  	v3 =	vld [tilespmem:s1+$0x10220]  }
0x14a: {  	v4 =	vld [tilespmem:s1+$0x10230]  }
0x14b: {  	v5 =	vld [tilespmem:s1+$0x10240]  }
0x14c: {  	v6 =	vld [tilespmem:s1+$0x10250]  }
0x14d: {  	v7 =	vld [tilespmem:s1+$0x10260]  }
0x14e: {  	v8 =	vld [tilespmem:s1+$0x10270]  }
0x14f: {  	v9 =	vld [tilespmem:s1+$0x10280]  }
0x150: {  	v10 =	vld [tilespmem:s1+$0x10290]  }
0x151: {  	v11 =	vld [tilespmem:s1+$0x102A0]  }
0x152: {  	v12 =	vld [tilespmem:s1+$0x102B0]  }
0x153: {  	v13 =	vld [tilespmem:s1+$0x102C0]  }
0x154: {  	v14 =	vld [tilespmem:s1+$0x102D0]  }
0x155: {  	v15 =	vld [tilespmem:s1+$0x102E0]  }
0x156: {  	v16 =	vld [tilespmem:s1+$0x102F0]  }
0x157: {  	v17 =	vld [tilespmem:s1+$0x10300]  }
0x158: {  	v18 =	vld [tilespmem:s1+$0x10310]  }
0x159: {  	v19 =	vld [tilespmem:s1+$0x10320]  }
0x15a: {  	v20 =	vld [tilespmem:s1+$0x10330]  }
0x15b: {  	v21 =	vld [tilespmem:s1+$0x10340]  }
0x15c: {  	v22 =	vld [tilespmem:s1+$0x10350]  }
0x15d: {  	v23 =	vld [tilespmem:s1+$0x10360]  }
0x15e: {  	v24 =	vld [tilespmem:s1+$0x10370]  }
0x15f: {  	v25 =	vld [tilespmem:s1+$0x10380]  }
0x160: {  	v26 =	vld [tilespmem:s1+$0x10390]  }
0x161: {  	v27 =	vld [tilespmem:s1+$0x103A0]  }
0x162: {  	v28 =	vld [tilespmem:s1+$0x103B0]  }
0x163: {  	v29 =	vld [tilespmem:s1+$0x103C0]  }
0x164: {  	v30 =	vld [tilespmem:s1+$0x103D0]  }
0x165: {  	[tilespmem:s1+$0x43F0] =	vst.add.f32.msk $0xffff, v0  }
0x166: {  	v0 =	vld [tilespmem:s1+$0x103E0]  }
0x167: {  	[tilespmem:s1+$0x4200] =	vst.add.f32.msk $0xffff, v1  }
0x168: {  	[tilespmem:s1+$0x4210] =	vst.add.f32.msk $0xffff, v2  }
0x169: {  	[tilespmem:s1+$0x4220] =	vst.add.f32.msk $0xffff, v3  }
0x16a: {  	[tilespmem:s1+$0x4230] =	vst.add.f32.msk $0xffff, v4  }
0x16b: {  	[tilespmem:s1+$0x4240] =	vst.add.f32.msk $0xffff, v5  }
0x16c: {  	[tilespmem:s1+$0x4250] =	vst.add.f32.msk $0xffff, v6  }
0x16d: {  	[tilespmem:s1+$0x4260] =	vst.add.f32.msk $0xffff, v7  }
0x16e: {  	[tilespmem:s1+$0x4270] =	vst.add.f32.msk $0xffff, v8  }
0x16f: {  	[tilespmem:s1+$0x4280] =	vst.add.f32.msk $0xffff, v9  }
0x170: {  	[tilespmem:s1+$0x4290] =	vst.add.f32.msk $0xffff, v10  }
0x171: {  	[tilespmem:s1+$0x42A0] =	vst.add.f32.msk $0xffff, v11  }
0x172: {  	[tilespmem:s1+$0x42B0] =	vst.add.f32.msk $0xffff, v12  }
0x173: {  	[tilespmem:s1+$0x42C0] =	vst.add.f32.msk $0xffff, v13  }
0x174: {  	[tilespmem:s1+$0x42D0] =	vst.add.f32.msk $0xffff, v14  }
0x175: {  	[tilespmem:s1+$0x42E0] =	vst.add.f32.msk $0xffff, v15  }
0x176: {  	[tilespmem:s1+$0x42F0] =	vst.add.f32.msk $0xffff, v16  }
0x177: {  	[tilespmem:s1+$0x4300] =	vst.add.f32.msk $0xffff, v17  }
0x178: {  	[tilespmem:s1+$0x4310] =	vst.add.f32.msk $0xffff, v18  }
0x179: {  	[tilespmem:s1+$0x4320] =	vst.add.f32.msk $0xffff, v19  }
0x17a: {  	[tilespmem:s1+$0x4330] =	vst.add.f32.msk $0xffff, v20  }
0x17b: {  	[tilespmem:s1+$0x4340] =	vst.add.f32.msk $0xffff, v21  }
0x17c: {  	[tilespmem:s1+$0x4350] =	vst.add.f32.msk $0xffff, v22  }
0x17d: {  	[tilespmem:s1+$0x4360] =	vst.add.f32.msk $0xffff, v23  }
0x17e: {  	[tilespmem:s1+$0x4370] =	vst.add.f32.msk $0xffff, v24  }
0x17f: {  	[tilespmem:s1+$0x4380] =	vst.add.f32.msk $0xffff, v25  }
0x180: {  	[tilespmem:s1+$0x4390] =	vst.add.f32.msk $0xffff, v26  }
0x181: {  	[tilespmem:s1+$0x43A0] =	vst.add.f32.msk $0xffff, v27  }
0x182: {  	[tilespmem:s1+$0x43B0] =	vst.add.f32.msk $0xffff, v28  }
0x183: {  	[tilespmem:s1+$0x43C0] =	vst.add.f32.msk $0xffff, v29  }
0x184: {  	s8 =	simm.s32 $0x0;
	s18 =	simm.s32 $0x800;
	[tilespmem:s1+$0x43D0] =	vst.add.f32.msk $0xffff, v30  }
.LBB2_6:
0x185: {  	s8 =	sadd.s32 $0x4, s8;
	[tilespmem:s1+$0x43E0] =	vst.add.f32.msk $0xffff, v0;
	s1 =	sshra.s32 s18, $0x2  }
0x186: {  	v0 =	vld [tilespmem:s1+$0x103F0];
	p0 =	slt.u32 s8, $0x3C  }
0x187: {  	v1 =	vld [tilespmem:s1+$0x10200]  }
0x188: {  	v2 =	vld [tilespmem:s1+$0x10210]  }
0x189: {  	v3 =	vld [tilespmem:s1+$0x10220]  }
0x18a: {  	v4 =	vld [tilespmem:s1+$0x10230]  }
0x18b: {  	[tilespmem:s1+$0x43F0] =	vst.add.f32.msk $0xffff, v0  }
0x18c: {  	v5 =	vld [tilespmem:s1+$0x10240]  }
0x18d: {  	v6 =	vld [tilespmem:s1+$0x10250]  }
0x18e: {  	v7 =	vld [tilespmem:s1+$0x10260]  }
0x18f: {  	v8 =	vld [tilespmem:s1+$0x10270]  }
0x190: {  	v9 =	vld [tilespmem:s1+$0x10280]  }
0x191: {  	v10 =	vld [tilespmem:s1+$0x10290]  }
0x192: {  	v11 =	vld [tilespmem:s1+$0x102A0]  }
0x193: {  	v12 =	vld [tilespmem:s1+$0x102B0]  }
0x194: {  	v13 =	vld [tilespmem:s1+$0x102C0]  }
0x195: {  	v14 =	vld [tilespmem:s1+$0x102D0]  }
0x196: {  	v15 =	vld [tilespmem:s1+$0x102E0]  }
0x197: {  	v16 =	vld [tilespmem:s1+$0x102F0]  }
0x198: {  	v17 =	vld [tilespmem:s1+$0x10300]  }
0x199: {  	v18 =	vld [tilespmem:s1+$0x10310]  }
0x19a: {  	v19 =	vld [tilespmem:s1+$0x10320]  }
0x19b: {  	v20 =	vld [tilespmem:s1+$0x10330]  }
0x19c: {  	v21 =	vld [tilespmem:s1+$0x10340]  }
0x19d: {  	v22 =	vld [tilespmem:s1+$0x10350]  }
0x19e: {  	v23 =	vld [tilespmem:s1+$0x10360]  }
0x19f: {  	v24 =	vld [tilespmem:s1+$0x10370]  }
0x1a0: {  	v25 =	vld [tilespmem:s1+$0x10380]  }
0x1a1: {  	v26 =	vld [tilespmem:s1+$0x10390]  }
0x1a2: {  	v27 =	vld [tilespmem:s1+$0x103A0]  }
0x1a3: {  	v28 =	vld [tilespmem:s1+$0x103B0]  }
0x1a4: {  	v29 =	vld [tilespmem:s1+$0x103C0]  }
0x1a5: {  	v30 =	vld [tilespmem:s1+$0x103D0]  }
0x1a6: {  	v0 =	vld [tilespmem:s1+$0x103E0]  }
0x1a7: {  	[tilespmem:s1+$0x4200] =	vst.add.f32.msk $0xffff, v1  }
0x1a8: {  	[tilespmem:s1+$0x4210] =	vst.add.f32.msk $0xffff, v2  }
0x1a9: {  	[tilespmem:s1+$0x4220] =	vst.add.f32.msk $0xffff, v3  }
0x1aa: {  	[tilespmem:s1+$0x4230] =	vst.add.f32.msk $0xffff, v4  }
0x1ab: {  	[tilespmem:s1+$0x4240] =	vst.add.f32.msk $0xffff, v5  }
0x1ac: {  	[tilespmem:s1+$0x4250] =	vst.add.f32.msk $0xffff, v6  }
0x1ad: {  	[tilespmem:s1+$0x4260] =	vst.add.f32.msk $0xffff, v7  }
0x1ae: {  	[tilespmem:s1+$0x4270] =	vst.add.f32.msk $0xffff, v8  }
0x1af: {  	[tilespmem:s1+$0x4280] =	vst.add.f32.msk $0xffff, v9  }
0x1b0: {  	[tilespmem:s1+$0x4290] =	vst.add.f32.msk $0xffff, v10  }
0x1b1: {  	[tilespmem:s1+$0x42A0] =	vst.add.f32.msk $0xffff, v11  }
0x1b2: {  	[tilespmem:s1+$0x42B0] =	vst.add.f32.msk $0xffff, v12  }
0x1b3: {  	[tilespmem:s1+$0x42C0] =	vst.add.f32.msk $0xffff, v13  }
0x1b4: {  	[tilespmem:s1+$0x42D0] =	vst.add.f32.msk $0xffff, v14  }
0x1b5: {  	[tilespmem:s1+$0x42E0] =	vst.add.f32.msk $0xffff, v15  }
0x1b6: {  	[tilespmem:s1+$0x42F0] =	vst.add.f32.msk $0xffff, v16  }
0x1b7: {  	[tilespmem:s1+$0x4300] =	vst.add.f32.msk $0xffff, v17  }
0x1b8: {  	[tilespmem:s1+$0x4310] =	vst.add.f32.msk $0xffff, v18  }
0x1b9: {  	[tilespmem:s1+$0x4320] =	vst.add.f32.msk $0xffff, v19  }
0x1ba: {  	[tilespmem:s1+$0x4330] =	vst.add.f32.msk $0xffff, v20  }
0x1bb: {  	[tilespmem:s1+$0x4340] =	vst.add.f32.msk $0xffff, v21  }
0x1bc: {  	[tilespmem:s1+$0x4350] =	vst.add.f32.msk $0xffff, v22  }
0x1bd: {  	[tilespmem:s1+$0x4360] =	vst.add.f32.msk $0xffff, v23  }
0x1be: {  	[tilespmem:s1+$0x4370] =	vst.add.f32.msk $0xffff, v24  }
0x1bf: {  	[tilespmem:s1+$0x4380] =	vst.add.f32.msk $0xffff, v25  }
.Ltmp2:
0x1c0: {  	[tilespmem:s1+$0x4390] =	vst.add.f32.msk $0xffff, v26;
	(pc) =	sbr.rel @p0 .LBB2_6-.Ltmp2, $4  }
0x1c1: {  	[tilespmem:s1+$0x43A0] =	vst.add.f32.msk $0xffff, v27  }
0x1c2: {  	[tilespmem:s1+$0x43B0] =	vst.add.f32.msk $0xffff, v28  }
0x1c3: {  	[tilespmem:s1+$0x43C0] =	vst.add.f32.msk $0xffff, v29  }
0x1c4: {  	s18 =	sadd.s32 $0x800, s18;
	[tilespmem:s1+$0x43D0] =	vst.add.f32.msk $0xffff, v30  }
0x1c5: {  	[tilespmem:s1+$0x43E0] =	vst.add.f32.msk $0xffff, v0  }
0x1c6: {  	s18 =	simm.s32 $0x0;
	s10 =	simm.s32 $0x4200;
	s8 =	rddreg [dreg:$0xa]  }
0x1c7: {  	[hbm4b:s8+s18] =	stream.linear.scatter [tilespmem:s10], [sflag:$0x2], $0x2000, $0x38;
	[tilespmem:$0x14200] =	vst v63  }
0x1c8: {  	_ =	swait.ge [sflag:s28], $0x2000  }
0x1c9: {  	[sflag:s28] =	ssyncset.done $0x0  }
0x1ca: {  	s1 =	simm.s32 $0x0;
	[sflag:s28] =	ssyncadd.s32 $0xFFFFE000  }
0x1cb: {  	v0 =	vld [tilespmem:s1+$0x123F0]  }
0x1cc: {  	v1 =	vld [tilespmem:s1+$0x12200]  }
0x1cd: {  	v2 =	vld [tilespmem:s1+$0x12210]  }
0x1ce: {  	v3 =	vld [tilespmem:s1+$0x12220]  }
0x1cf: {  	v4 =	vld [tilespmem:s1+$0x12230]  }
0x1d0: {  	v5 =	vld [tilespmem:s1+$0x12240]  }
0x1d1: {  	v6 =	vld [tilespmem:s1+$0x12250]  }
0x1d2: {  	v7 =	vld [tilespmem:s1+$0x12260]  }
0x1d3: {  	v8 =	vld [tilespmem:s1+$0x12270]  }
0x1d4: {  	v9 =	vld [tilespmem:s1+$0x12280]  }
0x1d5: {  	v10 =	vld [tilespmem:s1+$0x12290]  }
0x1d6: {  	v11 =	vld [tilespmem:s1+$0x122A0]  }
0x1d7: {  	v12 =	vld [tilespmem:s1+$0x122B0]  }
0x1d8: {  	v13 =	vld [tilespmem:s1+$0x122C0]  }
0x1d9: {  	v14 =	vld [tilespmem:s1+$0x122D0]  }
0x1da: {  	v15 =	vld [tilespmem:s1+$0x122E0]  }
0x1db: {  	v16 =	vld [tilespmem:s1+$0x122F0]  }
0x1dc: {  	v17 =	vld [tilespmem:s1+$0x12300]  }
0x1dd: {  	v18 =	vld [tilespmem:s1+$0x12310]  }
0x1de: {  	v19 =	vld [tilespmem:s1+$0x12320]  }
0x1df: {  	v20 =	vld [tilespmem:s1+$0x12330]  }
0x1e0: {  	v21 =	vld [tilespmem:s1+$0x12340]  }
0x1e1: {  	v22 =	vld [tilespmem:s1+$0x12350]  }
0x1e2: {  	v23 =	vld [tilespmem:s1+$0x12360]  }
0x1e3: {  	v24 =	vld [tilespmem:s1+$0x12370]  }
0x1e4: {  	v25 =	vld [tilespmem:s1+$0x12380]  }
0x1e5: {  	v26 =	vld [tilespmem:s1+$0x12390]  }
0x1e6: {  	v27 =	vld [tilespmem:s1+$0x123A0]  }
0x1e7: {  	v28 =	vld [tilespmem:s1+$0x123B0]  }
0x1e8: {  	v29 =	vld [tilespmem:s1+$0x123C0]  }
0x1e9: {  	v30 =	vld [tilespmem:s1+$0x123D0]  }
0x1ea: {  	[tilespmem:s1+$0x63F0] =	vst.add.f32.msk $0xffff, v0  }
0x1eb: {  	v0 =	vld [tilespmem:s1+$0x123E0]  }
0x1ec: {  	[tilespmem:s1+$0x6200] =	vst.add.f32.msk $0xffff, v1  }
0x1ed: {  	[tilespmem:s1+$0x6210] =	vst.add.f32.msk $0xffff, v2  }
0x1ee: {  	[tilespmem:s1+$0x6220] =	vst.add.f32.msk $0xffff, v3  }
0x1ef: {  	[tilespmem:s1+$0x6230] =	vst.add.f32.msk $0xffff, v4  }
0x1f0: {  	[tilespmem:s1+$0x6240] =	vst.add.f32.msk $0xffff, v5  }
0x1f1: {  	[tilespmem:s1+$0x6250] =	vst.add.f32.msk $0xffff, v6  }
0x1f2: {  	[tilespmem:s1+$0x6260] =	vst.add.f32.msk $0xffff, v7  }
0x1f3: {  	[tilespmem:s1+$0x6270] =	vst.add.f32.msk $0xffff, v8  }
0x1f4: {  	[tilespmem:s1+$0x6280] =	vst.add.f32.msk $0xffff, v9  }
0x1f5: {  	[tilespmem:s1+$0x6290] =	vst.add.f32.msk $0xffff, v10  }
0x1f6: {  	[tilespmem:s1+$0x62A0] =	vst.add.f32.msk $0xffff, v11  }
0x1f7: {  	[tilespmem:s1+$0x62B0] =	vst.add.f32.msk $0xffff, v12  }
0x1f8: {  	[tilespmem:s1+$0x62C0] =	vst.add.f32.msk $0xffff, v13  }
0x1f9: {  	[tilespmem:s1+$0x62D0] =	vst.add.f32.msk $0xffff, v14  }
0x1fa: {  	[tilespmem:s1+$0x62E0] =	vst.add.f32.msk $0xffff, v15  }
0x1fb: {  	[tilespmem:s1+$0x62F0] =	vst.add.f32.msk $0xffff, v16  }
0x1fc: {  	[tilespmem:s1+$0x6300] =	vst.add.f32.msk $0xffff, v17  }
0x1fd: {  	[tilespmem:s1+$0x6310] =	vst.add.f32.msk $0xffff, v18  }
0x1fe: {  	[tilespmem:s1+$0x6320] =	vst.add.f32.msk $0xffff, v19  }
0x1ff: {  	[tilespmem:s1+$0x6330] =	vst.add.f32.msk $0xffff, v20  }
0x200: {  	[tilespmem:s1+$0x6340] =	vst.add.f32.msk $0xffff, v21  }
0x201: {  	[tilespmem:s1+$0x6350] =	vst.add.f32.msk $0xffff, v22  }
0x202: {  	[tilespmem:s1+$0x6360] =	vst.add.f32.msk $0xffff, v23  }
0x203: {  	[tilespmem:s1+$0x6370] =	vst.add.f32.msk $0xffff, v24  }
0x204: {  	[tilespmem:s1+$0x6380] =	vst.add.f32.msk $0xffff, v25  }
0x205: {  	[tilespmem:s1+$0x6390] =	vst.add.f32.msk $0xffff, v26  }
0x206: {  	[tilespmem:s1+$0x63A0] =	vst.add.f32.msk $0xffff, v27  }
0x207: {  	[tilespmem:s1+$0x63B0] =	vst.add.f32.msk $0xffff, v28  }
0x208: {  	[tilespmem:s1+$0x63C0] =	vst.add.f32.msk $0xffff, v29  }
0x209: {  	s8 =	simm.s32 $0x0;
	s18 =	simm.s32 $0x800;
	[tilespmem:s1+$0x63D0] =	vst.add.f32.msk $0xffff, v30  }
.LBB2_8:
0x20a: {  	s8 =	sadd.s32 $0x4, s8;
	[tilespmem:s1+$0x63E0] =	vst.add.f32.msk $0xffff, v0;
	s1 =	sshra.s32 s18, $0x2  }
0x20b: {  	v0 =	vld [tilespmem:s1+$0x123F0];
	p0 =	slt.u32 s8, $0x3C  }
0x20c: {  	v1 =	vld [tilespmem:s1+$0x12200]  }
0x20d: {  	v2 =	vld [tilespmem:s1+$0x12210]  }
0x20e: {  	v3 =	vld [tilespmem:s1+$0x12220]  }
0x20f: {  	v4 =	vld [tilespmem:s1+$0x12230]  }
0x210: {  	[tilespmem:s1+$0x63F0] =	vst.add.f32.msk $0xffff, v0  }
0x211: {  	v5 =	vld [tilespmem:s1+$0x12240]  }
0x212: {  	v6 =	vld [tilespmem:s1+$0x12250]  }
0x213: {  	v7 =	vld [tilespmem:s1+$0x12260]  }
0x214: {  	v8 =	vld [tilespmem:s1+$0x12270]  }
0x215: {  	v9 =	vld [tilespmem:s1+$0x12280]  }
0x216: {  	v10 =	vld [tilespmem:s1+$0x12290]  }
0x217: {  	v11 =	vld [tilespmem:s1+$0x122A0]  }
0x218: {  	v12 =	vld [tilespmem:s1+$0x122B0]  }
0x219: {  	v13 =	vld [tilespmem:s1+$0x122C0]  }
0x21a: {  	v14 =	vld [tilespmem:s1+$0x122D0]  }
0x21b: {  	v15 =	vld [tilespmem:s1+$0x122E0]  }
0x21c: {  	v16 =	vld [tilespmem:s1+$0x122F0]  }
0x21d: {  	v17 =	vld [tilespmem:s1+$0x12300]  }
0x21e: {  	v18 =	vld [tilespmem:s1+$0x12310]  }
0x21f: {  	v19 =	vld [tilespmem:s1+$0x12320]  }
0x220: {  	v20 =	vld [tilespmem:s1+$0x12330]  }
0x221: {  	v21 =	vld [tilespmem:s1+$0x12340]  }
0x222: {  	v22 =	vld [tilespmem:s1+$0x12350]  }
0x223: {  	v23 =	vld [tilespmem:s1+$0x12360]  }
0x224: {  	v24 =	vld [tilespmem:s1+$0x12370]  }
0x225: {  	v25 =	vld [tilespmem:s1+$0x12380]  }
0x226: {  	v26 =	vld [tilespmem:s1+$0x12390]  }
0x227: {  	v27 =	vld [tilespmem:s1+$0x123A0]  }
0x228: {  	v28 =	vld [tilespmem:s1+$0x123B0]  }
0x229: {  	v29 =	vld [tilespmem:s1+$0x123C0]  }
0x22a: {  	v30 =	vld [tilespmem:s1+$0x123D0]  }
0x22b: {  	v0 =	vld [tilespmem:s1+$0x123E0]  }
0x22c: {  	[tilespmem:s1+$0x6200] =	vst.add.f32.msk $0xffff, v1  }
0x22d: {  	[tilespmem:s1+$0x6210] =	vst.add.f32.msk $0xffff, v2  }
0x22e: {  	[tilespmem:s1+$0x6220] =	vst.add.f32.msk $0xffff, v3  }
0x22f: {  	[tilespmem:s1+$0x6230] =	vst.add.f32.msk $0xffff, v4  }
0x230: {  	[tilespmem:s1+$0x6240] =	vst.add.f32.msk $0xffff, v5  }
0x231: {  	[tilespmem:s1+$0x6250] =	vst.add.f32.msk $0xffff, v6  }
0x232: {  	[tilespmem:s1+$0x6260] =	vst.add.f32.msk $0xffff, v7  }
0x233: {  	[tilespmem:s1+$0x6270] =	vst.add.f32.msk $0xffff, v8  }
0x234: {  	[tilespmem:s1+$0x6280] =	vst.add.f32.msk $0xffff, v9  }
0x235: {  	[tilespmem:s1+$0x6290] =	vst.add.f32.msk $0xffff, v10  }
0x236: {  	[tilespmem:s1+$0x62A0] =	vst.add.f32.msk $0xffff, v11  }
0x237: {  	[tilespmem:s1+$0x62B0] =	vst.add.f32.msk $0xffff, v12  }
0x238: {  	[tilespmem:s1+$0x62C0] =	vst.add.f32.msk $0xffff, v13  }
0x239: {  	[tilespmem:s1+$0x62D0] =	vst.add.f32.msk $0xffff, v14  }
0x23a: {  	[tilespmem:s1+$0x62E0] =	vst.add.f32.msk $0xffff, v15  }
0x23b: {  	[tilespmem:s1+$0x62F0] =	vst.add.f32.msk $0xffff, v16  }
0x23c: {  	[tilespmem:s1+$0x6300] =	vst.add.f32.msk $0xffff, v17  }
0x23d: {  	[tilespmem:s1+$0x6310] =	vst.add.f32.msk $0xffff, v18  }
0x23e: {  	[tilespmem:s1+$0x6320] =	vst.add.f32.msk $0xffff, v19  }
0x23f: {  	[tilespmem:s1+$0x6330] =	vst.add.f32.msk $0xffff, v20  }
0x240: {  	[tilespmem:s1+$0x6340] =	vst.add.f32.msk $0xffff, v21  }
0x241: {  	[tilespmem:s1+$0x6350] =	vst.add.f32.msk $0xffff, v22  }
0x242: {  	[tilespmem:s1+$0x6360] =	vst.add.f32.msk $0xffff, v23  }
0x243: {  	[tilespmem:s1+$0x6370] =	vst.add.f32.msk $0xffff, v24  }
0x244: {  	[tilespmem:s1+$0x6380] =	vst.add.f32.msk $0xffff, v25  }
.Ltmp3:
0x245: {  	[tilespmem:s1+$0x6390] =	vst.add.f32.msk $0xffff, v26;
	(pc) =	sbr.rel @p0 .LBB2_8-.Ltmp3, $4  }
0x246: {  	[tilespmem:s1+$0x63A0] =	vst.add.f32.msk $0xffff, v27  }
0x247: {  	[tilespmem:s1+$0x63B0] =	vst.add.f32.msk $0xffff, v28  }
0x248: {  	[tilespmem:s1+$0x63C0] =	vst.add.f32.msk $0xffff, v29  }
0x249: {  	s18 =	sadd.s32 $0x800, s18;
	[tilespmem:s1+$0x63D0] =	vst.add.f32.msk $0xffff, v30  }
0x24a: {  	[tilespmem:s1+$0x63E0] =	vst.add.f32.msk $0xffff, v0  }
0x24b: {  	s18 =	simm.s32 $0x0;
	s8 =	simm.s32 $0x6200;
	s10 =	rddreg [dreg:$0xb]  }
0x24c: {  	[hbm4b:s10+s18] =	stream.linear.scatter [tilespmem:s8], [sflag:$0x2], $0x2000, $0x38;
	[tilespmem:$0x14200] =	vst v63  }
0x24d: {  	_ =	swait.ge [sflag:s30], $0x2000  }
0x24e: {  	[sflag:s30] =	ssyncset.done $0x0  }
0x24f: {  	s1 =	simm.s32 $0x0;
	[sflag:s30] =	ssyncadd.s32 $0xFFFFE000  }
0x250: {  	v0 =	vld [tilespmem:s1+$0x103F0]  }
0x251: {  	v1 =	vld [tilespmem:s1+$0x10200]  }
0x252: {  	v2 =	vld [tilespmem:s1+$0x10210]  }
0x253: {  	v3 =	vld [tilespmem:s1+$0x10220]  }
0x254: {  	v4 =	vld [tilespmem:s1+$0x10230]  }
0x255: {  	v5 =	vld [tilespmem:s1+$0x10240]  }
0x256: {  	v6 =	vld [tilespmem:s1+$0x10250]  }
0x257: {  	v7 =	vld [tilespmem:s1+$0x10260]  }
0x258: {  	v8 =	vld [tilespmem:s1+$0x10270]  }
0x259: {  	v9 =	vld [tilespmem:s1+$0x10280]  }
0x25a: {  	v10 =	vld [tilespmem:s1+$0x10290]  }
0x25b: {  	v11 =	vld [tilespmem:s1+$0x102A0]  }
0x25c: {  	v12 =	vld [tilespmem:s1+$0x102B0]  }
0x25d: {  	v13 =	vld [tilespmem:s1+$0x102C0]  }
0x25e: {  	v14 =	vld [tilespmem:s1+$0x102D0]  }
0x25f: {  	v15 =	vld [tilespmem:s1+$0x102E0]  }
0x260: {  	v16 =	vld [tilespmem:s1+$0x102F0]  }
0x261: {  	v17 =	vld [tilespmem:s1+$0x10300]  }
0x262: {  	v18 =	vld [tilespmem:s1+$0x10310]  }
0x263: {  	v19 =	vld [tilespmem:s1+$0x10320]  }
0x264: {  	v20 =	vld [tilespmem:s1+$0x10330]  }
0x265: {  	v21 =	vld [tilespmem:s1+$0x10340]  }
0x266: {  	v22 =	vld [tilespmem:s1+$0x10350]  }
0x267: {  	v23 =	vld [tilespmem:s1+$0x10360]  }
0x268: {  	v24 =	vld [tilespmem:s1+$0x10370]  }
0x269: {  	v25 =	vld [tilespmem:s1+$0x10380]  }
0x26a: {  	v26 =	vld [tilespmem:s1+$0x10390]  }
0x26b: {  	v27 =	vld [tilespmem:s1+$0x103A0]  }
0x26c: {  	v28 =	vld [tilespmem:s1+$0x103B0]  }
0x26d: {  	v29 =	vld [tilespmem:s1+$0x103C0]  }
0x26e: {  	v30 =	vld [tilespmem:s1+$0x103D0]  }
0x26f: {  	[tilespmem:s1+$0x83F0] =	vst.add.f32.msk $0xffff, v0  }
0x270: {  	v0 =	vld [tilespmem:s1+$0x103E0]  }
0x271: {  	[tilespmem:s1+$0x8200] =	vst.add.f32.msk $0xffff, v1  }
0x272: {  	[tilespmem:s1+$0x8210] =	vst.add.f32.msk $0xffff, v2  }
0x273: {  	[tilespmem:s1+$0x8220] =	vst.add.f32.msk $0xffff, v3  }
0x274: {  	[tilespmem:s1+$0x8230] =	vst.add.f32.msk $0xffff, v4  }
0x275: {  	[tilespmem:s1+$0x8240] =	vst.add.f32.msk $0xffff, v5  }
0x276: {  	[tilespmem:s1+$0x8250] =	vst.add.f32.msk $0xffff, v6  }
0x277: {  	[tilespmem:s1+$0x8260] =	vst.add.f32.msk $0xffff, v7  }
0x278: {  	[tilespmem:s1+$0x8270] =	vst.add.f32.msk $0xffff, v8  }
0x279: {  	[tilespmem:s1+$0x8280] =	vst.add.f32.msk $0xffff, v9  }
0x27a: {  	[tilespmem:s1+$0x8290] =	vst.add.f32.msk $0xffff, v10  }
0x27b: {  	[tilespmem:s1+$0x82A0] =	vst.add.f32.msk $0xffff, v11  }
0x27c: {  	[tilespmem:s1+$0x82B0] =	vst.add.f32.msk $0xffff, v12  }
0x27d: {  	[tilespmem:s1+$0x82C0] =	vst.add.f32.msk $0xffff, v13  }
0x27e: {  	[tilespmem:s1+$0x82D0] =	vst.add.f32.msk $0xffff, v14  }
0x27f: {  	[tilespmem:s1+$0x82E0] =	vst.add.f32.msk $0xffff, v15  }
0x280: {  	[tilespmem:s1+$0x82F0] =	vst.add.f32.msk $0xffff, v16  }
0x281: {  	[tilespmem:s1+$0x8300] =	vst.add.f32.msk $0xffff, v17  }
0x282: {  	[tilespmem:s1+$0x8310] =	vst.add.f32.msk $0xffff, v18  }
0x283: {  	[tilespmem:s1+$0x8320] =	vst.add.f32.msk $0xffff, v19  }
0x284: {  	[tilespmem:s1+$0x8330] =	vst.add.f32.msk $0xffff, v20  }
0x285: {  	[tilespmem:s1+$0x8340] =	vst.add.f32.msk $0xffff, v21  }
0x286: {  	[tilespmem:s1+$0x8350] =	vst.add.f32.msk $0xffff, v22  }
0x287: {  	[tilespmem:s1+$0x8360] =	vst.add.f32.msk $0xffff, v23  }
0x288: {  	[tilespmem:s1+$0x8370] =	vst.add.f32.msk $0xffff, v24  }
0x289: {  	[tilespmem:s1+$0x8380] =	vst.add.f32.msk $0xffff, v25  }
0x28a: {  	[tilespmem:s1+$0x8390] =	vst.add.f32.msk $0xffff, v26  }
0x28b: {  	[tilespmem:s1+$0x83A0] =	vst.add.f32.msk $0xffff, v27  }
0x28c: {  	[tilespmem:s1+$0x83B0] =	vst.add.f32.msk $0xffff, v28  }
0x28d: {  	[tilespmem:s1+$0x83C0] =	vst.add.f32.msk $0xffff, v29  }
0x28e: {  	s8 =	simm.s32 $0x0;
	s18 =	simm.s32 $0x800;
	[tilespmem:s1+$0x83D0] =	vst.add.f32.msk $0xffff, v30  }
.LBB2_10:
0x28f: {  	s8 =	sadd.s32 $0x4, s8;
	[tilespmem:s1+$0x83E0] =	vst.add.f32.msk $0xffff, v0;
	s1 =	sshra.s32 s18, $0x2  }
0x290: {  	v0 =	vld [tilespmem:s1+$0x103F0];
	p0 =	slt.u32 s8, $0x3C  }
0x291: {  	v1 =	vld [tilespmem:s1+$0x10200]  }
0x292: {  	v2 =	vld [tilespmem:s1+$0x10210]  }
0x293: {  	v3 =	vld [tilespmem:s1+$0x10220]  }
0x294: {  	v4 =	vld [tilespmem:s1+$0x10230]  }
0x295: {  	[tilespmem:s1+$0x83F0] =	vst.add.f32.msk $0xffff, v0  }
0x296: {  	v5 =	vld [tilespmem:s1+$0x10240]  }
0x297: {  	v6 =	vld [tilespmem:s1+$0x10250]  }
0x298: {  	v7 =	vld [tilespmem:s1+$0x10260]  }
0x299: {  	v8 =	vld [tilespmem:s1+$0x10270]  }
0x29a: {  	v9 =	vld [tilespmem:s1+$0x10280]  }
0x29b: {  	v10 =	vld [tilespmem:s1+$0x10290]  }
0x29c: {  	v11 =	vld [tilespmem:s1+$0x102A0]  }
0x29d: {  	v12 =	vld [tilespmem:s1+$0x102B0]  }
0x29e: {  	v13 =	vld [tilespmem:s1+$0x102C0]  }
0x29f: {  	v14 =	vld [tilespmem:s1+$0x102D0]  }
0x2a0: {  	v15 =	vld [tilespmem:s1+$0x102E0]  }
0x2a1: {  	v16 =	vld [tilespmem:s1+$0x102F0]  }
0x2a2: {  	v17 =	vld [tilespmem:s1+$0x10300]  }
0x2a3: {  	v18 =	vld [tilespmem:s1+$0x10310]  }
0x2a4: {  	v19 =	vld [tilespmem:s1+$0x10320]  }
0x2a5: {  	v20 =	vld [tilespmem:s1+$0x10330]  }
0x2a6: {  	v21 =	vld [tilespmem:s1+$0x10340]  }
0x2a7: {  	v22 =	vld [tilespmem:s1+$0x10350]  }
0x2a8: {  	v23 =	vld [tilespmem:s1+$0x10360]  }
0x2a9: {  	v24 =	vld [tilespmem:s1+$0x10370]  }
0x2aa: {  	v25 =	vld [tilespmem:s1+$0x10380]  }
0x2ab: {  	v26 =	vld [tilespmem:s1+$0x10390]  }
0x2ac: {  	v27 =	vld [tilespmem:s1+$0x103A0]  }
0x2ad: {  	v28 =	vld [tilespmem:s1+$0x103B0]  }
0x2ae: {  	v29 =	vld [tilespmem:s1+$0x103C0]  }
0x2af: {  	v30 =	vld [tilespmem:s1+$0x103D0]  }
0x2b0: {  	v0 =	vld [tilespmem:s1+$0x103E0]  }
0x2b1: {  	[tilespmem:s1+$0x8200] =	vst.add.f32.msk $0xffff, v1  }
0x2b2: {  	[tilespmem:s1+$0x8210] =	vst.add.f32.msk $0xffff, v2  }
0x2b3: {  	[tilespmem:s1+$0x8220] =	vst.add.f32.msk $0xffff, v3  }
0x2b4: {  	[tilespmem:s1+$0x8230] =	vst.add.f32.msk $0xffff, v4  }
0x2b5: {  	[tilespmem:s1+$0x8240] =	vst.add.f32.msk $0xffff, v5  }
0x2b6: {  	[tilespmem:s1+$0x8250] =	vst.add.f32.msk $0xffff, v6  }
0x2b7: {  	[tilespmem:s1+$0x8260] =	vst.add.f32.msk $0xffff, v7  }
0x2b8: {  	[tilespmem:s1+$0x8270] =	vst.add.f32.msk $0xffff, v8  }
0x2b9: {  	[tilespmem:s1+$0x8280] =	vst.add.f32.msk $0xffff, v9  }
0x2ba: {  	[tilespmem:s1+$0x8290] =	vst.add.f32.msk $0xffff, v10  }
0x2bb: {  	[tilespmem:s1+$0x82A0] =	vst.add.f32.msk $0xffff, v11  }
0x2bc: {  	[tilespmem:s1+$0x82B0] =	vst.add.f32.msk $0xffff, v12  }
0x2bd: {  	[tilespmem:s1+$0x82C0] =	vst.add.f32.msk $0xffff, v13  }
0x2be: {  	[tilespmem:s1+$0x82D0] =	vst.add.f32.msk $0xffff, v14  }
0x2bf: {  	[tilespmem:s1+$0x82E0] =	vst.add.f32.msk $0xffff, v15  }
0x2c0: {  	[tilespmem:s1+$0x82F0] =	vst.add.f32.msk $0xffff, v16  }
0x2c1: {  	[tilespmem:s1+$0x8300] =	vst.add.f32.msk $0xffff, v17  }
0x2c2: {  	[tilespmem:s1+$0x8310] =	vst.add.f32.msk $0xffff, v18  }
0x2c3: {  	[tilespmem:s1+$0x8320] =	vst.add.f32.msk $0xffff, v19  }
0x2c4: {  	[tilespmem:s1+$0x8330] =	vst.add.f32.msk $0xffff, v20  }
0x2c5: {  	[tilespmem:s1+$0x8340] =	vst.add.f32.msk $0xffff, v21  }
0x2c6: {  	[tilespmem:s1+$0x8350] =	vst.add.f32.msk $0xffff, v22  }
0x2c7: {  	[tilespmem:s1+$0x8360] =	vst.add.f32.msk $0xffff, v23  }
0x2c8: {  	[tilespmem:s1+$0x8370] =	vst.add.f32.msk $0xffff, v24  }
0x2c9: {  	[tilespmem:s1+$0x8380] =	vst.add.f32.msk $0xffff, v25  }
.Ltmp4:
0x2ca: {  	[tilespmem:s1+$0x8390] =	vst.add.f32.msk $0xffff, v26;
	(pc) =	sbr.rel @p0 .LBB2_10-.Ltmp4, $4  }
0x2cb: {  	[tilespmem:s1+$0x83A0] =	vst.add.f32.msk $0xffff, v27  }
0x2cc: {  	[tilespmem:s1+$0x83B0] =	vst.add.f32.msk $0xffff, v28  }
0x2cd: {  	[tilespmem:s1+$0x83C0] =	vst.add.f32.msk $0xffff, v29  }
0x2ce: {  	s18 =	sadd.s32 $0x800, s18;
	[tilespmem:s1+$0x83D0] =	vst.add.f32.msk $0xffff, v30  }
0x2cf: {  	[tilespmem:s1+$0x83E0] =	vst.add.f32.msk $0xffff, v0;
	s18 =	simm.s32 $0x0;
	s8 =	simm.s32 $0x8200  }
0x2d0: {  	[hbm4b:s13+s18] =	stream.linear.scatter [tilespmem:s8], [sflag:$0x2], $0x2000, $0x38;
	[tilespmem:$0x14200] =	vst v63  }
0x2d1: {  	_ =	swait.ge [sflag:s0], $0x2000  }
0x2d2: {  	[sflag:s0] =	ssyncset.done $0x0  }
0x2d3: {  	s1 =	simm.s32 $0x0;
	[sflag:s0] =	ssyncadd.s32 $0xFFFFE000  }
0x2d4: {  	v0 =	vld [tilespmem:s1+$0x123F0]  }
0x2d5: {  	v1 =	vld [tilespmem:s1+$0x12200]  }
0x2d6: {  	v2 =	vld [tilespmem:s1+$0x12210]  }
0x2d7: {  	v3 =	vld [tilespmem:s1+$0x12220]  }
0x2d8: {  	v4 =	vld [tilespmem:s1+$0x12230]  }
0x2d9: {  	v5 =	vld [tilespmem:s1+$0x12240]  }
0x2da: {  	v6 =	vld [tilespmem:s1+$0x12250]  }
0x2db: {  	v7 =	vld [tilespmem:s1+$0x12260]  }
0x2dc: {  	v8 =	vld [tilespmem:s1+$0x12270]  }
0x2dd: {  	v9 =	vld [tilespmem:s1+$0x12280]  }
0x2de: {  	v10 =	vld [tilespmem:s1+$0x12290]  }
0x2df: {  	v11 =	vld [tilespmem:s1+$0x122A0]  }
0x2e0: {  	v12 =	vld [tilespmem:s1+$0x122B0]  }
0x2e1: {  	v13 =	vld [tilespmem:s1+$0x122C0]  }
0x2e2: {  	v14 =	vld [tilespmem:s1+$0x122D0]  }
0x2e3: {  	v15 =	vld [tilespmem:s1+$0x122E0]  }
0x2e4: {  	v16 =	vld [tilespmem:s1+$0x122F0]  }
0x2e5: {  	v17 =	vld [tilespmem:s1+$0x12300]  }
0x2e6: {  	v18 =	vld [tilespmem:s1+$0x12310]  }
0x2e7: {  	v19 =	vld [tilespmem:s1+$0x12320]  }
0x2e8: {  	v20 =	vld [tilespmem:s1+$0x12330]  }
0x2e9: {  	v21 =	vld [tilespmem:s1+$0x12340]  }
0x2ea: {  	v22 =	vld [tilespmem:s1+$0x12350]  }
0x2eb: {  	v23 =	vld [tilespmem:s1+$0x12360]  }
0x2ec: {  	v24 =	vld [tilespmem:s1+$0x12370]  }
0x2ed: {  	v25 =	vld [tilespmem:s1+$0x12380]  }
0x2ee: {  	v26 =	vld [tilespmem:s1+$0x12390]  }
0x2ef: {  	v27 =	vld [tilespmem:s1+$0x123A0]  }
0x2f0: {  	v28 =	vld [tilespmem:s1+$0x123B0]  }
0x2f1: {  	v29 =	vld [tilespmem:s1+$0x123C0]  }
0x2f2: {  	v30 =	vld [tilespmem:s1+$0x123D0]  }
0x2f3: {  	[tilespmem:s1+$0xA3F0] =	vst.add.f32.msk $0xffff, v0  }
0x2f4: {  	v0 =	vld [tilespmem:s1+$0x123E0]  }
0x2f5: {  	[tilespmem:s1+$0xA200] =	vst.add.f32.msk $0xffff, v1  }
0x2f6: {  	[tilespmem:s1+$0xA210] =	vst.add.f32.msk $0xffff, v2  }
0x2f7: {  	[tilespmem:s1+$0xA220] =	vst.add.f32.msk $0xffff, v3  }
0x2f8: {  	[tilespmem:s1+$0xA230] =	vst.add.f32.msk $0xffff, v4  }
0x2f9: {  	[tilespmem:s1+$0xA240] =	vst.add.f32.msk $0xffff, v5  }
0x2fa: {  	[tilespmem:s1+$0xA250] =	vst.add.f32.msk $0xffff, v6  }
0x2fb: {  	[tilespmem:s1+$0xA260] =	vst.add.f32.msk $0xffff, v7  }
0x2fc: {  	[tilespmem:s1+$0xA270] =	vst.add.f32.msk $0xffff, v8  }
0x2fd: {  	[tilespmem:s1+$0xA280] =	vst.add.f32.msk $0xffff, v9  }
0x2fe: {  	[tilespmem:s1+$0xA290] =	vst.add.f32.msk $0xffff, v10  }
0x2ff: {  	[tilespmem:s1+$0xA2A0] =	vst.add.f32.msk $0xffff, v11  }
0x300: {  	[tilespmem:s1+$0xA2B0] =	vst.add.f32.msk $0xffff, v12  }
0x301: {  	[tilespmem:s1+$0xA2C0] =	vst.add.f32.msk $0xffff, v13  }
0x302: {  	[tilespmem:s1+$0xA2D0] =	vst.add.f32.msk $0xffff, v14  }
0x303: {  	[tilespmem:s1+$0xA2E0] =	vst.add.f32.msk $0xffff, v15  }
0x304: {  	[tilespmem:s1+$0xA2F0] =	vst.add.f32.msk $0xffff, v16  }
0x305: {  	[tilespmem:s1+$0xA300] =	vst.add.f32.msk $0xffff, v17  }
0x306: {  	[tilespmem:s1+$0xA310] =	vst.add.f32.msk $0xffff, v18  }
0x307: {  	[tilespmem:s1+$0xA320] =	vst.add.f32.msk $0xffff, v19  }
0x308: {  	[tilespmem:s1+$0xA330] =	vst.add.f32.msk $0xffff, v20  }
0x309: {  	[tilespmem:s1+$0xA340] =	vst.add.f32.msk $0xffff, v21  }
0x30a: {  	[tilespmem:s1+$0xA350] =	vst.add.f32.msk $0xffff, v22  }
0x30b: {  	[tilespmem:s1+$0xA360] =	vst.add.f32.msk $0xffff, v23  }
0x30c: {  	[tilespmem:s1+$0xA370] =	vst.add.f32.msk $0xffff, v24  }
0x30d: {  	[tilespmem:s1+$0xA380] =	vst.add.f32.msk $0xffff, v25  }
0x30e: {  	[tilespmem:s1+$0xA390] =	vst.add.f32.msk $0xffff, v26  }
0x30f: {  	[tilespmem:s1+$0xA3A0] =	vst.add.f32.msk $0xffff, v27  }
0x310: {  	[tilespmem:s1+$0xA3B0] =	vst.add.f32.msk $0xffff, v28  }
0x311: {  	[tilespmem:s1+$0xA3C0] =	vst.add.f32.msk $0xffff, v29  }
0x312: {  	s8 =	simm.s32 $0x0;
	s18 =	simm.s32 $0x800;
	[tilespmem:s1+$0xA3D0] =	vst.add.f32.msk $0xffff, v30  }
.LBB2_12:
0x313: {  	s8 =	sadd.s32 $0x4, s8;
	[tilespmem:s1+$0xA3E0] =	vst.add.f32.msk $0xffff, v0;
	s1 =	sshra.s32 s18, $0x2  }
0x314: {  	v0 =	vld [tilespmem:s1+$0x123F0];
	p0 =	slt.u32 s8, $0x3C  }
0x315: {  	v1 =	vld [tilespmem:s1+$0x12200]  }
0x316: {  	v2 =	vld [tilespmem:s1+$0x12210]  }
0x317: {  	v3 =	vld [tilespmem:s1+$0x12220]  }
0x318: {  	v4 =	vld [tilespmem:s1+$0x12230]  }
0x319: {  	[tilespmem:s1+$0xA3F0] =	vst.add.f32.msk $0xffff, v0  }
0x31a: {  	v5 =	vld [tilespmem:s1+$0x12240]  }
0x31b: {  	v6 =	vld [tilespmem:s1+$0x12250]  }
0x31c: {  	v7 =	vld [tilespmem:s1+$0x12260]  }
0x31d: {  	v8 =	vld [tilespmem:s1+$0x12270]  }
0x31e: {  	v9 =	vld [tilespmem:s1+$0x12280]  }
0x31f: {  	v10 =	vld [tilespmem:s1+$0x12290]  }
0x320: {  	v11 =	vld [tilespmem:s1+$0x122A0]  }
0x321: {  	v12 =	vld [tilespmem:s1+$0x122B0]  }
0x322: {  	v13 =	vld [tilespmem:s1+$0x122C0]  }
0x323: {  	v14 =	vld [tilespmem:s1+$0x122D0]  }
0x324: {  	v15 =	vld [tilespmem:s1+$0x122E0]  }
0x325: {  	v16 =	vld [tilespmem:s1+$0x122F0]  }
0x326: {  	v17 =	vld [tilespmem:s1+$0x12300]  }
0x327: {  	v18 =	vld [tilespmem:s1+$0x12310]  }
0x328: {  	v19 =	vld [tilespmem:s1+$0x12320]  }
0x329: {  	v20 =	vld [tilespmem:s1+$0x12330]  }
0x32a: {  	v21 =	vld [tilespmem:s1+$0x12340]  }
0x32b: {  	v22 =	vld [tilespmem:s1+$0x12350]  }
0x32c: {  	v23 =	vld [tilespmem:s1+$0x12360]  }
0x32d: {  	v24 =	vld [tilespmem:s1+$0x12370]  }
0x32e: {  	v25 =	vld [tilespmem:s1+$0x12380]  }
0x32f: {  	v26 =	vld [tilespmem:s1+$0x12390]  }
0x330: {  	v27 =	vld [tilespmem:s1+$0x123A0]  }
0x331: {  	v28 =	vld [tilespmem:s1+$0x123B0]  }
0x332: {  	v29 =	vld [tilespmem:s1+$0x123C0]  }
0x333: {  	v30 =	vld [tilespmem:s1+$0x123D0]  }
0x334: {  	v0 =	vld [tilespmem:s1+$0x123E0]  }
0x335: {  	[tilespmem:s1+$0xA200] =	vst.add.f32.msk $0xffff, v1  }
0x336: {  	[tilespmem:s1+$0xA210] =	vst.add.f32.msk $0xffff, v2  }
0x337: {  	[tilespmem:s1+$0xA220] =	vst.add.f32.msk $0xffff, v3  }
0x338: {  	[tilespmem:s1+$0xA230] =	vst.add.f32.msk $0xffff, v4  }
0x339: {  	[tilespmem:s1+$0xA240] =	vst.add.f32.msk $0xffff, v5  }
0x33a: {  	[tilespmem:s1+$0xA250] =	vst.add.f32.msk $0xffff, v6  }
0x33b: {  	[tilespmem:s1+$0xA260] =	vst.add.f32.msk $0xffff, v7  }
0x33c: {  	[tilespmem:s1+$0xA270] =	vst.add.f32.msk $0xffff, v8  }
0x33d: {  	[tilespmem:s1+$0xA280] =	vst.add.f32.msk $0xffff, v9  }
0x33e: {  	[tilespmem:s1+$0xA290] =	vst.add.f32.msk $0xffff, v10  }
0x33f: {  	[tilespmem:s1+$0xA2A0] =	vst.add.f32.msk $0xffff, v11  }
0x340: {  	[tilespmem:s1+$0xA2B0] =	vst.add.f32.msk $0xffff, v12  }
0x341: {  	[tilespmem:s1+$0xA2C0] =	vst.add.f32.msk $0xffff, v13  }
0x342: {  	[tilespmem:s1+$0xA2D0] =	vst.add.f32.msk $0xffff, v14  }
0x343: {  	[tilespmem:s1+$0xA2E0] =	vst.add.f32.msk $0xffff, v15  }
0x344: {  	[tilespmem:s1+$0xA2F0] =	vst.add.f32.msk $0xffff, v16  }
0x345: {  	[tilespmem:s1+$0xA300] =	vst.add.f32.msk $0xffff, v17  }
0x346: {  	[tilespmem:s1+$0xA310] =	vst.add.f32.msk $0xffff, v18  }
0x347: {  	[tilespmem:s1+$0xA320] =	vst.add.f32.msk $0xffff, v19  }
0x348: {  	[tilespmem:s1+$0xA330] =	vst.add.f32.msk $0xffff, v20  }
0x349: {  	[tilespmem:s1+$0xA340] =	vst.add.f32.msk $0xffff, v21  }
0x34a: {  	[tilespmem:s1+$0xA350] =	vst.add.f32.msk $0xffff, v22  }
0x34b: {  	[tilespmem:s1+$0xA360] =	vst.add.f32.msk $0xffff, v23  }
0x34c: {  	[tilespmem:s1+$0xA370] =	vst.add.f32.msk $0xffff, v24  }
0x34d: {  	[tilespmem:s1+$0xA380] =	vst.add.f32.msk $0xffff, v25  }
.Ltmp5:
0x34e: {  	[tilespmem:s1+$0xA390] =	vst.add.f32.msk $0xffff, v26;
	(pc) =	sbr.rel @p0 .LBB2_12-.Ltmp5, $4  }
0x34f: {  	[tilespmem:s1+$0xA3A0] =	vst.add.f32.msk $0xffff, v27  }
0x350: {  	[tilespmem:s1+$0xA3B0] =	vst.add.f32.msk $0xffff, v28  }
0x351: {  	[tilespmem:s1+$0xA3C0] =	vst.add.f32.msk $0xffff, v29  }
0x352: {  	s18 =	sadd.s32 $0x800, s18;
	[tilespmem:s1+$0xA3D0] =	vst.add.f32.msk $0xffff, v30  }
0x353: {  	[tilespmem:s1+$0xA3E0] =	vst.add.f32.msk $0xffff, v0;
	s18 =	simm.s32 $0x0;
	s8 =	simm.s32 $0xA200  }
0x354: {  	[hbm4b:s14+s18] =	stream.linear.scatter [tilespmem:s8], [sflag:$0x2], $0x2000, $0x38;
	[tilespmem:$0x14200] =	vst v63  }
0x355: {  	_ =	swait.ge [sflag:s5], $0x2000  }
0x356: {  	[sflag:s5] =	ssyncset.done $0x0  }
0x357: {  	s1 =	simm.s32 $0x0;
	[sflag:s5] =	ssyncadd.s32 $0xFFFFE000  }
0x358: {  	v0 =	vld [tilespmem:s1+$0x103F0]  }
0x359: {  	v1 =	vld [tilespmem:s1+$0x10200]  }
0x35a: {  	v2 =	vld [tilespmem:s1+$0x10210]  }
0x35b: {  	v3 =	vld [tilespmem:s1+$0x10220]  }
0x35c: {  	v4 =	vld [tilespmem:s1+$0x10230]  }
0x35d: {  	v5 =	vld [tilespmem:s1+$0x10240]  }
0x35e: {  	v6 =	vld [tilespmem:s1+$0x10250]  }
0x35f: {  	v7 =	vld [tilespmem:s1+$0x10260]  }
0x360: {  	v8 =	vld [tilespmem:s1+$0x10270]  }
0x361: {  	v9 =	vld [tilespmem:s1+$0x10280]  }
0x362: {  	v10 =	vld [tilespmem:s1+$0x10290]  }
0x363: {  	v11 =	vld [tilespmem:s1+$0x102A0]  }
0x364: {  	v12 =	vld [tilespmem:s1+$0x102B0]  }
0x365: {  	v13 =	vld [tilespmem:s1+$0x102C0]  }
0x366: {  	v14 =	vld [tilespmem:s1+$0x102D0]  }
0x367: {  	v15 =	vld [tilespmem:s1+$0x102E0]  }
0x368: {  	v16 =	vld [tilespmem:s1+$0x102F0]  }
0x369: {  	v17 =	vld [tilespmem:s1+$0x10300]  }
0x36a: {  	v18 =	vld [tilespmem:s1+$0x10310]  }
0x36b: {  	v19 =	vld [tilespmem:s1+$0x10320]  }
0x36c: {  	v20 =	vld [tilespmem:s1+$0x10330]  }
0x36d: {  	v21 =	vld [tilespmem:s1+$0x10340]  }
0x36e: {  	v22 =	vld [tilespmem:s1+$0x10350]  }
0x36f: {  	v23 =	vld [tilespmem:s1+$0x10360]  }
0x370: {  	v24 =	vld [tilespmem:s1+$0x10370]  }
0x371: {  	v25 =	vld [tilespmem:s1+$0x10380]  }
0x372: {  	v26 =	vld [tilespmem:s1+$0x10390]  }
0x373: {  	v27 =	vld [tilespmem:s1+$0x103A0]  }
0x374: {  	v28 =	vld [tilespmem:s1+$0x103B0]  }
0x375: {  	v29 =	vld [tilespmem:s1+$0x103C0]  }
0x376: {  	v30 =	vld [tilespmem:s1+$0x103D0]  }
0x377: {  	[tilespmem:s1+$0xC3F0] =	vst.add.f32.msk $0xffff, v0  }
0x378: {  	v0 =	vld [tilespmem:s1+$0x103E0]  }
0x379: {  	[tilespmem:s1+$0xC200] =	vst.add.f32.msk $0xffff, v1  }
0x37a: {  	[tilespmem:s1+$0xC210] =	vst.add.f32.msk $0xffff, v2  }
0x37b: {  	[tilespmem:s1+$0xC220] =	vst.add.f32.msk $0xffff, v3  }
0x37c: {  	[tilespmem:s1+$0xC230] =	vst.add.f32.msk $0xffff, v4  }
0x37d: {  	[tilespmem:s1+$0xC240] =	vst.add.f32.msk $0xffff, v5  }
0x37e: {  	[tilespmem:s1+$0xC250] =	vst.add.f32.msk $0xffff, v6  }
0x37f: {  	[tilespmem:s1+$0xC260] =	vst.add.f32.msk $0xffff, v7  }
0x380: {  	[tilespmem:s1+$0xC270] =	vst.add.f32.msk $0xffff, v8  }
0x381: {  	[tilespmem:s1+$0xC280] =	vst.add.f32.msk $0xffff, v9  }
0x382: {  	[tilespmem:s1+$0xC290] =	vst.add.f32.msk $0xffff, v10  }
0x383: {  	[tilespmem:s1+$0xC2A0] =	vst.add.f32.msk $0xffff, v11  }
0x384: {  	[tilespmem:s1+$0xC2B0] =	vst.add.f32.msk $0xffff, v12  }
0x385: {  	[tilespmem:s1+$0xC2C0] =	vst.add.f32.msk $0xffff, v13  }
0x386: {  	[tilespmem:s1+$0xC2D0] =	vst.add.f32.msk $0xffff, v14  }
0x387: {  	[tilespmem:s1+$0xC2E0] =	vst.add.f32.msk $0xffff, v15  }
0x388: {  	[tilespmem:s1+$0xC2F0] =	vst.add.f32.msk $0xffff, v16  }
0x389: {  	[tilespmem:s1+$0xC300] =	vst.add.f32.msk $0xffff, v17  }
0x38a: {  	[tilespmem:s1+$0xC310] =	vst.add.f32.msk $0xffff, v18  }
0x38b: {  	[tilespmem:s1+$0xC320] =	vst.add.f32.msk $0xffff, v19  }
0x38c: {  	[tilespmem:s1+$0xC330] =	vst.add.f32.msk $0xffff, v20  }
0x38d: {  	[tilespmem:s1+$0xC340] =	vst.add.f32.msk $0xffff, v21  }
0x38e: {  	[tilespmem:s1+$0xC350] =	vst.add.f32.msk $0xffff, v22  }
0x38f: {  	[tilespmem:s1+$0xC360] =	vst.add.f32.msk $0xffff, v23  }
0x390: {  	[tilespmem:s1+$0xC370] =	vst.add.f32.msk $0xffff, v24  }
0x391: {  	[tilespmem:s1+$0xC380] =	vst.add.f32.msk $0xffff, v25  }
0x392: {  	[tilespmem:s1+$0xC390] =	vst.add.f32.msk $0xffff, v26  }
0x393: {  	[tilespmem:s1+$0xC3A0] =	vst.add.f32.msk $0xffff, v27  }
0x394: {  	[tilespmem:s1+$0xC3B0] =	vst.add.f32.msk $0xffff, v28  }
0x395: {  	[tilespmem:s1+$0xC3C0] =	vst.add.f32.msk $0xffff, v29  }
0x396: {  	s8 =	simm.s32 $0x0;
	s18 =	simm.s32 $0x800;
	[tilespmem:s1+$0xC3D0] =	vst.add.f32.msk $0xffff, v30  }
.LBB2_14:
0x397: {  	s8 =	sadd.s32 $0x4, s8;
	[tilespmem:s1+$0xC3E0] =	vst.add.f32.msk $0xffff, v0;
	s1 =	sshra.s32 s18, $0x2  }
0x398: {  	v0 =	vld [tilespmem:s1+$0x103F0];
	p0 =	slt.u32 s8, $0x3C  }
0x399: {  	v1 =	vld [tilespmem:s1+$0x10200]  }
0x39a: {  	v2 =	vld [tilespmem:s1+$0x10210]  }
0x39b: {  	v3 =	vld [tilespmem:s1+$0x10220]  }
0x39c: {  	v4 =	vld [tilespmem:s1+$0x10230]  }
0x39d: {  	[tilespmem:s1+$0xC3F0] =	vst.add.f32.msk $0xffff, v0  }
0x39e: {  	v5 =	vld [tilespmem:s1+$0x10240]  }
0x39f: {  	v6 =	vld [tilespmem:s1+$0x10250]  }
0x3a0: {  	v7 =	vld [tilespmem:s1+$0x10260]  }
0x3a1: {  	v8 =	vld [tilespmem:s1+$0x10270]  }
0x3a2: {  	v9 =	vld [tilespmem:s1+$0x10280]  }
0x3a3: {  	v10 =	vld [tilespmem:s1+$0x10290]  }
0x3a4: {  	v11 =	vld [tilespmem:s1+$0x102A0]  }
0x3a5: {  	v12 =	vld [tilespmem:s1+$0x102B0]  }
0x3a6: {  	v13 =	vld [tilespmem:s1+$0x102C0]  }
0x3a7: {  	v14 =	vld [tilespmem:s1+$0x102D0]  }
0x3a8: {  	v15 =	vld [tilespmem:s1+$0x102E0]  }
0x3a9: {  	v16 =	vld [tilespmem:s1+$0x102F0]  }
0x3aa: {  	v17 =	vld [tilespmem:s1+$0x10300]  }
0x3ab: {  	v18 =	vld [tilespmem:s1+$0x10310]  }
0x3ac: {  	v19 =	vld [tilespmem:s1+$0x10320]  }
0x3ad: {  	v20 =	vld [tilespmem:s1+$0x10330]  }
0x3ae: {  	v21 =	vld [tilespmem:s1+$0x10340]  }
0x3af: {  	v22 =	vld [tilespmem:s1+$0x10350]  }
0x3b0: {  	v23 =	vld [tilespmem:s1+$0x10360]  }
0x3b1: {  	v24 =	vld [tilespmem:s1+$0x10370]  }
0x3b2: {  	v25 =	vld [tilespmem:s1+$0x10380]  }
0x3b3: {  	v26 =	vld [tilespmem:s1+$0x10390]  }
0x3b4: {  	v27 =	vld [tilespmem:s1+$0x103A0]  }
0x3b5: {  	v28 =	vld [tilespmem:s1+$0x103B0]  }
0x3b6: {  	v29 =	vld [tilespmem:s1+$0x103C0]  }
0x3b7: {  	v30 =	vld [tilespmem:s1+$0x103D0]  }
0x3b8: {  	v0 =	vld [tilespmem:s1+$0x103E0]  }
0x3b9: {  	[tilespmem:s1+$0xC200] =	vst.add.f32.msk $0xffff, v1  }
0x3ba: {  	[tilespmem:s1+$0xC210] =	vst.add.f32.msk $0xffff, v2  }
0x3bb: {  	[tilespmem:s1+$0xC220] =	vst.add.f32.msk $0xffff, v3  }
0x3bc: {  	[tilespmem:s1+$0xC230] =	vst.add.f32.msk $0xffff, v4  }
0x3bd: {  	[tilespmem:s1+$0xC240] =	vst.add.f32.msk $0xffff, v5  }
0x3be: {  	[tilespmem:s1+$0xC250] =	vst.add.f32.msk $0xffff, v6  }
0x3bf: {  	[tilespmem:s1+$0xC260] =	vst.add.f32.msk $0xffff, v7  }
0x3c0: {  	[tilespmem:s1+$0xC270] =	vst.add.f32.msk $0xffff, v8  }
0x3c1: {  	[tilespmem:s1+$0xC280] =	vst.add.f32.msk $0xffff, v9  }
0x3c2: {  	[tilespmem:s1+$0xC290] =	vst.add.f32.msk $0xffff, v10  }
0x3c3: {  	[tilespmem:s1+$0xC2A0] =	vst.add.f32.msk $0xffff, v11  }
0x3c4: {  	[tilespmem:s1+$0xC2B0] =	vst.add.f32.msk $0xffff, v12  }
0x3c5: {  	[tilespmem:s1+$0xC2C0] =	vst.add.f32.msk $0xffff, v13  }
0x3c6: {  	[tilespmem:s1+$0xC2D0] =	vst.add.f32.msk $0xffff, v14  }
0x3c7: {  	[tilespmem:s1+$0xC2E0] =	vst.add.f32.msk $0xffff, v15  }
0x3c8: {  	[tilespmem:s1+$0xC2F0] =	vst.add.f32.msk $0xffff, v16  }
0x3c9: {  	[tilespmem:s1+$0xC300] =	vst.add.f32.msk $0xffff, v17  }
0x3ca: {  	[tilespmem:s1+$0xC310] =	vst.add.f32.msk $0xffff, v18  }
0x3cb: {  	[tilespmem:s1+$0xC320] =	vst.add.f32.msk $0xffff, v19  }
0x3cc: {  	[tilespmem:s1+$0xC330] =	vst.add.f32.msk $0xffff, v20  }
0x3cd: {  	[tilespmem:s1+$0xC340] =	vst.add.f32.msk $0xffff, v21  }
0x3ce: {  	[tilespmem:s1+$0xC350] =	vst.add.f32.msk $0xffff, v22  }
0x3cf: {  	[tilespmem:s1+$0xC360] =	vst.add.f32.msk $0xffff, v23  }
0x3d0: {  	[tilespmem:s1+$0xC370] =	vst.add.f32.msk $0xffff, v24  }
0x3d1: {  	[tilespmem:s1+$0xC380] =	vst.add.f32.msk $0xffff, v25  }
.Ltmp6:
0x3d2: {  	[tilespmem:s1+$0xC390] =	vst.add.f32.msk $0xffff, v26;
	(pc) =	sbr.rel @p0 .LBB2_14-.Ltmp6, $4  }
0x3d3: {  	[tilespmem:s1+$0xC3A0] =	vst.add.f32.msk $0xffff, v27  }
0x3d4: {  	[tilespmem:s1+$0xC3B0] =	vst.add.f32.msk $0xffff, v28  }
0x3d5: {  	[tilespmem:s1+$0xC3C0] =	vst.add.f32.msk $0xffff, v29  }
0x3d6: {  	s18 =	sadd.s32 $0x800, s18;
	[tilespmem:s1+$0xC3D0] =	vst.add.f32.msk $0xffff, v30  }
0x3d7: {  	[tilespmem:s1+$0xC3E0] =	vst.add.f32.msk $0xffff, v0;
	s18 =	simm.s32 $0x0;
	s8 =	simm.s32 $0xC200  }
0x3d8: {  	[hbm4b:s15+s18] =	stream.linear.scatter [tilespmem:s8], [sflag:$0x2], $0x2000, $0x38;
	[tilespmem:$0x14200] =	vst v63  }
0x3d9: {  	_ =	swait.ge [sflag:s6], $0x2000  }
0x3da: {  	[sflag:s6] =	ssyncset.done $0x0  }
0x3db: {  	s1 =	simm.s32 $0x0;
	[sflag:s6] =	ssyncadd.s32 $0xFFFFE000  }
0x3dc: {  	v0 =	vld [tilespmem:s1+$0x123F0]  }
0x3dd: {  	v1 =	vld [tilespmem:s1+$0x12200]  }
0x3de: {  	v2 =	vld [tilespmem:s1+$0x12210]  }
0x3df: {  	v3 =	vld [tilespmem:s1+$0x12220]  }
0x3e0: {  	v4 =	vld [tilespmem:s1+$0x12230]  }
0x3e1: {  	v5 =	vld [tilespmem:s1+$0x12240]  }
0x3e2: {  	v6 =	vld [tilespmem:s1+$0x12250]  }
0x3e3: {  	v7 =	vld [tilespmem:s1+$0x12260]  }
0x3e4: {  	v8 =	vld [tilespmem:s1+$0x12270]  }
0x3e5: {  	v9 =	vld [tilespmem:s1+$0x12280]  }
0x3e6: {  	v10 =	vld [tilespmem:s1+$0x12290]  }
0x3e7: {  	v11 =	vld [tilespmem:s1+$0x122A0]  }
0x3e8: {  	v12 =	vld [tilespmem:s1+$0x122B0]  }
0x3e9: {  	v13 =	vld [tilespmem:s1+$0x122C0]  }
0x3ea: {  	v14 =	vld [tilespmem:s1+$0x122D0]  }
0x3eb: {  	v15 =	vld [tilespmem:s1+$0x122E0]  }
0x3ec: {  	v16 =	vld [tilespmem:s1+$0x122F0]  }
0x3ed: {  	v17 =	vld [tilespmem:s1+$0x12300]  }
0x3ee: {  	v18 =	vld [tilespmem:s1+$0x12310]  }
0x3ef: {  	v19 =	vld [tilespmem:s1+$0x12320]  }
0x3f0: {  	v20 =	vld [tilespmem:s1+$0x12330]  }
0x3f1: {  	v21 =	vld [tilespmem:s1+$0x12340]  }
0x3f2: {  	v22 =	vld [tilespmem:s1+$0x12350]  }
0x3f3: {  	v23 =	vld [tilespmem:s1+$0x12360]  }
0x3f4: {  	v24 =	vld [tilespmem:s1+$0x12370]  }
0x3f5: {  	v25 =	vld [tilespmem:s1+$0x12380]  }
0x3f6: {  	v26 =	vld [tilespmem:s1+$0x12390]  }
0x3f7: {  	v27 =	vld [tilespmem:s1+$0x123A0]  }
0x3f8: {  	v28 =	vld [tilespmem:s1+$0x123B0]  }
0x3f9: {  	v29 =	vld [tilespmem:s1+$0x123C0]  }
0x3fa: {  	v30 =	vld [tilespmem:s1+$0x123D0]  }
0x3fb: {  	[tilespmem:s1+$0xE3F0] =	vst.add.f32.msk $0xffff, v0  }
0x3fc: {  	v0 =	vld [tilespmem:s1+$0x123E0]  }
0x3fd: {  	[tilespmem:s1+$0xE200] =	vst.add.f32.msk $0xffff, v1  }
0x3fe: {  	[tilespmem:s1+$0xE210] =	vst.add.f32.msk $0xffff, v2  }
0x3ff: {  	[tilespmem:s1+$0xE220] =	vst.add.f32.msk $0xffff, v3  }
0x400: {  	[tilespmem:s1+$0xE230] =	vst.add.f32.msk $0xffff, v4  }
0x401: {  	[tilespmem:s1+$0xE240] =	vst.add.f32.msk $0xffff, v5  }
0x402: {  	[tilespmem:s1+$0xE250] =	vst.add.f32.msk $0xffff, v6  }
0x403: {  	[tilespmem:s1+$0xE260] =	vst.add.f32.msk $0xffff, v7  }
0x404: {  	[tilespmem:s1+$0xE270] =	vst.add.f32.msk $0xffff, v8  }
0x405: {  	[tilespmem:s1+$0xE280] =	vst.add.f32.msk $0xffff, v9  }
0x406: {  	[tilespmem:s1+$0xE290] =	vst.add.f32.msk $0xffff, v10  }
0x407: {  	[tilespmem:s1+$0xE2A0] =	vst.add.f32.msk $0xffff, v11  }
0x408: {  	[tilespmem:s1+$0xE2B0] =	vst.add.f32.msk $0xffff, v12  }
0x409: {  	[tilespmem:s1+$0xE2C0] =	vst.add.f32.msk $0xffff, v13  }
0x40a: {  	[tilespmem:s1+$0xE2D0] =	vst.add.f32.msk $0xffff, v14  }
0x40b: {  	[tilespmem:s1+$0xE2E0] =	vst.add.f32.msk $0xffff, v15  }
0x40c: {  	[tilespmem:s1+$0xE2F0] =	vst.add.f32.msk $0xffff, v16  }
0x40d: {  	[tilespmem:s1+$0xE300] =	vst.add.f32.msk $0xffff, v17  }
0x40e: {  	[tilespmem:s1+$0xE310] =	vst.add.f32.msk $0xffff, v18  }
0x40f: {  	[tilespmem:s1+$0xE320] =	vst.add.f32.msk $0xffff, v19  }
0x410: {  	[tilespmem:s1+$0xE330] =	vst.add.f32.msk $0xffff, v20  }
0x411: {  	[tilespmem:s1+$0xE340] =	vst.add.f32.msk $0xffff, v21  }
0x412: {  	[tilespmem:s1+$0xE350] =	vst.add.f32.msk $0xffff, v22  }
0x413: {  	[tilespmem:s1+$0xE360] =	vst.add.f32.msk $0xffff, v23  }
0x414: {  	[tilespmem:s1+$0xE370] =	vst.add.f32.msk $0xffff, v24  }
0x415: {  	[tilespmem:s1+$0xE380] =	vst.add.f32.msk $0xffff, v25  }
0x416: {  	[tilespmem:s1+$0xE390] =	vst.add.f32.msk $0xffff, v26  }
0x417: {  	[tilespmem:s1+$0xE3A0] =	vst.add.f32.msk $0xffff, v27  }
0x418: {  	[tilespmem:s1+$0xE3B0] =	vst.add.f32.msk $0xffff, v28  }
0x419: {  	[tilespmem:s1+$0xE3C0] =	vst.add.f32.msk $0xffff, v29  }
0x41a: {  	s8 =	simm.s32 $0x0;
	s18 =	simm.s32 $0x800;
	[tilespmem:s1+$0xE3D0] =	vst.add.f32.msk $0xffff, v30  }
.LBB2_16:
0x41b: {  	s8 =	sadd.s32 $0x4, s8;
	[tilespmem:s1+$0xE3E0] =	vst.add.f32.msk $0xffff, v0;
	s1 =	sshra.s32 s18, $0x2  }
0x41c: {  	v0 =	vld [tilespmem:s1+$0x123F0];
	p0 =	slt.u32 s8, $0x3C  }
0x41d: {  	v1 =	vld [tilespmem:s1+$0x12200]  }
0x41e: {  	v2 =	vld [tilespmem:s1+$0x12210]  }
0x41f: {  	v3 =	vld [tilespmem:s1+$0x12220]  }
0x420: {  	v4 =	vld [tilespmem:s1+$0x12230]  }
0x421: {  	[tilespmem:s1+$0xE3F0] =	vst.add.f32.msk $0xffff, v0  }
0x422: {  	v5 =	vld [tilespmem:s1+$0x12240]  }
0x423: {  	v6 =	vld [tilespmem:s1+$0x12250]  }
0x424: {  	v7 =	vld [tilespmem:s1+$0x12260]  }
0x425: {  	v8 =	vld [tilespmem:s1+$0x12270]  }
0x426: {  	v9 =	vld [tilespmem:s1+$0x12280]  }
0x427: {  	v10 =	vld [tilespmem:s1+$0x12290]  }
0x428: {  	v11 =	vld [tilespmem:s1+$0x122A0]  }
0x429: {  	v12 =	vld [tilespmem:s1+$0x122B0]  }
0x42a: {  	v13 =	vld [tilespmem:s1+$0x122C0]  }
0x42b: {  	v14 =	vld [tilespmem:s1+$0x122D0]  }
0x42c: {  	v15 =	vld [tilespmem:s1+$0x122E0]  }
0x42d: {  	v16 =	vld [tilespmem:s1+$0x122F0]  }
0x42e: {  	v17 =	vld [tilespmem:s1+$0x12300]  }
0x42f: {  	v18 =	vld [tilespmem:s1+$0x12310]  }
0x430: {  	v19 =	vld [tilespmem:s1+$0x12320]  }
0x431: {  	v20 =	vld [tilespmem:s1+$0x12330]  }
0x432: {  	v21 =	vld [tilespmem:s1+$0x12340]  }
0x433: {  	v22 =	vld [tilespmem:s1+$0x12350]  }
0x434: {  	v23 =	vld [tilespmem:s1+$0x12360]  }
0x435: {  	v24 =	vld [tilespmem:s1+$0x12370]  }
0x436: {  	v25 =	vld [tilespmem:s1+$0x12380]  }
0x437: {  	v26 =	vld [tilespmem:s1+$0x12390]  }
0x438: {  	v27 =	vld [tilespmem:s1+$0x123A0]  }
0x439: {  	v28 =	vld [tilespmem:s1+$0x123B0]  }
0x43a: {  	v29 =	vld [tilespmem:s1+$0x123C0]  }
0x43b: {  	v30 =	vld [tilespmem:s1+$0x123D0]  }
0x43c: {  	v0 =	vld [tilespmem:s1+$0x123E0]  }
0x43d: {  	[tilespmem:s1+$0xE200] =	vst.add.f32.msk $0xffff, v1  }
0x43e: {  	[tilespmem:s1+$0xE210] =	vst.add.f32.msk $0xffff, v2  }
0x43f: {  	[tilespmem:s1+$0xE220] =	vst.add.f32.msk $0xffff, v3  }
0x440: {  	[tilespmem:s1+$0xE230] =	vst.add.f32.msk $0xffff, v4  }
0x441: {  	[tilespmem:s1+$0xE240] =	vst.add.f32.msk $0xffff, v5  }
0x442: {  	[tilespmem:s1+$0xE250] =	vst.add.f32.msk $0xffff, v6  }
0x443: {  	[tilespmem:s1+$0xE260] =	vst.add.f32.msk $0xffff, v7  }
0x444: {  	[tilespmem:s1+$0xE270] =	vst.add.f32.msk $0xffff, v8  }
0x445: {  	[tilespmem:s1+$0xE280] =	vst.add.f32.msk $0xffff, v9  }
0x446: {  	[tilespmem:s1+$0xE290] =	vst.add.f32.msk $0xffff, v10  }
0x447: {  	[tilespmem:s1+$0xE2A0] =	vst.add.f32.msk $0xffff, v11  }
0x448: {  	[tilespmem:s1+$0xE2B0] =	vst.add.f32.msk $0xffff, v12  }
0x449: {  	[tilespmem:s1+$0xE2C0] =	vst.add.f32.msk $0xffff, v13  }
0x44a: {  	[tilespmem:s1+$0xE2D0] =	vst.add.f32.msk $0xffff, v14  }
0x44b: {  	[tilespmem:s1+$0xE2E0] =	vst.add.f32.msk $0xffff, v15  }
0x44c: {  	[tilespmem:s1+$0xE2F0] =	vst.add.f32.msk $0xffff, v16  }
0x44d: {  	[tilespmem:s1+$0xE300] =	vst.add.f32.msk $0xffff, v17  }
0x44e: {  	[tilespmem:s1+$0xE310] =	vst.add.f32.msk $0xffff, v18  }
0x44f: {  	[tilespmem:s1+$0xE320] =	vst.add.f32.msk $0xffff, v19  }
0x450: {  	[tilespmem:s1+$0xE330] =	vst.add.f32.msk $0xffff, v20  }
0x451: {  	[tilespmem:s1+$0xE340] =	vst.add.f32.msk $0xffff, v21  }
0x452: {  	[tilespmem:s1+$0xE350] =	vst.add.f32.msk $0xffff, v22  }
0x453: {  	[tilespmem:s1+$0xE360] =	vst.add.f32.msk $0xffff, v23  }
0x454: {  	[tilespmem:s1+$0xE370] =	vst.add.f32.msk $0xffff, v24  }
0x455: {  	[tilespmem:s1+$0xE380] =	vst.add.f32.msk $0xffff, v25  }
.Ltmp7:
0x456: {  	[tilespmem:s1+$0xE390] =	vst.add.f32.msk $0xffff, v26;
	(pc) =	sbr.rel @p0 .LBB2_16-.Ltmp7, $4  }
0x457: {  	[tilespmem:s1+$0xE3A0] =	vst.add.f32.msk $0xffff, v27  }
0x458: {  	[tilespmem:s1+$0xE3B0] =	vst.add.f32.msk $0xffff, v28  }
0x459: {  	[tilespmem:s1+$0xE3C0] =	vst.add.f32.msk $0xffff, v29  }
0x45a: {  	s18 =	sadd.s32 $0x800, s18;
	[tilespmem:s1+$0xE3D0] =	vst.add.f32.msk $0xffff, v30  }
0x45b: {  	[tilespmem:s1+$0xE3E0] =	vst.add.f32.msk $0xffff, v0;
	s18 =	simm.s32 $0xE200  }
0x45c: {  	[hbm4b:s16+s3] =	stream.linear.scatter [tilespmem:s18], [sflag:$0x2], $0x2000, $0x38;
	[tilespmem:$0x14200] =	vst v63  }
0x45d: {  	_ =	swait.ge [sflag:s21], $0x2000  }
0x45e: {  	[sflag:s21] =	ssyncset.done $0x0  }
0x45f: {  	[sflag:s21] =	ssyncadd.s32 $0xFFFFE000  }
0x460: {  	_ =	swait.ge [sflag:s21], $0x2000  }
0x461: {  	[sflag:s21] =	ssyncset.done $0x0  }
0x462: {  	[sflag:s21] =	ssyncadd.s32 $0xFFFFE000  }
0x463: {  	_ =	swait.ge [sflag:s21], $0x2000  }
0x464: {  	[sflag:s21] =	ssyncset.done $0x0  }
0x465: {  	[sflag:s21] =	ssyncadd.s32 $0xFFFFE000  }
0x466: {  	_ =	swait.ge [sflag:s21], $0x2000  }
0x467: {  	[sflag:s21] =	ssyncset.done $0x0  }
0x468: {  	[sflag:s21] =	ssyncadd.s32 $0xFFFFE000  }
0x469: {  	_ =	swait.ge [sflag:s21], $0x2000  }
0x46a: {  	[sflag:s21] =	ssyncset.done $0x0  }
0x46b: {  	[sflag:s21] =	ssyncadd.s32 $0xFFFFE000  }
0x46c: {  	_ =	swait.ge [sflag:s21], $0x2000  }
0x46d: {  	[sflag:s21] =	ssyncset.done $0x0  }
0x46e: {  	s7 =	sadd.s32 $0x1, s7;
	[sflag:s21] =	ssyncadd.s32 $0xFFFFE000  }
0x46f: {  	p0 =	sne.s32 s7, s17;
	_ =	swait.ge [sflag:s21], $0x2000  }
.Ltmp8:
0x470: {  	[sflag:s21] =	ssyncset.done $0x0;
	(pc) =	sbr.rel @p0 .LBB2_1-.Ltmp8, $4  }
0x471: {  	[sflag:s21] =	ssyncadd.s32 $0xFFFFE000  }
0x472: {  	_ =	swait.ge [sflag:s21], $0x2000  }
0x473: {  	[sflag:s21] =	ssyncset.done $0x0  }
0x474: {  	[sflag:s21] =	ssyncadd.s32 $0xFFFFE000  }
0x475: {  	_ =	sfence.sel $0x180000  }
0x476: {  	[bflag:$0x0] =	sbarrier.arrive $0xFFFF  }
0x477: {  	_ =	strace $0x90000047  }
0x478: {  	s0 =	stileid.u32;
	[bflag:$0x2] =	sbarrier.arrive $0xFFFF  }
0x479: {  	p0 =	sne.s32 s0, $0x0;
	s0 =	rddreg [dreg:$0x4]  }
0x47a: {  	s0 =	sadd.s32 @!p0 $0x100000, s0  }
0x47b: {  	[sflag:s0] =	ssyncadd.tile.s32 @!p0 $0x1;
	_ =	shalt  }
.Lfunc_end2:
_tile_overlayer_lowered:
.L_overlay_start_2:
0x47c: {  	(tag) =	ssettag $0x2  }
0x47d: {  	s0 =	rddreg [dreg:$0x0];
	s2 =	stileid.u32  }
0x47e: {  	s1 =	rddreg [dreg:$0x1];
	p0 =	sne.s32 s2, $0x0  }
0x47f: {  	s3 =	rddreg [dreg:$0x2];
	[bflag:$0x3] =	sbarrier.arrive $0xFFFF;
	s2 =	simm.s32 @!p0 $0x1C0F  }
0x480: {  	[timem:s3], [sflag:s2] =	dma.local @!p0 [hbm:s0], s1  }
0x481: {  	s0 =	simm.s32 @!p0 $0xF  }
0x482: {  	_ =	swait.ge @!p0 [sflag:s0], s1  }
0x483: {  	s1 =	ssub.s32 @!p0 $0x0, s1;
	[sflag:s0] =	ssyncset.done @!p0 $0x0  }
0x484: {  	[sflag:s0] =	ssyncadd.s32 @!p0 s1  }
0x485: {  	[bflag:$0x3] =	sbarrier.arrive $0xFFFF  }
0x486: {  	_ =	shalt  }

</sc_bundles>
